<compile_context>
chip_gen: v7x
topology: tpu7x:2x2x1
jax: 0.10.2.dev20260603
libtpu: 0.0.44.dev20260713+nightly
codegen_flags: <defaults>
</compile_context>

<pallas_src>
import functools

import jax
import jax.numpy as jnp
from jax import lax
from jax.experimental import pallas as pl
from jax.experimental.pallas import tpu as pltpu
from jax.experimental.pallas import tpu_sc as plsc


def _degree_body(vmax, x_ref, deg_ref, acc_ref):
    i = pl.program_id(0)

    @pl.when(i == 0)
    def _init():
        acc_ref[...] = jnp.zeros_like(acc_ref)

    acc_ref[...] += jnp.sum(x_ref[...], axis=0, keepdims=True)

    @pl.when(i == pl.num_programs(0) - 1)
    def _fin():
        deg = jnp.ceil(acc_ref[...]).astype(jnp.int32)
        deg_ref[...] = jnp.clip(deg, 0, vmax)


def _degree(x, vmax, block_rows=200):
    n_rows, n_cols = x.shape
    grid = (pl.cdiv(n_rows, block_rows),)
    out = pl.pallas_call(
        functools.partial(_degree_body, vmax),
        grid=grid,
        in_specs=[pl.BlockSpec((block_rows, n_cols), lambda i: (i, 0))],
        out_specs=pl.BlockSpec((1, n_cols), lambda i: (0, 0)),
        out_shape=jax.ShapeDtypeStruct((1, n_cols), jnp.int32),
        scratch_shapes=[pltpu.VMEM((1, n_cols), jnp.float32)],
    )(x)
    return out.reshape(n_cols)


_LANES = 16
_NBUF = 3


def _gather_add(W, feat, deg, b_per_w=320, chunk=80):
    B, D = feat.shape
    mesh = plsc.VectorSubcoreMesh(core_axis_name="c", subcore_axis_name="s")
    n_chunks = b_per_w // chunk
    vecs_per_row = D // _LANES
    nbuf = min(_NBUF, n_chunks)

    @functools.partial(
        pl.kernel,
        mesh=mesh,
        out_type=jax.ShapeDtypeStruct((B, D), jnp.float32),
        scratch_types=[
            pltpu.VMEM((b_per_w,), jnp.int32),
            [pltpu.VMEM((chunk, D), jnp.float32) for _ in range(nbuf)],
            [pltpu.VMEM((chunk, D), jnp.float32) for _ in range(nbuf)],
            [pltpu.SemaphoreType.DMA for _ in range(nbuf)],
            [pltpu.SemaphoreType.DMA for _ in range(nbuf)],
            [pltpu.SemaphoreType.DMA for _ in range(nbuf)],
        ],
    )
    def k(w_hbm, feat_hbm, deg_hbm, out_hbm,
          idx_v, rows, featb, gsem, fsem, osem):
        wid = lax.axis_index("s") * 2 + lax.axis_index("c")
        base = jnp.minimum(wid * b_per_w, B - b_per_w)

        grs = [None] * nbuf
        frs = [None] * nbuf
        ows = [None] * nbuf

        def start_feat(c):
            buf = c % nbuf
            frs[buf] = pltpu.async_copy(
                feat_hbm.at[pl.ds(base + c * chunk, chunk)], featb[buf], fsem[buf])

        def start_gather(c):
            buf = c % nbuf
            grs[buf] = pltpu.async_copy(
                w_hbm.at[idx_v.at[pl.ds(c * chunk, chunk)]], rows[buf], gsem[buf])

        n_prime = min(nbuf - 1, n_chunks) if nbuf > 1 else 1
        for c in range(n_prime):
            start_feat(c)
        pltpu.sync_copy(deg_hbm.at[pl.ds(base, b_per_w)], idx_v)
        for c in range(n_prime):
            start_gather(c)

        for c in range(n_chunks):
            buf = c % nbuf
            nc = c + nbuf - 1
            if nbuf > 1 and nc < n_chunks:
                nbuf_i = nc % nbuf
                if ows[nbuf_i] is not None:
                    ows[nbuf_i].wait()
                    ows[nbuf_i] = None
                start_gather(nc)
                start_feat(nc)
            grs[buf].wait()
            frs[buf].wait()

            rows_ref = rows[buf]
            featb_ref = featb[buf]

            @plsc.parallel_loop(0, chunk, 1, unroll=4)
            def _row(j):
                for kk in range(vecs_per_row):
                    sl = pl.ds(kk * _LANES, _LANES)
                    plsc.addupdate(featb_ref.at[j, sl], rows_ref[j, sl])

            ows[buf] = pltpu.async_copy(
                featb[buf], out_hbm.at[pl.ds(base + c * chunk, chunk)], osem[buf])
        for d in ows:
            if d is not None:
                d.wait()

    return k(W, feat, deg)


def kernel(x, feat, W):
    deg = _degree(x, W.shape[0] - 1)
    return _gather_add(W, feat, deg)

# --- scband reference (transcript-rebuilt; emitter-appended) ---
"""Pipeline reference for scband-graph-node-feature-32195074851113 (READ-ONLY COPY).

The authoritative reference and input builder live on the scoring server;
editing this copy changes nothing except your own understanding.
"""

import jax, jax.numpy as jnp
import numpy as np

N = 10000
D = 256
NUM_DEGREE = 10001


def setup_inputs(seed: int = 0) -> dict:
    key = jax.random.key(seed)
    k1, k2, k3 = jax.random.split(key, 3)
    x = jax.random.uniform(k1, (N, N), dtype=jnp.float32)
    feat = jax.random.normal(k2, (N, D), dtype=jnp.float32)
    W = jax.random.normal(k3, (NUM_DEGREE, D), dtype=jnp.float32) * 0.02
    # padding_idx=0 in nn.Embedding -> row 0 is zeros
    W = W.at[0].set(0.0)
    return {"x": x, "feat": feat, "W": W}


def reference(x, feat, W):
    # degree = ceil(column-sum of x), cast to integer indices
    degree = jnp.ceil(jnp.sum(x, axis=0)).astype(jnp.int32)
    # enforce padding_idx=0 semantics (row 0 of table is zero)
    W0 = W.at[0].set(0.0)
    deg_emb = jnp.take(W0, degree, axis=0)
    node_feature = feat + deg_emb
    return node_feature

if __name__ == "__main__":
    import jax
    _d = setup_inputs()
    print(jax.jit(kernel)(*tuple(_d.values())))

</pallas_src>

<mosaic_0001>
#map = affine_map<(d0, d1) -> (0, 0)>
#map1 = affine_map<(d0, d1) -> (0)>
module attributes {stable_mosaic.version = 14 : i64} {
  func.func @k(%arg0: i32, %arg1: i32, %arg2: memref<10001x256xf32, #tpu.memory_space<hbm>>, %arg3: memref<10000x256xf32, #tpu.memory_space<hbm>>, %arg4: memref<10000xi32, #tpu.memory_space<hbm>>, %arg5: memref<10000x256xf32, #tpu.memory_space<hbm>>, %arg6: memref<320xi32, #tpu.memory_space<vmem>>, %arg7: memref<80x256xf32, #tpu.memory_space<vmem>>, %arg8: memref<80x256xf32, #tpu.memory_space<vmem>>, %arg9: memref<80x256xf32, #tpu.memory_space<vmem>>, %arg10: memref<80x256xf32, #tpu.memory_space<vmem>>, %arg11: memref<80x256xf32, #tpu.memory_space<vmem>>, %arg12: memref<80x256xf32, #tpu.memory_space<vmem>>, %arg13: memref<!tpu.dma_semaphore, #tpu.memory_space<semaphore_mem>>, %arg14: memref<!tpu.dma_semaphore, #tpu.memory_space<semaphore_mem>>, %arg15: memref<!tpu.dma_semaphore, #tpu.memory_space<semaphore_mem>>, %arg16: memref<!tpu.dma_semaphore, #tpu.memory_space<semaphore_mem>>, %arg17: memref<!tpu.dma_semaphore, #tpu.memory_space<semaphore_mem>>, %arg18: memref<!tpu.dma_semaphore, #tpu.memory_space<semaphore_mem>>, %arg19: memref<!tpu.dma_semaphore, #tpu.memory_space<semaphore_mem>>, %arg20: memref<!tpu.dma_semaphore, #tpu.memory_space<semaphore_mem>>, %arg21: memref<!tpu.dma_semaphore, #tpu.memory_space<semaphore_mem>>) attributes {dimension_semantics = [#tpu.dimension_semantics<core_parallel>, #tpu.dimension_semantics<subcore_parallel>], iteration_bounds = array<i64: 2, 16>, scalar_prefetch = 0 : i64, scratch_operands = 16 : i64, tpu.core_type = #tpu.core_type<sc_vector_subcore>, window_params = [{transform_indices = #map}, {transform_indices = #map}, {transform_indices = #map1}, {transform_indices = #map}]} {
    %mul3A = arith.constant 2 : i32
    %mul3A_0 = arith.muli %arg1, %mul3A : i32
    %add3A = arith.addi %mul3A_0, %arg0 : i32
    %mul3A_1 = arith.constant 320 : i32
    %mul3A_2 = arith.muli %add3A, %mul3A_1 : i32
    %min3A = arith.constant 9680 : i32
    %min3A_3 = arith.minsi %mul3A_2, %min3A : i32
    %add3A_4 = arith.constant 0 : i32
    %add3A_5 = arith.addi %min3A_3, %add3A_4 : i32
    %dma_start3A = arith.constant 0 : i32
    %dma_start3A_6 = tpu.memref_slice %arg3[%add3A_5, %dma_start3A] : memref<10000x256xf32, #tpu.memory_space<hbm>> -> memref<80x256xf32, #tpu.memory_space<hbm>>
    %dma_start3A_7 = arith.constant 0 : i32
    %dma_start3A_8 = tpu.memref_slice %arg3[%add3A_5, %dma_start3A_7] : memref<10000x256xf32, #tpu.memory_space<hbm>> -> memref<80x256xf32, #tpu.memory_space<hbm>>
    tpu.enqueue_dma source(%dma_start3A_8 : memref<80x256xf32, #tpu.memory_space<hbm>>) target(%arg10 : memref<80x256xf32, #tpu.memory_space<vmem>>) target_semaphore(%arg16 : memref<!tpu.dma_semaphore, #tpu.memory_space<semaphore_mem>>)
    %add3A_9 = arith.constant 80 : i32
    %add3A_10 = arith.addi %min3A_3, %add3A_9 : i32
    %dma_start3A_11 = arith.constant 0 : i32
    %dma_start3A_12 = tpu.memref_slice %arg3[%add3A_10, %dma_start3A_11] : memref<10000x256xf32, #tpu.memory_space<hbm>> -> memref<80x256xf32, #tpu.memory_space<hbm>>
    %dma_start3A_13 = arith.constant 0 : i32
    %dma_start3A_14 = tpu.memref_slice %arg3[%add3A_10, %dma_start3A_13] : memref<10000x256xf32, #tpu.memory_space<hbm>> -> memref<80x256xf32, #tpu.memory_space<hbm>>
    tpu.enqueue_dma source(%dma_start3A_14 : memref<80x256xf32, #tpu.memory_space<hbm>>) target(%arg11 : memref<80x256xf32, #tpu.memory_space<vmem>>) target_semaphore(%arg17 : memref<!tpu.dma_semaphore, #tpu.memory_space<semaphore_mem>>)
    "tpu.region"() ({
      %run_scoped3A = tpu.sem_alloc : memref<!tpu.dma_semaphore, #tpu.memory_space<semaphore_mem>>
      %dma_start3A_133 = tpu.memref_slice %arg4[%min3A_3] : memref<10000xi32, #tpu.memory_space<hbm>> -> memref<320xi32, #tpu.memory_space<hbm>>
      %dma_start3A_134 = tpu.memref_slice %arg4[%min3A_3] : memref<10000xi32, #tpu.memory_space<hbm>> -> memref<320xi32, #tpu.memory_space<hbm>>
      tpu.enqueue_dma source(%dma_start3A_134 : memref<320xi32, #tpu.memory_space<hbm>>) target(%arg6 : memref<320xi32, #tpu.memory_space<vmem>>) target_semaphore(%run_scoped3A : memref<!tpu.dma_semaphore, #tpu.memory_space<semaphore_mem>>)
      %dma_wait3A_135 = tpu.memref_slice %arg4[%min3A_3] : memref<10000xi32, #tpu.memory_space<hbm>> -> memref<320xi32, #tpu.memory_space<hbm>>
      %dma_wait3A_136 = tpu.memref_slice %arg4[%min3A_3] : memref<10000xi32, #tpu.memory_space<hbm>> -> memref<320xi32, #tpu.memory_space<hbm>>
      tpu.wait_dma2 semaphore(%run_scoped3A : memref<!tpu.dma_semaphore, #tpu.memory_space<semaphore_mem>>) src(%dma_wait3A_136 : memref<320xi32, #tpu.memory_space<hbm>>) dst(%arg6 : memref<320xi32, #tpu.memory_space<vmem>>)
      tpu.yield
    }) : () -> ()
    %dma_start3A_15 = arith.constant 0 : i32
    %dma_start3A_16 = tpu.memref_slice %arg6[%dma_start3A_15] : memref<320xi32, #tpu.memory_space<vmem>> -> memref<80xi32, #tpu.memory_space<vmem>>
    %dma_start3A_17 = arith.constant 0 : i32
    %dma_start3A_18 = arith.constant 0 : i32
    %dma_start3A_19 = tpu.memref_slice %arg2[%dma_start3A_17, %dma_start3A_18] : memref<10001x256xf32, #tpu.memory_space<hbm>> -> memref<10001x256xf32, #tpu.memory_space<hbm>>
    tpu.enqueue_indirect_dma source(%dma_start3A_19 : memref<10001x256xf32, #tpu.memory_space<hbm>>) target(%arg7 : memref<80x256xf32, #tpu.memory_space<vmem>>) offsets(%dma_start3A_16 : memref<80xi32, #tpu.memory_space<vmem>>) semaphore(%arg13 : memref<!tpu.dma_semaphore, #tpu.memory_space<semaphore_mem>>)
    %dma_start3A_20 = arith.constant 80 : i32
    %dma_start3A_21 = tpu.memref_slice %arg6[%dma_start3A_20] : memref<320xi32, #tpu.memory_space<vmem>> -> memref<80xi32, #tpu.memory_space<vmem>>
    %dma_start3A_22 = arith.constant 0 : i32
    %dma_start3A_23 = arith.constant 0 : i32
    %dma_start3A_24 = tpu.memref_slice %arg2[%dma_start3A_22, %dma_start3A_23] : memref<10001x256xf32, #tpu.memory_space<hbm>> -> memref<10001x256xf32, #tpu.memory_space<hbm>>
    tpu.enqueue_indirect_dma source(%dma_start3A_24 : memref<10001x256xf32, #tpu.memory_space<hbm>>) target(%arg8 : memref<80x256xf32, #tpu.memory_space<vmem>>) offsets(%dma_start3A_21 : memref<80xi32, #tpu.memory_space<vmem>>) semaphore(%arg14 : memref<!tpu.dma_semaphore, #tpu.memory_space<semaphore_mem>>)
    %dma_start3A_25 = arith.constant 160 : i32
    %dma_start3A_26 = tpu.memref_slice %arg6[%dma_start3A_25] : memref<320xi32, #tpu.memory_space<vmem>> -> memref<80xi32, #tpu.memory_space<vmem>>
    %dma_start3A_27 = arith.constant 0 : i32
    %dma_start3A_28 = arith.constant 0 : i32
    %dma_start3A_29 = tpu.memref_slice %arg2[%dma_start3A_27, %dma_start3A_28] : memref<10001x256xf32, #tpu.memory_space<hbm>> -> memref<10001x256xf32, #tpu.memory_space<hbm>>
    tpu.enqueue_indirect_dma source(%dma_start3A_29 : memref<10001x256xf32, #tpu.memory_space<hbm>>) target(%arg9 : memref<80x256xf32, #tpu.memory_space<vmem>>) offsets(%dma_start3A_26 : memref<80xi32, #tpu.memory_space<vmem>>) semaphore(%arg15 : memref<!tpu.dma_semaphore, #tpu.memory_space<semaphore_mem>>)
    %add3A_30 = arith.constant 160 : i32
    %add3A_31 = arith.addi %min3A_3, %add3A_30 : i32
    %dma_start3A_32 = arith.constant 0 : i32
    %dma_start3A_33 = tpu.memref_slice %arg3[%add3A_31, %dma_start3A_32] : memref<10000x256xf32, #tpu.memory_space<hbm>> -> memref<80x256xf32, #tpu.memory_space<hbm>>
    %dma_start3A_34 = arith.constant 0 : i32
    %dma_start3A_35 = tpu.memref_slice %arg3[%add3A_31, %dma_start3A_34] : memref<10000x256xf32, #tpu.memory_space<hbm>> -> memref<80x256xf32, #tpu.memory_space<hbm>>
    tpu.enqueue_dma source(%dma_start3A_35 : memref<80x256xf32, #tpu.memory_space<hbm>>) target(%arg12 : memref<80x256xf32, #tpu.memory_space<vmem>>) target_semaphore(%arg18 : memref<!tpu.dma_semaphore, #tpu.memory_space<semaphore_mem>>)
    %dma_wait3A = arith.constant 0 : i32
    %dma_wait3A_36 = tpu.memref_slice %arg6[%dma_wait3A] : memref<320xi32, #tpu.memory_space<vmem>> -> memref<80xi32, #tpu.memory_space<vmem>>
    %dma_wait3A_37 = arith.constant 0 : i32
    %dma_wait3A_38 = arith.constant 0 : i32
    %dma_wait3A_39 = tpu.memref_slice %arg2[%dma_wait3A_37, %dma_wait3A_38] : memref<10001x256xf32, #tpu.memory_space<hbm>> -> memref<10001x256xf32, #tpu.memory_space<hbm>>
    tpu.wait_indirect_dma semaphore(%arg13 : memref<!tpu.dma_semaphore, #tpu.memory_space<semaphore_mem>>) src(%dma_wait3A_39 : memref<10001x256xf32, #tpu.memory_space<hbm>>) dst(%arg7 : memref<80x256xf32, #tpu.memory_space<vmem>>)
    %dma_wait3A_40 = arith.constant 0 : i32
    %dma_wait3A_41 = tpu.memref_slice %arg3[%add3A_5, %dma_wait3A_40] : memref<10000x256xf32, #tpu.memory_space<hbm>> -> memref<80x256xf32, #tpu.memory_space<hbm>>
    %dma_wait3A_42 = arith.constant 0 : i32
    %dma_wait3A_43 = tpu.memref_slice %arg3[%add3A_5, %dma_wait3A_42] : memref<10000x256xf32, #tpu.memory_space<hbm>> -> memref<80x256xf32, #tpu.memory_space<hbm>>
    tpu.wait_dma2 semaphore(%arg16 : memref<!tpu.dma_semaphore, #tpu.memory_space<semaphore_mem>>) src(%dma_wait3A_43 : memref<80x256xf32, #tpu.memory_space<hbm>>) dst(%arg10 : memref<80x256xf32, #tpu.memory_space<vmem>>)
    %parallel_loop3A = arith.constant 0 : i32
    %parallel_loop3A_44 = arith.constant 80 : i32
    %parallel_loop3A_45 = arith.constant 1 : i32
    scf.for %parallel_loop3A_133 = %parallel_loop3A to %parallel_loop3A_44 step %parallel_loop3A_45  : i32 {
      %parallel_loop3A_134 = arith.index_cast %parallel_loop3A_133 : i32 to index
      %parallel_loop3A_135 = arith.constant 0 : index
      %parallel_loop3A_136 = tpu.vector_load %arg7[%parallel_loop3A_134, %parallel_loop3A_135] {strides = array<i32>} : memref<80x256xf32, #tpu.memory_space<vmem>>, vector<1x16xf32>,
      %parallel_loop3A_137 = vector.shape_cast %parallel_loop3A_136 : vector<1x16xf32> to vector<16xf32>
      %parallel_loop3A_138 = arith.index_cast %parallel_loop3A_133 : i32 to index
      %parallel_loop3A_139 = arith.constant 0 : index
      %parallel_loop3A_140 = tpu.vector_load %arg10[%parallel_loop3A_138, %parallel_loop3A_139] {strides = array<i32>} : memref<80x256xf32, #tpu.memory_space<vmem>>, vector<1x16xf32>,
      %parallel_loop3A_141 = vector.shape_cast %parallel_loop3A_140 : vector<1x16xf32> to vector<16xf32>
      %parallel_loop3A_142 = vector.shape_cast %parallel_loop3A_137 : vector<16xf32> to vector<1x16xf32>
      tpu.vector_store %arg10[%parallel_loop3A_138, %parallel_loop3A_139], %parallel_loop3A_142 {add = true, strides = array<i32>} : memref<80x256xf32, #tpu.memory_space<vmem>>, vector<1x16xf32>,
      %parallel_loop3A_143 = arith.index_cast %parallel_loop3A_133 : i32 to index
      %parallel_loop3A_144 = arith.constant 16 : index
      %parallel_loop3A_145 = tpu.vector_load %arg7[%parallel_loop3A_143, %parallel_loop3A_144] {strides = array<i32>} : memref<80x256xf32, #tpu.memory_space<vmem>>, vector<1x16xf32>,
      %parallel_loop3A_146 = vector.shape_cast %parallel_loop3A_145 : vector<1x16xf32> to vector<16xf32>
      %parallel_loop3A_147 = arith.index_cast %parallel_loop3A_133 : i32 to index
      %parallel_loop3A_148 = arith.constant 16 : index
      %parallel_loop3A_149 = tpu.vector_load %arg10[%parallel_loop3A_147, %parallel_loop3A_148] {strides = array<i32>} : memref<80x256xf32, #tpu.memory_space<vmem>>, vector<1x16xf32>,
      %parallel_loop3A_150 = vector.shape_cast %parallel_loop3A_149 : vector<1x16xf32> to vector<16xf32>
      %parallel_loop3A_151 = vector.shape_cast %parallel_loop3A_146 : vector<16xf32> to vector<1x16xf32>
      tpu.vector_store %arg10[%parallel_loop3A_147, %parallel_loop3A_148], %parallel_loop3A_151 {add = true, strides = array<i32>} : memref<80x256xf32, #tpu.memory_space<vmem>>, vector<1x16xf32>,
      %parallel_loop3A_152 = arith.index_cast %parallel_loop3A_133 : i32 to index
      %parallel_loop3A_153 = arith.constant 32 : index
      %parallel_loop3A_154 = tpu.vector_load %arg7[%parallel_loop3A_152, %parallel_loop3A_153] {strides = array<i32>} : memref<80x256xf32, #tpu.memory_space<vmem>>, vector<1x16xf32>,
      %parallel_loop3A_155 = vector.shape_cast %parallel_loop3A_154 : vector<1x16xf32> to vector<16xf32>
      %parallel_loop3A_156 = arith.index_cast %parallel_loop3A_133 : i32 to index
      %parallel_loop3A_157 = arith.constant 32 : index
      %parallel_loop3A_158 = tpu.vector_load %arg10[%parallel_loop3A_156, %parallel_loop3A_157] {strides = array<i32>} : memref<80x256xf32, #tpu.memory_space<vmem>>, vector<1x16xf32>,
      %parallel_loop3A_159 = vector.shape_cast %parallel_loop3A_158 : vector<1x16xf32> to vector<16xf32>
      %parallel_loop3A_160 = vector.shape_cast %parallel_loop3A_155 : vector<16xf32> to vector<1x16xf32>
      tpu.vector_store %arg10[%parallel_loop3A_156, %parallel_loop3A_157], %parallel_loop3A_160 {add = true, strides = array<i32>} : memref<80x256xf32, #tpu.memory_space<vmem>>, vector<1x16xf32>,
      %parallel_loop3A_161 = arith.index_cast %parallel_loop3A_133 : i32 to index
      %parallel_loop3A_162 = arith.constant 48 : index
      %parallel_loop3A_163 = tpu.vector_load %arg7[%parallel_loop3A_161, %parallel_loop3A_162] {strides = array<i32>} : memref<80x256xf32, #tpu.memory_space<vmem>>, vector<1x16xf32>,
      %parallel_loop3A_164 = vector.shape_cast %parallel_loop3A_163 : vector<1x16xf32> to vector<16xf32>
      %parallel_loop3A_165 = arith.index_cast %parallel_loop3A_133 : i32 to index
      %parallel_loop3A_166 = arith.constant 48 : index
      %parallel_loop3A_167 = tpu.vector_load %arg10[%parallel_loop3A_165, %parallel_loop3A_166] {strides = array<i32>} : memref<80x256xf32, #tpu.memory_space<vmem>>, vector<1x16xf32>,
      %parallel_loop3A_168 = vector.shape_cast %parallel_loop3A_167 : vector<1x16xf32> to vector<16xf32>
      %parallel_loop3A_169 = vector.shape_cast %parallel_loop3A_164 : vector<16xf32> to vector<1x16xf32>
      tpu.vector_store %arg10[%parallel_loop3A_165, %parallel_loop3A_166], %parallel_loop3A_169 {add = true, strides = array<i32>} : memref<80x256xf32, #tpu.memory_space<vmem>>, vector<1x16xf32>,
      %parallel_loop3A_170 = arith.index_cast %parallel_loop3A_133 : i32 to index
      %parallel_loop3A_171 = arith.constant 64 : index
      %parallel_loop3A_172 = tpu.vector_load %arg7[%parallel_loop3A_170, %parallel_loop3A_171] {strides = array<i32>} : memref<80x256xf32, #tpu.memory_space<vmem>>, vector<1x16xf32>,
      %parallel_loop3A_173 = vector.shape_cast %parallel_loop3A_172 : vector<1x16xf32> to vector<16xf32>
      %parallel_loop3A_174 = arith.index_cast %parallel_loop3A_133 : i32 to index
      %parallel_loop3A_175 = arith.constant 64 : index
      %parallel_loop3A_176 = tpu.vector_load %arg10[%parallel_loop3A_174, %parallel_loop3A_175] {strides = array<i32>} : memref<80x256xf32, #tpu.memory_space<vmem>>, vector<1x16xf32>,
      %parallel_loop3A_177 = vector.shape_cast %parallel_loop3A_176 : vector<1x16xf32> to vector<16xf32>
      %parallel_loop3A_178 = vector.shape_cast %parallel_loop3A_173 : vector<16xf32> to vector<1x16xf32>
      tpu.vector_store %arg10[%parallel_loop3A_174, %parallel_loop3A_175], %parallel_loop3A_178 {add = true, strides = array<i32>} : memref<80x256xf32, #tpu.memory_space<vmem>>, vector<1x16xf32>,
      %parallel_loop3A_179 = arith.index_cast %parallel_loop3A_133 : i32 to index
      %parallel_loop3A_180 = arith.constant 80 : index
      %parallel_loop3A_181 = tpu.vector_load %arg7[%parallel_loop3A_179, %parallel_loop3A_180] {strides = array<i32>} : memref<80x256xf32, #tpu.memory_space<vmem>>, vector<1x16xf32>,
      %parallel_loop3A_182 = vector.shape_cast %parallel_loop3A_181 : vector<1x16xf32> to vector<16xf32>
      %parallel_loop3A_183 = arith.index_cast %parallel_loop3A_133 : i32 to index
      %parallel_loop3A_184 = arith.constant 80 : index
      %parallel_loop3A_185 = tpu.vector_load %arg10[%parallel_loop3A_183, %parallel_loop3A_184] {strides = array<i32>} : memref<80x256xf32, #tpu.memory_space<vmem>>, vector<1x16xf32>,
      %parallel_loop3A_186 = vector.shape_cast %parallel_loop3A_185 : vector<1x16xf32> to vector<16xf32>
      %parallel_loop3A_187 = vector.shape_cast %parallel_loop3A_182 : vector<16xf32> to vector<1x16xf32>
      tpu.vector_store %arg10[%parallel_loop3A_183, %parallel_loop3A_184], %parallel_loop3A_187 {add = true, strides = array<i32>} : memref<80x256xf32, #tpu.memory_space<vmem>>, vector<1x16xf32>,
      %parallel_loop3A_188 = arith.index_cast %parallel_loop3A_133 : i32 to index
      %parallel_loop3A_189 = arith.constant 96 : index
      %parallel_loop3A_190 = tpu.vector_load %arg7[%parallel_loop3A_188, %parallel_loop3A_189] {strides = array<i32>} : memref<80x256xf32, #tpu.memory_space<vmem>>, vector<1x16xf32>,
      %parallel_loop3A_191 = vector.shape_cast %parallel_loop3A_190 : vector<1x16xf32> to vector<16xf32>
      %parallel_loop3A_192 = arith.index_cast %parallel_loop3A_133 : i32 to index
      %parallel_loop3A_193 = arith.constant 96 : index
      %parallel_loop3A_194 = tpu.vector_load %arg10[%parallel_loop3A_192, %parallel_loop3A_193] {strides = array<i32>} : memref<80x256xf32, #tpu.memory_space<vmem>>, vector<1x16xf32>,
      %parallel_loop3A_195 = vector.shape_cast %parallel_loop3A_194 : vector<1x16xf32> to vector<16xf32>
      %parallel_loop3A_196 = vector.shape_cast %parallel_loop3A_191 : vector<16xf32> to vector<1x16xf32>
      tpu.vector_store %arg10[%parallel_loop3A_192, %parallel_loop3A_193], %parallel_loop3A_196 {add = true, strides = array<i32>} : memref<80x256xf32, #tpu.memory_space<vmem>>, vector<1x16xf32>,
      %parallel_loop3A_197 = arith.index_cast %parallel_loop3A_133 : i32 to index
      %parallel_loop3A_198 = arith.constant 112 : index
      %parallel_loop3A_199 = tpu.vector_load %arg7[%parallel_loop3A_197, %parallel_loop3A_198] {strides = array<i32>} : memref<80x256xf32, #tpu.memory_space<vmem>>, vector<1x16xf32>,
      %parallel_loop3A_200 = vector.shape_cast %parallel_loop3A_199 : vector<1x16xf32> to vector<16xf32>
      %parallel_loop3A_201 = arith.index_cast %parallel_loop3A_133 : i32 to index
      %parallel_loop3A_202 = arith.constant 112 : index
      %parallel_loop3A_203 = tpu.vector_load %arg10[%parallel_loop3A_201, %parallel_loop3A_202] {strides = array<i32>} : memref<80x256xf32, #tpu.memory_space<vmem>>, vector<1x16xf32>,
      %parallel_loop3A_204 = vector.shape_cast %parallel_loop3A_203 : vector<1x16xf32> to vector<16xf32>
      %parallel_loop3A_205 = vector.shape_cast %parallel_loop3A_200 : vector<16xf32> to vector<1x16xf32>
      tpu.vector_store %arg10[%parallel_loop3A_201, %parallel_loop3A_202], %parallel_loop3A_205 {add = true, strides = array<i32>} : memref<80x256xf32, #tpu.memory_space<vmem>>, vector<1x16xf32>,
      %parallel_loop3A_206 = arith.index_cast %parallel_loop3A_133 : i32 to index
      %parallel_loop3A_207 = arith.constant 128 : index
      %parallel_loop3A_208 = tpu.vector_load %arg7[%parallel_loop3A_206, %parallel_loop3A_207] {strides = array<i32>} : memref<80x256xf32, #tpu.memory_space<vmem>>, vector<1x16xf32>,
      %parallel_loop3A_209 = vector.shape_cast %parallel_loop3A_208 : vector<1x16xf32> to vector<16xf32>
      %parallel_loop3A_210 = arith.index_cast %parallel_loop3A_133 : i32 to index
      %parallel_loop3A_211 = arith.constant 128 : index
      %parallel_loop3A_212 = tpu.vector_load %arg10[%parallel_loop3A_210, %parallel_loop3A_211] {strides = array<i32>} : memref<80x256xf32, #tpu.memory_space<vmem>>, vector<1x16xf32>,
      %parallel_loop3A_213 = vector.shape_cast %parallel_loop3A_212 : vector<1x16xf32> to vector<16xf32>
      %parallel_loop3A_214 = vector.shape_cast %parallel_loop3A_209 : vector<16xf32> to vector<1x16xf32>
      tpu.vector_store %arg10[%parallel_loop3A_210, %parallel_loop3A_211], %parallel_loop3A_214 {add = true, strides = array<i32>} : memref<80x256xf32, #tpu.memory_space<vmem>>, vector<1x16xf32>,
      %parallel_loop3A_215 = arith.index_cast %parallel_loop3A_133 : i32 to index
      %parallel_loop3A_216 = arith.constant 144 : index
      %parallel_loop3A_217 = tpu.vector_load %arg7[%parallel_loop3A_215, %parallel_loop3A_216] {strides = array<i32>} : memref<80x256xf32, #tpu.memory_space<vmem>>, vector<1x16xf32>,
      %parallel_loop3A_218 = vector.shape_cast %parallel_loop3A_217 : vector<1x16xf32> to vector<16xf32>
      %parallel_loop3A_219 = arith.index_cast %parallel_loop3A_133 : i32 to index
      %parallel_loop3A_220 = arith.constant 144 : index
      %parallel_loop3A_221 = tpu.vector_load %arg10[%parallel_loop3A_219, %parallel_loop3A_220] {strides = array<i32>} : memref<80x256xf32, #tpu.memory_space<vmem>>, vector<1x16xf32>,
      %parallel_loop3A_222 = vector.shape_cast %parallel_loop3A_221 : vector<1x16xf32> to vector<16xf32>
      %parallel_loop3A_223 = vector.shape_cast %parallel_loop3A_218 : vector<16xf32> to vector<1x16xf32>
      tpu.vector_store %arg10[%parallel_loop3A_219, %parallel_loop3A_220], %parallel_loop3A_223 {add = true, strides = array<i32>} : memref<80x256xf32, #tpu.memory_space<vmem>>, vector<1x16xf32>,
      %parallel_loop3A_224 = arith.index_cast %parallel_loop3A_133 : i32 to index
      %parallel_loop3A_225 = arith.constant 160 : index
      %parallel_loop3A_226 = tpu.vector_load %arg7[%parallel_loop3A_224, %parallel_loop3A_225] {strides = array<i32>} : memref<80x256xf32, #tpu.memory_space<vmem>>, vector<1x16xf32>,
      %parallel_loop3A_227 = vector.shape_cast %parallel_loop3A_226 : vector<1x16xf32> to vector<16xf32>
      %parallel_loop3A_228 = arith.index_cast %parallel_loop3A_133 : i32 to index
      %parallel_loop3A_229 = arith.constant 160 : index
      %parallel_loop3A_230 = tpu.vector_load %arg10[%parallel_loop3A_228, %parallel_loop3A_229] {strides = array<i32>} : memref<80x256xf32, #tpu.memory_space<vmem>>, vector<1x16xf32>,
      %parallel_loop3A_231 = vector.shape_cast %parallel_loop3A_230 : vector<1x16xf32> to vector<16xf32>
      %parallel_loop3A_232 = vector.shape_cast %parallel_loop3A_227 : vector<16xf32> to vector<1x16xf32>
      tpu.vector_store %arg10[%parallel_loop3A_228, %parallel_loop3A_229], %parallel_loop3A_232 {add = true, strides = array<i32>} : memref<80x256xf32, #tpu.memory_space<vmem>>, vector<1x16xf32>,
      %parallel_loop3A_233 = arith.index_cast %parallel_loop3A_133 : i32 to index
      %parallel_loop3A_234 = arith.constant 176 : index
      %parallel_loop3A_235 = tpu.vector_load %arg7[%parallel_loop3A_233, %parallel_loop3A_234] {strides = array<i32>} : memref<80x256xf32, #tpu.memory_space<vmem>>, vector<1x16xf32>,
      %parallel_loop3A_236 = vector.shape_cast %parallel_loop3A_235 : vector<1x16xf32> to vector<16xf32>
      %parallel_loop3A_237 = arith.index_cast %parallel_loop3A_133 : i32 to index
      %parallel_loop3A_238 = arith.constant 176 : index
      %parallel_loop3A_239 = tpu.vector_load %arg10[%parallel_loop3A_237, %parallel_loop3A_238] {strides = array<i32>} : memref<80x256xf32, #tpu.memory_space<vmem>>, vector<1x16xf32>,
      %parallel_loop3A_240 = vector.shape_cast %parallel_loop3A_239 : vector<1x16xf32> to vector<16xf32>
      %parallel_loop3A_241 = vector.shape_cast %parallel_loop3A_236 : vector<16xf32> to vector<1x16xf32>
      tpu.vector_store %arg10[%parallel_loop3A_237, %parallel_loop3A_238], %parallel_loop3A_241 {add = true, strides = array<i32>} : memref<80x256xf32, #tpu.memory_space<vmem>>, vector<1x16xf32>,
      %parallel_loop3A_242 = arith.index_cast %parallel_loop3A_133 : i32 to index
      %parallel_loop3A_243 = arith.constant 192 : index
      %parallel_loop3A_244 = tpu.vector_load %arg7[%parallel_loop3A_242, %parallel_loop3A_243] {strides = array<i32>} : memref<80x256xf32, #tpu.memory_space<vmem>>, vector<1x16xf32>,
      %parallel_loop3A_245 = vector.shape_cast %parallel_loop3A_244 : vector<1x16xf32> to vector<16xf32>
      %parallel_loop3A_246 = arith.index_cast %parallel_loop3A_133 : i32 to index
      %parallel_loop3A_247 = arith.constant 192 : index
      %parallel_loop3A_248 = tpu.vector_load %arg10[%parallel_loop3A_246, %parallel_loop3A_247] {strides = array<i32>} : memref<80x256xf32, #tpu.memory_space<vmem>>, vector<1x16xf32>,
      %parallel_loop3A_249 = vector.shape_cast %parallel_loop3A_248 : vector<1x16xf32> to vector<16xf32>
      %parallel_loop3A_250 = vector.shape_cast %parallel_loop3A_245 : vector<16xf32> to vector<1x16xf32>
      tpu.vector_store %arg10[%parallel_loop3A_246, %parallel_loop3A_247], %parallel_loop3A_250 {add = true, strides = array<i32>} : memref<80x256xf32, #tpu.memory_space<vmem>>, vector<1x16xf32>,
      %parallel_loop3A_251 = arith.index_cast %parallel_loop3A_133 : i32 to index
      %parallel_loop3A_252 = arith.constant 208 : index
      %parallel_loop3A_253 = tpu.vector_load %arg7[%parallel_loop3A_251, %parallel_loop3A_252] {strides = array<i32>} : memref<80x256xf32, #tpu.memory_space<vmem>>, vector<1x16xf32>,
      %parallel_loop3A_254 = vector.shape_cast %parallel_loop3A_253 : vector<1x16xf32> to vector<16xf32>
      %parallel_loop3A_255 = arith.index_cast %parallel_loop3A_133 : i32 to index
      %parallel_loop3A_256 = arith.constant 208 : index
      %parallel_loop3A_257 = tpu.vector_load %arg10[%parallel_loop3A_255, %parallel_loop3A_256] {strides = array<i32>} : memref<80x256xf32, #tpu.memory_space<vmem>>, vector<1x16xf32>,
      %parallel_loop3A_258 = vector.shape_cast %parallel_loop3A_257 : vector<1x16xf32> to vector<16xf32>
      %parallel_loop3A_259 = vector.shape_cast %parallel_loop3A_254 : vector<16xf32> to vector<1x16xf32>
      tpu.vector_store %arg10[%parallel_loop3A_255, %parallel_loop3A_256], %parallel_loop3A_259 {add = true, strides = array<i32>} : memref<80x256xf32, #tpu.memory_space<vmem>>, vector<1x16xf32>,
      %parallel_loop3A_260 = arith.index_cast %parallel_loop3A_133 : i32 to index
      %parallel_loop3A_261 = arith.constant 224 : index
      %parallel_loop3A_262 = tpu.vector_load %arg7[%parallel_loop3A_260, %parallel_loop3A_261] {strides = array<i32>} : memref<80x256xf32, #tpu.memory_space<vmem>>, vector<1x16xf32>,
      %parallel_loop3A_263 = vector.shape_cast %parallel_loop3A_262 : vector<1x16xf32> to vector<16xf32>
      %parallel_loop3A_264 = arith.index_cast %parallel_loop3A_133 : i32 to index
      %parallel_loop3A_265 = arith.constant 224 : index
      %parallel_loop3A_266 = tpu.vector_load %arg10[%parallel_loop3A_264, %parallel_loop3A_265] {strides = array<i32>} : memref<80x256xf32, #tpu.memory_space<vmem>>, vector<1x16xf32>,
      %parallel_loop3A_267 = vector.shape_cast %parallel_loop3A_266 : vector<1x16xf32> to vector<16xf32>
      %parallel_loop3A_268 = vector.shape_cast %parallel_loop3A_263 : vector<16xf32> to vector<1x16xf32>
      tpu.vector_store %arg10[%parallel_loop3A_264, %parallel_loop3A_265], %parallel_loop3A_268 {add = true, strides = array<i32>} : memref<80x256xf32, #tpu.memory_space<vmem>>, vector<1x16xf32>,
      %parallel_loop3A_269 = arith.index_cast %parallel_loop3A_133 : i32 to index
      %parallel_loop3A_270 = arith.constant 240 : index
      %parallel_loop3A_271 = tpu.vector_load %arg7[%parallel_loop3A_269, %parallel_loop3A_270] {strides = array<i32>} : memref<80x256xf32, #tpu.memory_space<vmem>>, vector<1x16xf32>,
      %parallel_loop3A_272 = vector.shape_cast %parallel_loop3A_271 : vector<1x16xf32> to vector<16xf32>
      %parallel_loop3A_273 = arith.index_cast %parallel_loop3A_133 : i32 to index
      %parallel_loop3A_274 = arith.constant 240 : index
      %parallel_loop3A_275 = tpu.vector_load %arg10[%parallel_loop3A_273, %parallel_loop3A_274] {strides = array<i32>} : memref<80x256xf32, #tpu.memory_space<vmem>>, vector<1x16xf32>,
      %parallel_loop3A_276 = vector.shape_cast %parallel_loop3A_275 : vector<1x16xf32> to vector<16xf32>
      %parallel_loop3A_277 = vector.shape_cast %parallel_loop3A_272 : vector<16xf32> to vector<1x16xf32>
      tpu.vector_store %arg10[%parallel_loop3A_273, %parallel_loop3A_274], %parallel_loop3A_277 {add = true, strides = array<i32>} : memref<80x256xf32, #tpu.memory_space<vmem>>, vector<1x16xf32>,
    } {sc.loop_unroll_factor = 4 : i64, sc.parallel_access}
    %add3A_46 = arith.constant 0 : i32
    %add3A_47 = arith.addi %min3A_3, %add3A_46 : i32
    %dma_start3A_48 = arith.constant 0 : i32
    %dma_start3A_49 = tpu.memref_slice %arg5[%add3A_47, %dma_start3A_48] : memref<10000x256xf32, #tpu.memory_space<hbm>> -> memref<80x256xf32, #tpu.memory_space<hbm>>
    %dma_start3A_50 = arith.constant 0 : i32
    %dma_start3A_51 = tpu.memref_slice %arg5[%add3A_47, %dma_start3A_50] : memref<10000x256xf32, #tpu.memory_space<hbm>> -> memref<80x256xf32, #tpu.memory_space<hbm>>
    tpu.enqueue_dma source(%arg10 : memref<80x256xf32, #tpu.memory_space<vmem>>) target(%dma_start3A_51 : memref<80x256xf32, #tpu.memory_space<hbm>>) target_semaphore(%arg19 : memref<!tpu.dma_semaphore, #tpu.memory_space<semaphore_mem>>)
    %dma_wait3A_52 = arith.constant 0 : i32
    %dma_wait3A_53 = tpu.memref_slice %arg5[%add3A_47, %dma_wait3A_52] : memref<10000x256xf32, #tpu.memory_space<hbm>> -> memref<80x256xf32, #tpu.memory_space<hbm>>
    %dma_wait3A_54 = arith.constant 0 : i32
    %dma_wait3A_55 = tpu.memref_slice %arg5[%add3A_47, %dma_wait3A_54] : memref<10000x256xf32, #tpu.memory_space<hbm>> -> memref<80x256xf32, #tpu.memory_space<hbm>>
    tpu.wait_dma2 semaphore(%arg19 : memref<!tpu.dma_semaphore, #tpu.memory_space<semaphore_mem>>) src(%arg10 : memref<80x256xf32, #tpu.memory_space<vmem>>) dst(%dma_wait3A_55 : memref<80x256xf32, #tpu.memory_space<hbm>>)
    %dma_start3A_56 = arith.constant 240 : i32
    %dma_start3A_57 = tpu.memref_slice %arg6[%dma_start3A_56] : memref<320xi32, #tpu.memory_space<vmem>> -> memref<80xi32, #tpu.memory_space<vmem>>
    %dma_start3A_58 = arith.constant 0 : i32
    %dma_start3A_59 = arith.constant 0 : i32
    %dma_start3A_60 = tpu.memref_slice %arg2[%dma_start3A_58, %dma_start3A_59] : memref<10001x256xf32, #tpu.memory_space<hbm>> -> memref<10001x256xf32, #tpu.memory_space<hbm>>
    tpu.enqueue_indirect_dma source(%dma_start3A_60 : memref<10001x256xf32, #tpu.memory_space<hbm>>) target(%arg7 : memref<80x256xf32, #tpu.memory_space<vmem>>) offsets(%dma_start3A_57 : memref<80xi32, #tpu.memory_space<vmem>>) semaphore(%arg13 : memref<!tpu.dma_semaphore, #tpu.memory_space<semaphore_mem>>)
    %add3A_61 = arith.constant 240 : i32
    %add3A_62 = arith.addi %min3A_3, %add3A_61 : i32
    %dma_start3A_63 = arith.constant 0 : i32
    %dma_start3A_64 = tpu.memref_slice %arg3[%add3A_62, %dma_start3A_63] : memref<10000x256xf32, #tpu.memory_space<hbm>> -> memref<80x256xf32, #tpu.memory_space<hbm>>
    %dma_start3A_65 = arith.constant 0 : i32
    %dma_start3A_66 = tpu.memref_slice %arg3[%add3A_62, %dma_start3A_65] : memref<10000x256xf32, #tpu.memory_space<hbm>> -> memref<80x256xf32, #tpu.memory_space<hbm>>
    tpu.enqueue_dma source(%dma_start3A_66 : memref<80x256xf32, #tpu.memory_space<hbm>>) target(%arg10 : memref<80x256xf32, #tpu.memory_space<vmem>>) target_semaphore(%arg16 : memref<!tpu.dma_semaphore, #tpu.memory_space<semaphore_mem>>)
    %dma_wait3A_67 = arith.constant 80 : i32
    %dma_wait3A_68 = tpu.memref_slice %arg6[%dma_wait3A_67] : memref<320xi32, #tpu.memory_space<vmem>> -> memref<80xi32, #tpu.memory_space<vmem>>
    %dma_wait3A_69 = arith.constant 0 : i32
    %dma_wait3A_70 = arith.constant 0 : i32
    %dma_wait3A_71 = tpu.memref_slice %arg2[%dma_wait3A_69, %dma_wait3A_70] : memref<10001x256xf32, #tpu.memory_space<hbm>> -> memref<10001x256xf32, #tpu.memory_space<hbm>>
    tpu.wait_indirect_dma semaphore(%arg14 : memref<!tpu.dma_semaphore, #tpu.memory_space<semaphore_mem>>) src(%dma_wait3A_71 : memref<10001x256xf32, #tpu.memory_space<hbm>>) dst(%arg8 : memref<80x256xf32, #tpu.memory_space<vmem>>)
    %dma_wait3A_72 = arith.constant 0 : i32
    %dma_wait3A_73 = tpu.memref_slice %arg3[%add3A_10, %dma_wait3A_72] : memref<10000x256xf32, #tpu.memory_space<hbm>> -> memref<80x256xf32, #tpu.memory_space<hbm>>
    %dma_wait3A_74 = arith.constant 0 : i32
    %dma_wait3A_75 = tpu.memref_slice %arg3[%add3A_10, %dma_wait3A_74] : memref<10000x256xf32, #tpu.memory_space<hbm>> -> memref<80x256xf32, #tpu.memory_space<hbm>>
    tpu.wait_dma2 semaphore(%arg17 : memref<!tpu.dma_semaphore, #tpu.memory_space<semaphore_mem>>) src(%dma_wait3A_75 : memref<80x256xf32, #tpu.memory_space<hbm>>) dst(%arg11 : memref<80x256xf32, #tpu.memory_space<vmem>>)
    %parallel_loop3A_76 = arith.constant 0 : i32
    %parallel_loop3A_77 = arith.constant 80 : i32
    %parallel_loop3A_78 = arith.constant 1 : i32
    scf.for %parallel_loop3A_133 = %parallel_loop3A_76 to %parallel_loop3A_77 step %parallel_loop3A_78  : i32 {
      %parallel_loop3A_134 = arith.index_cast %parallel_loop3A_133 : i32 to index
      %parallel_loop3A_135 = arith.constant 0 : index
      %parallel_loop3A_136 = tpu.vector_load %arg8[%parallel_loop3A_134, %parallel_loop3A_135] {strides = array<i32>} : memref<80x256xf32, #tpu.memory_space<vmem>>, vector<1x16xf32>,
      %parallel_loop3A_137 = vector.shape_cast %parallel_loop3A_136 : vector<1x16xf32> to vector<16xf32>
      %parallel_loop3A_138 = arith.index_cast %parallel_loop3A_133 : i32 to index
      %parallel_loop3A_139 = arith.constant 0 : index
      %parallel_loop3A_140 = tpu.vector_load %arg11[%parallel_loop3A_138, %parallel_loop3A_139] {strides = array<i32>} : memref<80x256xf32, #tpu.memory_space<vmem>>, vector<1x16xf32>,
      %parallel_loop3A_141 = vector.shape_cast %parallel_loop3A_140 : vector<1x16xf32> to vector<16xf32>
      %parallel_loop3A_142 = vector.shape_cast %parallel_loop3A_137 : vector<16xf32> to vector<1x16xf32>
      tpu.vector_store %arg11[%parallel_loop3A_138, %parallel_loop3A_139], %parallel_loop3A_142 {add = true, strides = array<i32>} : memref<80x256xf32, #tpu.memory_space<vmem>>, vector<1x16xf32>,
      %parallel_loop3A_143 = arith.index_cast %parallel_loop3A_133 : i32 to index
      %parallel_loop3A_144 = arith.constant 16 : index
      %parallel_loop3A_145 = tpu.vector_load %arg8[%parallel_loop3A_143, %parallel_loop3A_144] {strides = array<i32>} : memref<80x256xf32, #tpu.memory_space<vmem>>, vector<1x16xf32>,
      %parallel_loop3A_146 = vector.shape_cast %parallel_loop3A_145 : vector<1x16xf32> to vector<16xf32>
      %parallel_loop3A_147 = arith.index_cast %parallel_loop3A_133 : i32 to index
      %parallel_loop3A_148 = arith.constant 16 : index
      %parallel_loop3A_149 = tpu.vector_load %arg11[%parallel_loop3A_147, %parallel_loop3A_148] {strides = array<i32>} : memref<80x256xf32, #tpu.memory_space<vmem>>, vector<1x16xf32>,
      %parallel_loop3A_150 = vector.shape_cast %parallel_loop3A_149 : vector<1x16xf32> to vector<16xf32>
      %parallel_loop3A_151 = vector.shape_cast %parallel_loop3A_146 : vector<16xf32> to vector<1x16xf32>
      tpu.vector_store %arg11[%parallel_loop3A_147, %parallel_loop3A_148], %parallel_loop3A_151 {add = true, strides = array<i32>} : memref<80x256xf32, #tpu.memory_space<vmem>>, vector<1x16xf32>,
      %parallel_loop3A_152 = arith.index_cast %parallel_loop3A_133 : i32 to index
      %parallel_loop3A_153 = arith.constant 32 : index
      %parallel_loop3A_154 = tpu.vector_load %arg8[%parallel_loop3A_152, %parallel_loop3A_153] {strides = array<i32>} : memref<80x256xf32, #tpu.memory_space<vmem>>, vector<1x16xf32>,
      %parallel_loop3A_155 = vector.shape_cast %parallel_loop3A_154 : vector<1x16xf32> to vector<16xf32>
      %parallel_loop3A_156 = arith.index_cast %parallel_loop3A_133 : i32 to index
      %parallel_loop3A_157 = arith.constant 32 : index
      %parallel_loop3A_158 = tpu.vector_load %arg11[%parallel_loop3A_156, %parallel_loop3A_157] {strides = array<i32>} : memref<80x256xf32, #tpu.memory_space<vmem>>, vector<1x16xf32>,
      %parallel_loop3A_159 = vector.shape_cast %parallel_loop3A_158 : vector<1x16xf32> to vector<16xf32>
      %parallel_loop3A_160 = vector.shape_cast %parallel_loop3A_155 : vector<16xf32> to vector<1x16xf32>
      tpu.vector_store %arg11[%parallel_loop3A_156, %parallel_loop3A_157], %parallel_loop3A_160 {add = true, strides = array<i32>} : memref<80x256xf32, #tpu.memory_space<vmem>>, vector<1x16xf32>,
      %parallel_loop3A_161 = arith.index_cast %parallel_loop3A_133 : i32 to index
      %parallel_loop3A_162 = arith.constant 48 : index
      %parallel_loop3A_163 = tpu.vector_load %arg8[%parallel_loop3A_161, %parallel_loop3A_162] {strides = array<i32>} : memref<80x256xf32, #tpu.memory_space<vmem>>, vector<1x16xf32>,
      %parallel_loop3A_164 = vector.shape_cast %parallel_loop3A_163 : vector<1x16xf32> to vector<16xf32>
      %parallel_loop3A_165 = arith.index_cast %parallel_loop3A_133 : i32 to index
      %parallel_loop3A_166 = arith.constant 48 : index
      %parallel_loop3A_167 = tpu.vector_load %arg11[%parallel_loop3A_165, %parallel_loop3A_166] {strides = array<i32>} : memref<80x256xf32, #tpu.memory_space<vmem>>, vector<1x16xf32>,
      %parallel_loop3A_168 = vector.shape_cast %parallel_loop3A_167 : vector<1x16xf32> to vector<16xf32>
      %parallel_loop3A_169 = vector.shape_cast %parallel_loop3A_164 : vector<16xf32> to vector<1x16xf32>
      tpu.vector_store %arg11[%parallel_loop3A_165, %parallel_loop3A_166], %parallel_loop3A_169 {add = true, strides = array<i32>} : memref<80x256xf32, #tpu.memory_space<vmem>>, vector<1x16xf32>,
      %parallel_loop3A_170 = arith.index_cast %parallel_loop3A_133 : i32 to index
      %parallel_loop3A_171 = arith.constant 64 : index
      %parallel_loop3A_172 = tpu.vector_load %arg8[%parallel_loop3A_170, %parallel_loop3A_171] {strides = array<i32>} : memref<80x256xf32, #tpu.memory_space<vmem>>, vector<1x16xf32>,
      %parallel_loop3A_173 = vector.shape_cast %parallel_loop3A_172 : vector<1x16xf32> to vector<16xf32>
      %parallel_loop3A_174 = arith.index_cast %parallel_loop3A_133 : i32 to index
      %parallel_loop3A_175 = arith.constant 64 : index
      %parallel_loop3A_176 = tpu.vector_load %arg11[%parallel_loop3A_174, %parallel_loop3A_175] {strides = array<i32>} : memref<80x256xf32, #tpu.memory_space<vmem>>, vector<1x16xf32>,
      %parallel_loop3A_177 = vector.shape_cast %parallel_loop3A_176 : vector<1x16xf32> to vector<16xf32>
      %parallel_loop3A_178 = vector.shape_cast %parallel_loop3A_173 : vector<16xf32> to vector<1x16xf32>
      tpu.vector_store %arg11[%parallel_loop3A_174, %parallel_loop3A_175], %parallel_loop3A_178 {add = true, strides = array<i32>} : memref<80x256xf32, #tpu.memory_space<vmem>>, vector<1x16xf32>,
      %parallel_loop3A_179 = arith.index_cast %parallel_loop3A_133 : i32 to index
      %parallel_loop3A_180 = arith.constant 80 : index
      %parallel_loop3A_181 = tpu.vector_load %arg8[%parallel_loop3A_179, %parallel_loop3A_180] {strides = array<i32>} : memref<80x256xf32, #tpu.memory_space<vmem>>, vector<1x16xf32>,
      %parallel_loop3A_182 = vector.shape_cast %parallel_loop3A_181 : vector<1x16xf32> to vector<16xf32>
      %parallel_loop3A_183 = arith.index_cast %parallel_loop3A_133 : i32 to index
      %parallel_loop3A_184 = arith.constant 80 : index
      %parallel_loop3A_185 = tpu.vector_load %arg11[%parallel_loop3A_183, %parallel_loop3A_184] {strides = array<i32>} : memref<80x256xf32, #tpu.memory_space<vmem>>, vector<1x16xf32>,
      %parallel_loop3A_186 = vector.shape_cast %parallel_loop3A_185 : vector<1x16xf32> to vector<16xf32>
      %parallel_loop3A_187 = vector.shape_cast %parallel_loop3A_182 : vector<16xf32> to vector<1x16xf32>
      tpu.vector_store %arg11[%parallel_loop3A_183, %parallel_loop3A_184], %parallel_loop3A_187 {add = true, strides = array<i32>} : memref<80x256xf32, #tpu.memory_space<vmem>>, vector<1x16xf32>,
      %parallel_loop3A_188 = arith.index_cast %parallel_loop3A_133 : i32 to index
      %parallel_loop3A_189 = arith.constant 96 : index
      %parallel_loop3A_190 = tpu.vector_load %arg8[%parallel_loop3A_188, %parallel_loop3A_189] {strides = array<i32>} : memref<80x256xf32, #tpu.memory_space<vmem>>, vector<1x16xf32>,
      %parallel_loop3A_191 = vector.shape_cast %parallel_loop3A_190 : vector<1x16xf32> to vector<16xf32>
      %parallel_loop3A_192 = arith.index_cast %parallel_loop3A_133 : i32 to index
      %parallel_loop3A_193 = arith.constant 96 : index
      %parallel_loop3A_194 = tpu.vector_load %arg11[%parallel_loop3A_192, %parallel_loop3A_193] {strides = array<i32>} : memref<80x256xf32, #tpu.memory_space<vmem>>, vector<1x16xf32>,
      %parallel_loop3A_195 = vector.shape_cast %parallel_loop3A_194 : vector<1x16xf32> to vector<16xf32>
      %parallel_loop3A_196 = vector.shape_cast %parallel_loop3A_191 : vector<16xf32> to vector<1x16xf32>
      tpu.vector_store %arg11[%parallel_loop3A_192, %parallel_loop3A_193], %parallel_loop3A_196 {add = true, strides = array<i32>} : memref<80x256xf32, #tpu.memory_space<vmem>>, vector<1x16xf32>,
      %parallel_loop3A_197 = arith.index_cast %parallel_loop3A_133 : i32 to index
      %parallel_loop3A_198 = arith.constant 112 : index
      %parallel_loop3A_199 = tpu.vector_load %arg8[%parallel_loop3A_197, %parallel_loop3A_198] {strides = array<i32>} : memref<80x256xf32, #tpu.memory_space<vmem>>, vector<1x16xf32>,
      %parallel_loop3A_200 = vector.shape_cast %parallel_loop3A_199 : vector<1x16xf32> to vector<16xf32>
      %parallel_loop3A_201 = arith.index_cast %parallel_loop3A_133 : i32 to index
      %parallel_loop3A_202 = arith.constant 112 : index
      %parallel_loop3A_203 = tpu.vector_load %arg11[%parallel_loop3A_201, %parallel_loop3A_202] {strides = array<i32>} : memref<80x256xf32, #tpu.memory_space<vmem>>, vector<1x16xf32>,
      %parallel_loop3A_204 = vector.shape_cast %parallel_loop3A_203 : vector<1x16xf32> to vector<16xf32>
      %parallel_loop3A_205 = vector.shape_cast %parallel_loop3A_200 : vector<16xf32> to vector<1x16xf32>
      tpu.vector_store %arg11[%parallel_loop3A_201, %parallel_loop3A_202], %parallel_loop3A_205 {add = true, strides = array<i32>} : memref<80x256xf32, #tpu.memory_space<vmem>>, vector<1x16xf32>,
      %parallel_loop3A_206 = arith.index_cast %parallel_loop3A_133 : i32 to index
      %parallel_loop3A_207 = arith.constant 128 : index
      %parallel_loop3A_208 = tpu.vector_load %arg8[%parallel_loop3A_206, %parallel_loop3A_207] {strides = array<i32>} : memref<80x256xf32, #tpu.memory_space<vmem>>, vector<1x16xf32>,
      %parallel_loop3A_209 = vector.shape_cast %parallel_loop3A_208 : vector<1x16xf32> to vector<16xf32>
      %parallel_loop3A_210 = arith.index_cast %parallel_loop3A_133 : i32 to index
      %parallel_loop3A_211 = arith.constant 128 : index
      %parallel_loop3A_212 = tpu.vector_load %arg11[%parallel_loop3A_210, %parallel_loop3A_211] {strides = array<i32>} : memref<80x256xf32, #tpu.memory_space<vmem>>, vector<1x16xf32>,
      %parallel_loop3A_213 = vector.shape_cast %parallel_loop3A_212 : vector<1x16xf32> to vector<16xf32>
      %parallel_loop3A_214 = vector.shape_cast %parallel_loop3A_209 : vector<16xf32> to vector<1x16xf32>
      tpu.vector_store %arg11[%parallel_loop3A_210, %parallel_loop3A_211], %parallel_loop3A_214 {add = true, strides = array<i32>} : memref<80x256xf32, #tpu.memory_space<vmem>>, vector<1x16xf32>,
      %parallel_loop3A_215 = arith.index_cast %parallel_loop3A_133 : i32 to index
      %parallel_loop3A_216 = arith.constant 144 : index
      %parallel_loop3A_217 = tpu.vector_load %arg8[%parallel_loop3A_215, %parallel_loop3A_216] {strides = array<i32>} : memref<80x256xf32, #tpu.memory_space<vmem>>, vector<1x16xf32>,
      %parallel_loop3A_218 = vector.shape_cast %parallel_loop3A_217 : vector<1x16xf32> to vector<16xf32>
      %parallel_loop3A_219 = arith.index_cast %parallel_loop3A_133 : i32 to index
      %parallel_loop3A_220 = arith.constant 144 : index
      %parallel_loop3A_221 = tpu.vector_load %arg11[%parallel_loop3A_219, %parallel_loop3A_220] {strides = array<i32>} : memref<80x256xf32, #tpu.memory_space<vmem>>, vector<1x16xf32>,
      %parallel_loop3A_222 = vector.shape_cast %parallel_loop3A_221 : vector<1x16xf32> to vector<16xf32>
      %parallel_loop3A_223 = vector.shape_cast %parallel_loop3A_218 : vector<16xf32> to vector<1x16xf32>
      tpu.vector_store %arg11[%parallel_loop3A_219, %parallel_loop3A_220], %parallel_loop3A_223 {add = true, strides = array<i32>} : memref<80x256xf32, #tpu.memory_space<vmem>>, vector<1x16xf32>,
      %parallel_loop3A_224 = arith.index_cast %parallel_loop3A_133 : i32 to index
      %parallel_loop3A_225 = arith.constant 160 : index
      %parallel_loop3A_226 = tpu.vector_load %arg8[%parallel_loop3A_224, %parallel_loop3A_225] {strides = array<i32>} : memref<80x256xf32, #tpu.memory_space<vmem>>, vector<1x16xf32>,
      %parallel_loop3A_227 = vector.shape_cast %parallel_loop3A_226 : vector<1x16xf32> to vector<16xf32>
      %parallel_loop3A_228 = arith.index_cast %parallel_loop3A_133 : i32 to index
      %parallel_loop3A_229 = arith.constant 160 : index
      %parallel_loop3A_230 = tpu.vector_load %arg11[%parallel_loop3A_228, %parallel_loop3A_229] {strides = array<i32>} : memref<80x256xf32, #tpu.memory_space<vmem>>, vector<1x16xf32>,
      %parallel_loop3A_231 = vector.shape_cast %parallel_loop3A_230 : vector<1x16xf32> to vector<16xf32>
      %parallel_loop3A_232 = vector.shape_cast %parallel_loop3A_227 : vector<16xf32> to vector<1x16xf32>
      tpu.vector_store %arg11[%parallel_loop3A_228, %parallel_loop3A_229], %parallel_loop3A_232 {add = true, strides = array<i32>} : memref<80x256xf32, #tpu.memory_space<vmem>>, vector<1x16xf32>,
      %parallel_loop3A_233 = arith.index_cast %parallel_loop3A_133 : i32 to index
      %parallel_loop3A_234 = arith.constant 176 : index
      %parallel_loop3A_235 = tpu.vector_load %arg8[%parallel_loop3A_233, %parallel_loop3A_234] {strides = array<i32>} : memref<80x256xf32, #tpu.memory_space<vmem>>, vector<1x16xf32>,
      %parallel_loop3A_236 = vector.shape_cast %parallel_loop3A_235 : vector<1x16xf32> to vector<16xf32>
      %parallel_loop3A_237 = arith.index_cast %parallel_loop3A_133 : i32 to index
      %parallel_loop3A_238 = arith.constant 176 : index
      %parallel_loop3A_239 = tpu.vector_load %arg11[%parallel_loop3A_237, %parallel_loop3A_238] {strides = array<i32>} : memref<80x256xf32, #tpu.memory_space<vmem>>, vector<1x16xf32>,
      %parallel_loop3A_240 = vector.shape_cast %parallel_loop3A_239 : vector<1x16xf32> to vector<16xf32>
      %parallel_loop3A_241 = vector.shape_cast %parallel_loop3A_236 : vector<16xf32> to vector<1x16xf32>
      tpu.vector_store %arg11[%parallel_loop3A_237, %parallel_loop3A_238], %parallel_loop3A_241 {add = true, strides = array<i32>} : memref<80x256xf32, #tpu.memory_space<vmem>>, vector<1x16xf32>,
      %parallel_loop3A_242 = arith.index_cast %parallel_loop3A_133 : i32 to index
      %parallel_loop3A_243 = arith.constant 192 : index
      %parallel_loop3A_244 = tpu.vector_load %arg8[%parallel_loop3A_242, %parallel_loop3A_243] {strides = array<i32>} : memref<80x256xf32, #tpu.memory_space<vmem>>, vector<1x16xf32>,
      %parallel_loop3A_245 = vector.shape_cast %parallel_loop3A_244 : vector<1x16xf32> to vector<16xf32>
      %parallel_loop3A_246 = arith.index_cast %parallel_loop3A_133 : i32 to index
      %parallel_loop3A_247 = arith.constant 192 : index
      %parallel_loop3A_248 = tpu.vector_load %arg11[%parallel_loop3A_246, %parallel_loop3A_247] {strides = array<i32>} : memref<80x256xf32, #tpu.memory_space<vmem>>, vector<1x16xf32>,
      %parallel_loop3A_249 = vector.shape_cast %parallel_loop3A_248 : vector<1x16xf32> to vector<16xf32>
      %parallel_loop3A_250 = vector.shape_cast %parallel_loop3A_245 : vector<16xf32> to vector<1x16xf32>
      tpu.vector_store %arg11[%parallel_loop3A_246, %parallel_loop3A_247], %parallel_loop3A_250 {add = true, strides = array<i32>} : memref<80x256xf32, #tpu.memory_space<vmem>>, vector<1x16xf32>,
      %parallel_loop3A_251 = arith.index_cast %parallel_loop3A_133 : i32 to index
      %parallel_loop3A_252 = arith.constant 208 : index
      %parallel_loop3A_253 = tpu.vector_load %arg8[%parallel_loop3A_251, %parallel_loop3A_252] {strides = array<i32>} : memref<80x256xf32, #tpu.memory_space<vmem>>, vector<1x16xf32>,
      %parallel_loop3A_254 = vector.shape_cast %parallel_loop3A_253 : vector<1x16xf32> to vector<16xf32>
      %parallel_loop3A_255 = arith.index_cast %parallel_loop3A_133 : i32 to index
      %parallel_loop3A_256 = arith.constant 208 : index
      %parallel_loop3A_257 = tpu.vector_load %arg11[%parallel_loop3A_255, %parallel_loop3A_256] {strides = array<i32>} : memref<80x256xf32, #tpu.memory_space<vmem>>, vector<1x16xf32>,
      %parallel_loop3A_258 = vector.shape_cast %parallel_loop3A_257 : vector<1x16xf32> to vector<16xf32>
      %parallel_loop3A_259 = vector.shape_cast %parallel_loop3A_254 : vector<16xf32> to vector<1x16xf32>
      tpu.vector_store %arg11[%parallel_loop3A_255, %parallel_loop3A_256], %parallel_loop3A_259 {add = true, strides = array<i32>} : memref<80x256xf32, #tpu.memory_space<vmem>>, vector<1x16xf32>,
      %parallel_loop3A_260 = arith.index_cast %parallel_loop3A_133 : i32 to index
      %parallel_loop3A_261 = arith.constant 224 : index
      %parallel_loop3A_262 = tpu.vector_load %arg8[%parallel_loop3A_260, %parallel_loop3A_261] {strides = array<i32>} : memref<80x256xf32, #tpu.memory_space<vmem>>, vector<1x16xf32>,
      %parallel_loop3A_263 = vector.shape_cast %parallel_loop3A_262 : vector<1x16xf32> to vector<16xf32>
      %parallel_loop3A_264 = arith.index_cast %parallel_loop3A_133 : i32 to index
      %parallel_loop3A_265 = arith.constant 224 : index
      %parallel_loop3A_266 = tpu.vector_load %arg11[%parallel_loop3A_264, %parallel_loop3A_265] {strides = array<i32>} : memref<80x256xf32, #tpu.memory_space<vmem>>, vector<1x16xf32>,
      %parallel_loop3A_267 = vector.shape_cast %parallel_loop3A_266 : vector<1x16xf32> to vector<16xf32>
      %parallel_loop3A_268 = vector.shape_cast %parallel_loop3A_263 : vector<16xf32> to vector<1x16xf32>
      tpu.vector_store %arg11[%parallel_loop3A_264, %parallel_loop3A_265], %parallel_loop3A_268 {add = true, strides = array<i32>} : memref<80x256xf32, #tpu.memory_space<vmem>>, vector<1x16xf32>,
      %parallel_loop3A_269 = arith.index_cast %parallel_loop3A_133 : i32 to index
      %parallel_loop3A_270 = arith.constant 240 : index
      %parallel_loop3A_271 = tpu.vector_load %arg8[%parallel_loop3A_269, %parallel_loop3A_270] {strides = array<i32>} : memref<80x256xf32, #tpu.memory_space<vmem>>, vector<1x16xf32>,
      %parallel_loop3A_272 = vector.shape_cast %parallel_loop3A_271 : vector<1x16xf32> to vector<16xf32>
      %parallel_loop3A_273 = arith.index_cast %parallel_loop3A_133 : i32 to index
      %parallel_loop3A_274 = arith.constant 240 : index
      %parallel_loop3A_275 = tpu.vector_load %arg11[%parallel_loop3A_273, %parallel_loop3A_274] {strides = array<i32>} : memref<80x256xf32, #tpu.memory_space<vmem>>, vector<1x16xf32>,
      %parallel_loop3A_276 = vector.shape_cast %parallel_loop3A_275 : vector<1x16xf32> to vector<16xf32>
      %parallel_loop3A_277 = vector.shape_cast %parallel_loop3A_272 : vector<16xf32> to vector<1x16xf32>
      tpu.vector_store %arg11[%parallel_loop3A_273, %parallel_loop3A_274], %parallel_loop3A_277 {add = true, strides = array<i32>} : memref<80x256xf32, #tpu.memory_space<vmem>>, vector<1x16xf32>,
    } {sc.loop_unroll_factor = 4 : i64, sc.parallel_access}
    %add3A_79 = arith.constant 80 : i32
    %add3A_80 = arith.addi %min3A_3, %add3A_79 : i32
    %dma_start3A_81 = arith.constant 0 : i32
    %dma_start3A_82 = tpu.memref_slice %arg5[%add3A_80, %dma_start3A_81] : memref<10000x256xf32, #tpu.memory_space<hbm>> -> memref<80x256xf32, #tpu.memory_space<hbm>>
    %dma_start3A_83 = arith.constant 0 : i32
    %dma_start3A_84 = tpu.memref_slice %arg5[%add3A_80, %dma_start3A_83] : memref<10000x256xf32, #tpu.memory_space<hbm>> -> memref<80x256xf32, #tpu.memory_space<hbm>>
    tpu.enqueue_dma source(%arg11 : memref<80x256xf32, #tpu.memory_space<vmem>>) target(%dma_start3A_84 : memref<80x256xf32, #tpu.memory_space<hbm>>) target_semaphore(%arg20 : memref<!tpu.dma_semaphore, #tpu.memory_space<semaphore_mem>>)
    %dma_wait3A_85 = arith.constant 160 : i32
    %dma_wait3A_86 = tpu.memref_slice %arg6[%dma_wait3A_85] : memref<320xi32, #tpu.memory_space<vmem>> -> memref<80xi32, #tpu.memory_space<vmem>>
    %dma_wait3A_87 = arith.constant 0 : i32
    %dma_wait3A_88 = arith.constant 0 : i32
    %dma_wait3A_89 = tpu.memref_slice %arg2[%dma_wait3A_87, %dma_wait3A_88] : memref<10001x256xf32, #tpu.memory_space<hbm>> -> memref<10001x256xf32, #tpu.memory_space<hbm>>
    tpu.wait_indirect_dma semaphore(%arg15 : memref<!tpu.dma_semaphore, #tpu.memory_space<semaphore_mem>>) src(%dma_wait3A_89 : memref<10001x256xf32, #tpu.memory_space<hbm>>) dst(%arg9 : memref<80x256xf32, #tpu.memory_space<vmem>>)
    %dma_wait3A_90 = arith.constant 0 : i32
    %dma_wait3A_91 = tpu.memref_slice %arg3[%add3A_31, %dma_wait3A_90] : memref<10000x256xf32, #tpu.memory_space<hbm>> -> memref<80x256xf32, #tpu.memory_space<hbm>>
    %dma_wait3A_92 = arith.constant 0 : i32
    %dma_wait3A_93 = tpu.memref_slice %arg3[%add3A_31, %dma_wait3A_92] : memref<10000x256xf32, #tpu.memory_space<hbm>> -> memref<80x256xf32, #tpu.memory_space<hbm>>
    tpu.wait_dma2 semaphore(%arg18 : memref<!tpu.dma_semaphore, #tpu.memory_space<semaphore_mem>>) src(%dma_wait3A_93 : memref<80x256xf32, #tpu.memory_space<hbm>>) dst(%arg12 : memref<80x256xf32, #tpu.memory_space<vmem>>)
    %parallel_loop3A_94 = arith.constant 0 : i32
    %parallel_loop3A_95 = arith.constant 80 : i32
    %parallel_loop3A_96 = arith.constant 1 : i32
    scf.for %parallel_loop3A_133 = %parallel_loop3A_94 to %parallel_loop3A_95 step %parallel_loop3A_96  : i32 {
      %parallel_loop3A_134 = arith.index_cast %parallel_loop3A_133 : i32 to index
      %parallel_loop3A_135 = arith.constant 0 : index
      %parallel_loop3A_136 = tpu.vector_load %arg9[%parallel_loop3A_134, %parallel_loop3A_135] {strides = array<i32>} : memref<80x256xf32, #tpu.memory_space<vmem>>, vector<1x16xf32>,
      %parallel_loop3A_137 = vector.shape_cast %parallel_loop3A_136 : vector<1x16xf32> to vector<16xf32>
      %parallel_loop3A_138 = arith.index_cast %parallel_loop3A_133 : i32 to index
      %parallel_loop3A_139 = arith.constant 0 : index
      %parallel_loop3A_140 = tpu.vector_load %arg12[%parallel_loop3A_138, %parallel_loop3A_139] {strides = array<i32>} : memref<80x256xf32, #tpu.memory_space<vmem>>, vector<1x16xf32>,
      %parallel_loop3A_141 = vector.shape_cast %parallel_loop3A_140 : vector<1x16xf32> to vector<16xf32>
      %parallel_loop3A_142 = vector.shape_cast %parallel_loop3A_137 : vector<16xf32> to vector<1x16xf32>
      tpu.vector_store %arg12[%parallel_loop3A_138, %parallel_loop3A_139], %parallel_loop3A_142 {add = true, strides = array<i32>} : memref<80x256xf32, #tpu.memory_space<vmem>>, vector<1x16xf32>,
      %parallel_loop3A_143 = arith.index_cast %parallel_loop3A_133 : i32 to index
      %parallel_loop3A_144 = arith.constant 16 : index
      %parallel_loop3A_145 = tpu.vector_load %arg9[%parallel_loop3A_143, %parallel_loop3A_144] {strides = array<i32>} : memref<80x256xf32, #tpu.memory_space<vmem>>, vector<1x16xf32>,
      %parallel_loop3A_146 = vector.shape_cast %parallel_loop3A_145 : vector<1x16xf32> to vector<16xf32>
      %parallel_loop3A_147 = arith.index_cast %parallel_loop3A_133 : i32 to index
      %parallel_loop3A_148 = arith.constant 16 : index
      %parallel_loop3A_149 = tpu.vector_load %arg12[%parallel_loop3A_147, %parallel_loop3A_148] {strides = array<i32>} : memref<80x256xf32, #tpu.memory_space<vmem>>, vector<1x16xf32>,
      %parallel_loop3A_150 = vector.shape_cast %parallel_loop3A_149 : vector<1x16xf32> to vector<16xf32>
      %parallel_loop3A_151 = vector.shape_cast %parallel_loop3A_146 : vector<16xf32> to vector<1x16xf32>
      tpu.vector_store %arg12[%parallel_loop3A_147, %parallel_loop3A_148], %parallel_loop3A_151 {add = true, strides = array<i32>} : memref<80x256xf32, #tpu.memory_space<vmem>>, vector<1x16xf32>,
      %parallel_loop3A_152 = arith.index_cast %parallel_loop3A_133 : i32 to index
      %parallel_loop3A_153 = arith.constant 32 : index
      %parallel_loop3A_154 = tpu.vector_load %arg9[%parallel_loop3A_152, %parallel_loop3A_153] {strides = array<i32>} : memref<80x256xf32, #tpu.memory_space<vmem>>, vector<1x16xf32>,
      %parallel_loop3A_155 = vector.shape_cast %parallel_loop3A_154 : vector<1x16xf32> to vector<16xf32>
      %parallel_loop3A_156 = arith.index_cast %parallel_loop3A_133 : i32 to index
      %parallel_loop3A_157 = arith.constant 32 : index
      %parallel_loop3A_158 = tpu.vector_load %arg12[%parallel_loop3A_156, %parallel_loop3A_157] {strides = array<i32>} : memref<80x256xf32, #tpu.memory_space<vmem>>, vector<1x16xf32>,
      %parallel_loop3A_159 = vector.shape_cast %parallel_loop3A_158 : vector<1x16xf32> to vector<16xf32>
      %parallel_loop3A_160 = vector.shape_cast %parallel_loop3A_155 : vector<16xf32> to vector<1x16xf32>
      tpu.vector_store %arg12[%parallel_loop3A_156, %parallel_loop3A_157], %parallel_loop3A_160 {add = true, strides = array<i32>} : memref<80x256xf32, #tpu.memory_space<vmem>>, vector<1x16xf32>,
      %parallel_loop3A_161 = arith.index_cast %parallel_loop3A_133 : i32 to index
      %parallel_loop3A_162 = arith.constant 48 : index
      %parallel_loop3A_163 = tpu.vector_load %arg9[%parallel_loop3A_161, %parallel_loop3A_162] {strides = array<i32>} : memref<80x256xf32, #tpu.memory_space<vmem>>, vector<1x16xf32>,
      %parallel_loop3A_164 = vector.shape_cast %parallel_loop3A_163 : vector<1x16xf32> to vector<16xf32>
      %parallel_loop3A_165 = arith.index_cast %parallel_loop3A_133 : i32 to index
      %parallel_loop3A_166 = arith.constant 48 : index
      %parallel_loop3A_167 = tpu.vector_load %arg12[%parallel_loop3A_165, %parallel_loop3A_166] {strides = array<i32>} : memref<80x256xf32, #tpu.memory_space<vmem>>, vector<1x16xf32>,
      %parallel_loop3A_168 = vector.shape_cast %parallel_loop3A_167 : vector<1x16xf32> to vector<16xf32>
      %parallel_loop3A_169 = vector.shape_cast %parallel_loop3A_164 : vector<16xf32> to vector<1x16xf32>
      tpu.vector_store %arg12[%parallel_loop3A_165, %parallel_loop3A_166], %parallel_loop3A_169 {add = true, strides = array<i32>} : memref<80x256xf32, #tpu.memory_space<vmem>>, vector<1x16xf32>,
      %parallel_loop3A_170 = arith.index_cast %parallel_loop3A_133 : i32 to index
      %parallel_loop3A_171 = arith.constant 64 : index
      %parallel_loop3A_172 = tpu.vector_load %arg9[%parallel_loop3A_170, %parallel_loop3A_171] {strides = array<i32>} : memref<80x256xf32, #tpu.memory_space<vmem>>, vector<1x16xf32>,
      %parallel_loop3A_173 = vector.shape_cast %parallel_loop3A_172 : vector<1x16xf32> to vector<16xf32>
      %parallel_loop3A_174 = arith.index_cast %parallel_loop3A_133 : i32 to index
      %parallel_loop3A_175 = arith.constant 64 : index
      %parallel_loop3A_176 = tpu.vector_load %arg12[%parallel_loop3A_174, %parallel_loop3A_175] {strides = array<i32>} : memref<80x256xf32, #tpu.memory_space<vmem>>, vector<1x16xf32>,
      %parallel_loop3A_177 = vector.shape_cast %parallel_loop3A_176 : vector<1x16xf32> to vector<16xf32>
      %parallel_loop3A_178 = vector.shape_cast %parallel_loop3A_173 : vector<16xf32> to vector<1x16xf32>
      tpu.vector_store %arg12[%parallel_loop3A_174, %parallel_loop3A_175], %parallel_loop3A_178 {add = true, strides = array<i32>} : memref<80x256xf32, #tpu.memory_space<vmem>>, vector<1x16xf32>,
      %parallel_loop3A_179 = arith.index_cast %parallel_loop3A_133 : i32 to index
      %parallel_loop3A_180 = arith.constant 80 : index
      %parallel_loop3A_181 = tpu.vector_load %arg9[%parallel_loop3A_179, %parallel_loop3A_180] {strides = array<i32>} : memref<80x256xf32, #tpu.memory_space<vmem>>, vector<1x16xf32>,
      %parallel_loop3A_182 = vector.shape_cast %parallel_loop3A_181 : vector<1x16xf32> to vector<16xf32>
      %parallel_loop3A_183 = arith.index_cast %parallel_loop3A_133 : i32 to index
      %parallel_loop3A_184 = arith.constant 80 : index
      %parallel_loop3A_185 = tpu.vector_load %arg12[%parallel_loop3A_183, %parallel_loop3A_184] {strides = array<i32>} : memref<80x256xf32, #tpu.memory_space<vmem>>, vector<1x16xf32>,
      %parallel_loop3A_186 = vector.shape_cast %parallel_loop3A_185 : vector<1x16xf32> to vector<16xf32>
      %parallel_loop3A_187 = vector.shape_cast %parallel_loop3A_182 : vector<16xf32> to vector<1x16xf32>
      tpu.vector_store %arg12[%parallel_loop3A_183, %parallel_loop3A_184], %parallel_loop3A_187 {add = true, strides = array<i32>} : memref<80x256xf32, #tpu.memory_space<vmem>>, vector<1x16xf32>,
      %parallel_loop3A_188 = arith.index_cast %parallel_loop3A_133 : i32 to index
      %parallel_loop3A_189 = arith.constant 96 : index
      %parallel_loop3A_190 = tpu.vector_load %arg9[%parallel_loop3A_188, %parallel_loop3A_189] {strides = array<i32>} : memref<80x256xf32, #tpu.memory_space<vmem>>, vector<1x16xf32>,
      %parallel_loop3A_191 = vector.shape_cast %parallel_loop3A_190 : vector<1x16xf32> to vector<16xf32>
      %parallel_loop3A_192 = arith.index_cast %parallel_loop3A_133 : i32 to index
      %parallel_loop3A_193 = arith.constant 96 : index
      %parallel_loop3A_194 = tpu.vector_load %arg12[%parallel_loop3A_192, %parallel_loop3A_193] {strides = array<i32>} : memref<80x256xf32, #tpu.memory_space<vmem>>, vector<1x16xf32>,
      %parallel_loop3A_195 = vector.shape_cast %parallel_loop3A_194 : vector<1x16xf32> to vector<16xf32>
      %parallel_loop3A_196 = vector.shape_cast %parallel_loop3A_191 : vector<16xf32> to vector<1x16xf32>
      tpu.vector_store %arg12[%parallel_loop3A_192, %parallel_loop3A_193], %parallel_loop3A_196 {add = true, strides = array<i32>} : memref<80x256xf32, #tpu.memory_space<vmem>>, vector<1x16xf32>,
      %parallel_loop3A_197 = arith.index_cast %parallel_loop3A_133 : i32 to index
      %parallel_loop3A_198 = arith.constant 112 : index
      %parallel_loop3A_199 = tpu.vector_load %arg9[%parallel_loop3A_197, %parallel_loop3A_198] {strides = array<i32>} : memref<80x256xf32, #tpu.memory_space<vmem>>, vector<1x16xf32>,
      %parallel_loop3A_200 = vector.shape_cast %parallel_loop3A_199 : vector<1x16xf32> to vector<16xf32>
      %parallel_loop3A_201 = arith.index_cast %parallel_loop3A_133 : i32 to index
      %parallel_loop3A_202 = arith.constant 112 : index
      %parallel_loop3A_203 = tpu.vector_load %arg12[%parallel_loop3A_201, %parallel_loop3A_202] {strides = array<i32>} : memref<80x256xf32, #tpu.memory_space<vmem>>, vector<1x16xf32>,
      %parallel_loop3A_204 = vector.shape_cast %parallel_loop3A_203 : vector<1x16xf32> to vector<16xf32>
      %parallel_loop3A_205 = vector.shape_cast %parallel_loop3A_200 : vector<16xf32> to vector<1x16xf32>
      tpu.vector_store %arg12[%parallel_loop3A_201, %parallel_loop3A_202], %parallel_loop3A_205 {add = true, strides = array<i32>} : memref<80x256xf32, #tpu.memory_space<vmem>>, vector<1x16xf32>,
      %parallel_loop3A_206 = arith.index_cast %parallel_loop3A_133 : i32 to index
      %parallel_loop3A_207 = arith.constant 128 : index
      %parallel_loop3A_208 = tpu.vector_load %arg9[%parallel_loop3A_206, %parallel_loop3A_207] {strides = array<i32>} : memref<80x256xf32, #tpu.memory_space<vmem>>, vector<1x16xf32>,
      %parallel_loop3A_209 = vector.shape_cast %parallel_loop3A_208 : vector<1x16xf32> to vector<16xf32>
      %parallel_loop3A_210 = arith.index_cast %parallel_loop3A_133 : i32 to index
      %parallel_loop3A_211 = arith.constant 128 : index
      %parallel_loop3A_212 = tpu.vector_load %arg12[%parallel_loop3A_210, %parallel_loop3A_211] {strides = array<i32>} : memref<80x256xf32, #tpu.memory_space<vmem>>, vector<1x16xf32>,
      %parallel_loop3A_213 = vector.shape_cast %parallel_loop3A_212 : vector<1x16xf32> to vector<16xf32>
      %parallel_loop3A_214 = vector.shape_cast %parallel_loop3A_209 : vector<16xf32> to vector<1x16xf32>
      tpu.vector_store %arg12[%parallel_loop3A_210, %parallel_loop3A_211], %parallel_loop3A_214 {add = true, strides = array<i32>} : memref<80x256xf32, #tpu.memory_space<vmem>>, vector<1x16xf32>,
      %parallel_loop3A_215 = arith.index_cast %parallel_loop3A_133 : i32 to index
      %parallel_loop3A_216 = arith.constant 144 : index
      %parallel_loop3A_217 = tpu.vector_load %arg9[%parallel_loop3A_215, %parallel_loop3A_216] {strides = array<i32>} : memref<80x256xf32, #tpu.memory_space<vmem>>, vector<1x16xf32>,
      %parallel_loop3A_218 = vector.shape_cast %parallel_loop3A_217 : vector<1x16xf32> to vector<16xf32>
      %parallel_loop3A_219 = arith.index_cast %parallel_loop3A_133 : i32 to index
      %parallel_loop3A_220 = arith.constant 144 : index
      %parallel_loop3A_221 = tpu.vector_load %arg12[%parallel_loop3A_219, %parallel_loop3A_220] {strides = array<i32>} : memref<80x256xf32, #tpu.memory_space<vmem>>, vector<1x16xf32>,
      %parallel_loop3A_222 = vector.shape_cast %parallel_loop3A_221 : vector<1x16xf32> to vector<16xf32>
      %parallel_loop3A_223 = vector.shape_cast %parallel_loop3A_218 : vector<16xf32> to vector<1x16xf32>
      tpu.vector_store %arg12[%parallel_loop3A_219, %parallel_loop3A_220], %parallel_loop3A_223 {add = true, strides = array<i32>} : memref<80x256xf32, #tpu.memory_space<vmem>>, vector<1x16xf32>,
      %parallel_loop3A_224 = arith.index_cast %parallel_loop3A_133 : i32 to index
      %parallel_loop3A_225 = arith.constant 160 : index
      %parallel_loop3A_226 = tpu.vector_load %arg9[%parallel_loop3A_224, %parallel_loop3A_225] {strides = array<i32>} : memref<80x256xf32, #tpu.memory_space<vmem>>, vector<1x16xf32>,
      %parallel_loop3A_227 = vector.shape_cast %parallel_loop3A_226 : vector<1x16xf32> to vector<16xf32>
      %parallel_loop3A_228 = arith.index_cast %parallel_loop3A_133 : i32 to index
      %parallel_loop3A_229 = arith.constant 160 : index
      %parallel_loop3A_230 = tpu.vector_load %arg12[%parallel_loop3A_228, %parallel_loop3A_229] {strides = array<i32>} : memref<80x256xf32, #tpu.memory_space<vmem>>, vector<1x16xf32>,
      %parallel_loop3A_231 = vector.shape_cast %parallel_loop3A_230 : vector<1x16xf32> to vector<16xf32>
      %parallel_loop3A_232 = vector.shape_cast %parallel_loop3A_227 : vector<16xf32> to vector<1x16xf32>
      tpu.vector_store %arg12[%parallel_loop3A_228, %parallel_loop3A_229], %parallel_loop3A_232 {add = true, strides = array<i32>} : memref<80x256xf32, #tpu.memory_space<vmem>>, vector<1x16xf32>,
      %parallel_loop3A_233 = arith.index_cast %parallel_loop3A_133 : i32 to index
      %parallel_loop3A_234 = arith.constant 176 : index
      %parallel_loop3A_235 = tpu.vector_load %arg9[%parallel_loop3A_233, %parallel_loop3A_234] {strides = array<i32>} : memref<80x256xf32, #tpu.memory_space<vmem>>, vector<1x16xf32>,
      %parallel_loop3A_236 = vector.shape_cast %parallel_loop3A_235 : vector<1x16xf32> to vector<16xf32>
      %parallel_loop3A_237 = arith.index_cast %parallel_loop3A_133 : i32 to index
      %parallel_loop3A_238 = arith.constant 176 : index
      %parallel_loop3A_239 = tpu.vector_load %arg12[%parallel_loop3A_237, %parallel_loop3A_238] {strides = array<i32>} : memref<80x256xf32, #tpu.memory_space<vmem>>, vector<1x16xf32>,
      %parallel_loop3A_240 = vector.shape_cast %parallel_loop3A_239 : vector<1x16xf32> to vector<16xf32>
      %parallel_loop3A_241 = vector.shape_cast %parallel_loop3A_236 : vector<16xf32> to vector<1x16xf32>
      tpu.vector_store %arg12[%parallel_loop3A_237, %parallel_loop3A_238], %parallel_loop3A_241 {add = true, strides = array<i32>} : memref<80x256xf32, #tpu.memory_space<vmem>>, vector<1x16xf32>,
      %parallel_loop3A_242 = arith.index_cast %parallel_loop3A_133 : i32 to index
      %parallel_loop3A_243 = arith.constant 192 : index
      %parallel_loop3A_244 = tpu.vector_load %arg9[%parallel_loop3A_242, %parallel_loop3A_243] {strides = array<i32>} : memref<80x256xf32, #tpu.memory_space<vmem>>, vector<1x16xf32>,
      %parallel_loop3A_245 = vector.shape_cast %parallel_loop3A_244 : vector<1x16xf32> to vector<16xf32>
      %parallel_loop3A_246 = arith.index_cast %parallel_loop3A_133 : i32 to index
      %parallel_loop3A_247 = arith.constant 192 : index
      %parallel_loop3A_248 = tpu.vector_load %arg12[%parallel_loop3A_246, %parallel_loop3A_247] {strides = array<i32>} : memref<80x256xf32, #tpu.memory_space<vmem>>, vector<1x16xf32>,
      %parallel_loop3A_249 = vector.shape_cast %parallel_loop3A_248 : vector<1x16xf32> to vector<16xf32>
      %parallel_loop3A_250 = vector.shape_cast %parallel_loop3A_245 : vector<16xf32> to vector<1x16xf32>
      tpu.vector_store %arg12[%parallel_loop3A_246, %parallel_loop3A_247], %parallel_loop3A_250 {add = true, strides = array<i32>} : memref<80x256xf32, #tpu.memory_space<vmem>>, vector<1x16xf32>,
      %parallel_loop3A_251 = arith.index_cast %parallel_loop3A_133 : i32 to index
      %parallel_loop3A_252 = arith.constant 208 : index
      %parallel_loop3A_253 = tpu.vector_load %arg9[%parallel_loop3A_251, %parallel_loop3A_252] {strides = array<i32>} : memref<80x256xf32, #tpu.memory_space<vmem>>, vector<1x16xf32>,
      %parallel_loop3A_254 = vector.shape_cast %parallel_loop3A_253 : vector<1x16xf32> to vector<16xf32>
      %parallel_loop3A_255 = arith.index_cast %parallel_loop3A_133 : i32 to index
      %parallel_loop3A_256 = arith.constant 208 : index
      %parallel_loop3A_257 = tpu.vector_load %arg12[%parallel_loop3A_255, %parallel_loop3A_256] {strides = array<i32>} : memref<80x256xf32, #tpu.memory_space<vmem>>, vector<1x16xf32>,
      %parallel_loop3A_258 = vector.shape_cast %parallel_loop3A_257 : vector<1x16xf32> to vector<16xf32>
      %parallel_loop3A_259 = vector.shape_cast %parallel_loop3A_254 : vector<16xf32> to vector<1x16xf32>
      tpu.vector_store %arg12[%parallel_loop3A_255, %parallel_loop3A_256], %parallel_loop3A_259 {add = true, strides = array<i32>} : memref<80x256xf32, #tpu.memory_space<vmem>>, vector<1x16xf32>,
      %parallel_loop3A_260 = arith.index_cast %parallel_loop3A_133 : i32 to index
      %parallel_loop3A_261 = arith.constant 224 : index
      %parallel_loop3A_262 = tpu.vector_load %arg9[%parallel_loop3A_260, %parallel_loop3A_261] {strides = array<i32>} : memref<80x256xf32, #tpu.memory_space<vmem>>, vector<1x16xf32>,
      %parallel_loop3A_263 = vector.shape_cast %parallel_loop3A_262 : vector<1x16xf32> to vector<16xf32>
      %parallel_loop3A_264 = arith.index_cast %parallel_loop3A_133 : i32 to index
      %parallel_loop3A_265 = arith.constant 224 : index
      %parallel_loop3A_266 = tpu.vector_load %arg12[%parallel_loop3A_264, %parallel_loop3A_265] {strides = array<i32>} : memref<80x256xf32, #tpu.memory_space<vmem>>, vector<1x16xf32>,
      %parallel_loop3A_267 = vector.shape_cast %parallel_loop3A_266 : vector<1x16xf32> to vector<16xf32>
      %parallel_loop3A_268 = vector.shape_cast %parallel_loop3A_263 : vector<16xf32> to vector<1x16xf32>
      tpu.vector_store %arg12[%parallel_loop3A_264, %parallel_loop3A_265], %parallel_loop3A_268 {add = true, strides = array<i32>} : memref<80x256xf32, #tpu.memory_space<vmem>>, vector<1x16xf32>,
      %parallel_loop3A_269 = arith.index_cast %parallel_loop3A_133 : i32 to index
      %parallel_loop3A_270 = arith.constant 240 : index
      %parallel_loop3A_271 = tpu.vector_load %arg9[%parallel_loop3A_269, %parallel_loop3A_270] {strides = array<i32>} : memref<80x256xf32, #tpu.memory_space<vmem>>, vector<1x16xf32>,
      %parallel_loop3A_272 = vector.shape_cast %parallel_loop3A_271 : vector<1x16xf32> to vector<16xf32>
      %parallel_loop3A_273 = arith.index_cast %parallel_loop3A_133 : i32 to index
      %parallel_loop3A_274 = arith.constant 240 : index
      %parallel_loop3A_275 = tpu.vector_load %arg12[%parallel_loop3A_273, %parallel_loop3A_274] {strides = array<i32>} : memref<80x256xf32, #tpu.memory_space<vmem>>, vector<1x16xf32>,
      %parallel_loop3A_276 = vector.shape_cast %parallel_loop3A_275 : vector<1x16xf32> to vector<16xf32>
      %parallel_loop3A_277 = vector.shape_cast %parallel_loop3A_272 : vector<16xf32> to vector<1x16xf32>
      tpu.vector_store %arg12[%parallel_loop3A_273, %parallel_loop3A_274], %parallel_loop3A_277 {add = true, strides = array<i32>} : memref<80x256xf32, #tpu.memory_space<vmem>>, vector<1x16xf32>,
    } {sc.loop_unroll_factor = 4 : i64, sc.parallel_access}
    %add3A_97 = arith.constant 160 : i32
    %add3A_98 = arith.addi %min3A_3, %add3A_97 : i32
    %dma_start3A_99 = arith.constant 0 : i32
    %dma_start3A_100 = tpu.memref_slice %arg5[%add3A_98, %dma_start3A_99] : memref<10000x256xf32, #tpu.memory_space<hbm>> -> memref<80x256xf32, #tpu.memory_space<hbm>>
    %dma_start3A_101 = arith.constant 0 : i32
    %dma_start3A_102 = tpu.memref_slice %arg5[%add3A_98, %dma_start3A_101] : memref<10000x256xf32, #tpu.memory_space<hbm>> -> memref<80x256xf32, #tpu.memory_space<hbm>>
    tpu.enqueue_dma source(%arg12 : memref<80x256xf32, #tpu.memory_space<vmem>>) target(%dma_start3A_102 : memref<80x256xf32, #tpu.memory_space<hbm>>) target_semaphore(%arg21 : memref<!tpu.dma_semaphore, #tpu.memory_space<semaphore_mem>>)
    %dma_wait3A_103 = arith.constant 240 : i32
    %dma_wait3A_104 = tpu.memref_slice %arg6[%dma_wait3A_103] : memref<320xi32, #tpu.memory_space<vmem>> -> memref<80xi32, #tpu.memory_space<vmem>>
    %dma_wait3A_105 = arith.constant 0 : i32
    %dma_wait3A_106 = arith.constant 0 : i32
    %dma_wait3A_107 = tpu.memref_slice %arg2[%dma_wait3A_105, %dma_wait3A_106] : memref<10001x256xf32, #tpu.memory_space<hbm>> -> memref<10001x256xf32, #tpu.memory_space<hbm>>
    tpu.wait_indirect_dma semaphore(%arg13 : memref<!tpu.dma_semaphore, #tpu.memory_space<semaphore_mem>>) src(%dma_wait3A_107 : memref<10001x256xf32, #tpu.memory_space<hbm>>) dst(%arg7 : memref<80x256xf32, #tpu.memory_space<vmem>>)
    %dma_wait3A_108 = arith.constant 0 : i32
    %dma_wait3A_109 = tpu.memref_slice %arg3[%add3A_62, %dma_wait3A_108] : memref<10000x256xf32, #tpu.memory_space<hbm>> -> memref<80x256xf32, #tpu.memory_space<hbm>>
    %dma_wait3A_110 = arith.constant 0 : i32
    %dma_wait3A_111 = tpu.memref_slice %arg3[%add3A_62, %dma_wait3A_110] : memref<10000x256xf32, #tpu.memory_space<hbm>> -> memref<80x256xf32, #tpu.memory_space<hbm>>
    tpu.wait_dma2 semaphore(%arg16 : memref<!tpu.dma_semaphore, #tpu.memory_space<semaphore_mem>>) src(%dma_wait3A_111 : memref<80x256xf32, #tpu.memory_space<hbm>>) dst(%arg10 : memref<80x256xf32, #tpu.memory_space<vmem>>)
    %parallel_loop3A_112 = arith.constant 0 : i32
    %parallel_loop3A_113 = arith.constant 80 : i32
    %parallel_loop3A_114 = arith.constant 1 : i32
    scf.for %parallel_loop3A_133 = %parallel_loop3A_112 to %parallel_loop3A_113 step %parallel_loop3A_114  : i32 {
      %parallel_loop3A_134 = arith.index_cast %parallel_loop3A_133 : i32 to index
      %parallel_loop3A_135 = arith.constant 0 : index
      %parallel_loop3A_136 = tpu.vector_load %arg7[%parallel_loop3A_134, %parallel_loop3A_135] {strides = array<i32>} : memref<80x256xf32, #tpu.memory_space<vmem>>, vector<1x16xf32>,
      %parallel_loop3A_137 = vector.shape_cast %parallel_loop3A_136 : vector<1x16xf32> to vector<16xf32>
      %parallel_loop3A_138 = arith.index_cast %parallel_loop3A_133 : i32 to index
      %parallel_loop3A_139 = arith.constant 0 : index
      %parallel_loop3A_140 = tpu.vector_load %arg10[%parallel_loop3A_138, %parallel_loop3A_139] {strides = array<i32>} : memref<80x256xf32, #tpu.memory_space<vmem>>, vector<1x16xf32>,
      %parallel_loop3A_141 = vector.shape_cast %parallel_loop3A_140 : vector<1x16xf32> to vector<16xf32>
      %parallel_loop3A_142 = vector.shape_cast %parallel_loop3A_137 : vector<16xf32> to vector<1x16xf32>
      tpu.vector_store %arg10[%parallel_loop3A_138, %parallel_loop3A_139], %parallel_loop3A_142 {add = true, strides = array<i32>} : memref<80x256xf32, #tpu.memory_space<vmem>>, vector<1x16xf32>,
      %parallel_loop3A_143 = arith.index_cast %parallel_loop3A_133 : i32 to index
      %parallel_loop3A_144 = arith.constant 16 : index
      %parallel_loop3A_145 = tpu.vector_load %arg7[%parallel_loop3A_143, %parallel_loop3A_144] {strides = array<i32>} : memref<80x256xf32, #tpu.memory_space<vmem>>, vector<1x16xf32>,
      %parallel_loop3A_146 = vector.shape_cast %parallel_loop3A_145 : vector<1x16xf32> to vector<16xf32>
      %parallel_loop3A_147 = arith.index_cast %parallel_loop3A_133 : i32 to index
      %parallel_loop3A_148 = arith.constant 16 : index
      %parallel_loop3A_149 = tpu.vector_load %arg10[%parallel_loop3A_147, %parallel_loop3A_148] {strides = array<i32>} : memref<80x256xf32, #tpu.memory_space<vmem>>, vector<1x16xf32>,
      %parallel_loop3A_150 = vector.shape_cast %parallel_loop3A_149 : vector<1x16xf32> to vector<16xf32>
      %parallel_loop3A_151 = vector.shape_cast %parallel_loop3A_146 : vector<16xf32> to vector<1x16xf32>
      tpu.vector_store %arg10[%parallel_loop3A_147, %parallel_loop3A_148], %parallel_loop3A_151 {add = true, strides = array<i32>} : memref<80x256xf32, #tpu.memory_space<vmem>>, vector<1x16xf32>,
      %parallel_loop3A_152 = arith.index_cast %parallel_loop3A_133 : i32 to index
      %parallel_loop3A_153 = arith.constant 32 : index
      %parallel_loop3A_154 = tpu.vector_load %arg7[%parallel_loop3A_152, %parallel_loop3A_153] {strides = array<i32>} : memref<80x256xf32, #tpu.memory_space<vmem>>, vector<1x16xf32>,
      %parallel_loop3A_155 = vector.shape_cast %parallel_loop3A_154 : vector<1x16xf32> to vector<16xf32>
      %parallel_loop3A_156 = arith.index_cast %parallel_loop3A_133 : i32 to index
      %parallel_loop3A_157 = arith.constant 32 : index
      %parallel_loop3A_158 = tpu.vector_load %arg10[%parallel_loop3A_156, %parallel_loop3A_157] {strides = array<i32>} : memref<80x256xf32, #tpu.memory_space<vmem>>, vector<1x16xf32>,
      %parallel_loop3A_159 = vector.shape_cast %parallel_loop3A_158 : vector<1x16xf32> to vector<16xf32>
      %parallel_loop3A_160 = vector.shape_cast %parallel_loop3A_155 : vector<16xf32> to vector<1x16xf32>
      tpu.vector_store %arg10[%parallel_loop3A_156, %parallel_loop3A_157], %parallel_loop3A_160 {add = true, strides = array<i32>} : memref<80x256xf32, #tpu.memory_space<vmem>>, vector<1x16xf32>,
      %parallel_loop3A_161 = arith.index_cast %parallel_loop3A_133 : i32 to index
      %parallel_loop3A_162 = arith.constant 48 : index
      %parallel_loop3A_163 = tpu.vector_load %arg7[%parallel_loop3A_161, %parallel_loop3A_162] {strides = array<i32>} : memref<80x256xf32, #tpu.memory_space<vmem>>, vector<1x16xf32>,
      %parallel_loop3A_164 = vector.shape_cast %parallel_loop3A_163 : vector<1x16xf32> to vector<16xf32>
      %parallel_loop3A_165 = arith.index_cast %parallel_loop3A_133 : i32 to index
      %parallel_loop3A_166 = arith.constant 48 : index
      %parallel_loop3A_167 = tpu.vector_load %arg10[%parallel_loop3A_165, %parallel_loop3A_166] {strides = array<i32>} : memref<80x256xf32, #tpu.memory_space<vmem>>, vector<1x16xf32>,
      %parallel_loop3A_168 = vector.shape_cast %parallel_loop3A_167 : vector<1x16xf32> to vector<16xf32>
      %parallel_loop3A_169 = vector.shape_cast %parallel_loop3A_164 : vector<16xf32> to vector<1x16xf32>
      tpu.vector_store %arg10[%parallel_loop3A_165, %parallel_loop3A_166], %parallel_loop3A_169 {add = true, strides = array<i32>} : memref<80x256xf32, #tpu.memory_space<vmem>>, vector<1x16xf32>,
      %parallel_loop3A_170 = arith.index_cast %parallel_loop3A_133 : i32 to index
      %parallel_loop3A_171 = arith.constant 64 : index
      %parallel_loop3A_172 = tpu.vector_load %arg7[%parallel_loop3A_170, %parallel_loop3A_171] {strides = array<i32>} : memref<80x256xf32, #tpu.memory_space<vmem>>, vector<1x16xf32>,
      %parallel_loop3A_173 = vector.shape_cast %parallel_loop3A_172 : vector<1x16xf32> to vector<16xf32>
      %parallel_loop3A_174 = arith.index_cast %parallel_loop3A_133 : i32 to index
      %parallel_loop3A_175 = arith.constant 64 : index
      %parallel_loop3A_176 = tpu.vector_load %arg10[%parallel_loop3A_174, %parallel_loop3A_175] {strides = array<i32>} : memref<80x256xf32, #tpu.memory_space<vmem>>, vector<1x16xf32>,
      %parallel_loop3A_177 = vector.shape_cast %parallel_loop3A_176 : vector<1x16xf32> to vector<16xf32>
      %parallel_loop3A_178 = vector.shape_cast %parallel_loop3A_173 : vector<16xf32> to vector<1x16xf32>
      tpu.vector_store %arg10[%parallel_loop3A_174, %parallel_loop3A_175], %parallel_loop3A_178 {add = true, strides = array<i32>} : memref<80x256xf32, #tpu.memory_space<vmem>>, vector<1x16xf32>,
      %parallel_loop3A_179 = arith.index_cast %parallel_loop3A_133 : i32 to index
      %parallel_loop3A_180 = arith.constant 80 : index
      %parallel_loop3A_181 = tpu.vector_load %arg7[%parallel_loop3A_179, %parallel_loop3A_180] {strides = array<i32>} : memref<80x256xf32, #tpu.memory_space<vmem>>, vector<1x16xf32>,
      %parallel_loop3A_182 = vector.shape_cast %parallel_loop3A_181 : vector<1x16xf32> to vector<16xf32>
      %parallel_loop3A_183 = arith.index_cast %parallel_loop3A_133 : i32 to index
      %parallel_loop3A_184 = arith.constant 80 : index
      %parallel_loop3A_185 = tpu.vector_load %arg10[%parallel_loop3A_183, %parallel_loop3A_184] {strides = array<i32>} : memref<80x256xf32, #tpu.memory_space<vmem>>, vector<1x16xf32>,
      %parallel_loop3A_186 = vector.shape_cast %parallel_loop3A_185 : vector<1x16xf32> to vector<16xf32>
      %parallel_loop3A_187 = vector.shape_cast %parallel_loop3A_182 : vector<16xf32> to vector<1x16xf32>
      tpu.vector_store %arg10[%parallel_loop3A_183, %parallel_loop3A_184], %parallel_loop3A_187 {add = true, strides = array<i32>} : memref<80x256xf32, #tpu.memory_space<vmem>>, vector<1x16xf32>,
      %parallel_loop3A_188 = arith.index_cast %parallel_loop3A_133 : i32 to index
      %parallel_loop3A_189 = arith.constant 96 : index
      %parallel_loop3A_190 = tpu.vector_load %arg7[%parallel_loop3A_188, %parallel_loop3A_189] {strides = array<i32>} : memref<80x256xf32, #tpu.memory_space<vmem>>, vector<1x16xf32>,
      %parallel_loop3A_191 = vector.shape_cast %parallel_loop3A_190 : vector<1x16xf32> to vector<16xf32>
      %parallel_loop3A_192 = arith.index_cast %parallel_loop3A_133 : i32 to index
      %parallel_loop3A_193 = arith.constant 96 : index
      %parallel_loop3A_194 = tpu.vector_load %arg10[%parallel_loop3A_192, %parallel_loop3A_193] {strides = array<i32>} : memref<80x256xf32, #tpu.memory_space<vmem>>, vector<1x16xf32>,
      %parallel_loop3A_195 = vector.shape_cast %parallel_loop3A_194 : vector<1x16xf32> to vector<16xf32>
      %parallel_loop3A_196 = vector.shape_cast %parallel_loop3A_191 : vector<16xf32> to vector<1x16xf32>
      tpu.vector_store %arg10[%parallel_loop3A_192, %parallel_loop3A_193], %parallel_loop3A_196 {add = true, strides = array<i32>} : memref<80x256xf32, #tpu.memory_space<vmem>>, vector<1x16xf32>,
      %parallel_loop3A_197 = arith.index_cast %parallel_loop3A_133 : i32 to index
      %parallel_loop3A_198 = arith.constant 112 : index
      %parallel_loop3A_199 = tpu.vector_load %arg7[%parallel_loop3A_197, %parallel_loop3A_198] {strides = array<i32>} : memref<80x256xf32, #tpu.memory_space<vmem>>, vector<1x16xf32>,
      %parallel_loop3A_200 = vector.shape_cast %parallel_loop3A_199 : vector<1x16xf32> to vector<16xf32>
      %parallel_loop3A_201 = arith.index_cast %parallel_loop3A_133 : i32 to index
      %parallel_loop3A_202 = arith.constant 112 : index
      %parallel_loop3A_203 = tpu.vector_load %arg10[%parallel_loop3A_201, %parallel_loop3A_202] {strides = array<i32>} : memref<80x256xf32, #tpu.memory_space<vmem>>, vector<1x16xf32>,
      %parallel_loop3A_204 = vector.shape_cast %parallel_loop3A_203 : vector<1x16xf32> to vector<16xf32>
      %parallel_loop3A_205 = vector.shape_cast %parallel_loop3A_200 : vector<16xf32> to vector<1x16xf32>
      tpu.vector_store %arg10[%parallel_loop3A_201, %parallel_loop3A_202], %parallel_loop3A_205 {add = true, strides = array<i32>} : memref<80x256xf32, #tpu.memory_space<vmem>>, vector<1x16xf32>,
      %parallel_loop3A_206 = arith.index_cast %parallel_loop3A_133 : i32 to index
      %parallel_loop3A_207 = arith.constant 128 : index
      %parallel_loop3A_208 = tpu.vector_load %arg7[%parallel_loop3A_206, %parallel_loop3A_207] {strides = array<i32>} : memref<80x256xf32, #tpu.memory_space<vmem>>, vector<1x16xf32>,
      %parallel_loop3A_209 = vector.shape_cast %parallel_loop3A_208 : vector<1x16xf32> to vector<16xf32>
      %parallel_loop3A_210 = arith.index_cast %parallel_loop3A_133 : i32 to index
      %parallel_loop3A_211 = arith.constant 128 : index
      %parallel_loop3A_212 = tpu.vector_load %arg10[%parallel_loop3A_210, %parallel_loop3A_211] {strides = array<i32>} : memref<80x256xf32, #tpu.memory_space<vmem>>, vector<1x16xf32>,
      %parallel_loop3A_213 = vector.shape_cast %parallel_loop3A_212 : vector<1x16xf32> to vector<16xf32>
      %parallel_loop3A_214 = vector.shape_cast %parallel_loop3A_209 : vector<16xf32> to vector<1x16xf32>
      tpu.vector_store %arg10[%parallel_loop3A_210, %parallel_loop3A_211], %parallel_loop3A_214 {add = true, strides = array<i32>} : memref<80x256xf32, #tpu.memory_space<vmem>>, vector<1x16xf32>,
      %parallel_loop3A_215 = arith.index_cast %parallel_loop3A_133 : i32 to index
      %parallel_loop3A_216 = arith.constant 144 : index
      %parallel_loop3A_217 = tpu.vector_load %arg7[%parallel_loop3A_215, %parallel_loop3A_216] {strides = array<i32>} : memref<80x256xf32, #tpu.memory_space<vmem>>, vector<1x16xf32>,
      %parallel_loop3A_218 = vector.shape_cast %parallel_loop3A_217 : vector<1x16xf32> to vector<16xf32>
      %parallel_loop3A_219 = arith.index_cast %parallel_loop3A_133 : i32 to index
      %parallel_loop3A_220 = arith.constant 144 : index
      %parallel_loop3A_221 = tpu.vector_load %arg10[%parallel_loop3A_219, %parallel_loop3A_220] {strides = array<i32>} : memref<80x256xf32, #tpu.memory_space<vmem>>, vector<1x16xf32>,
      %parallel_loop3A_222 = vector.shape_cast %parallel_loop3A_221 : vector<1x16xf32> to vector<16xf32>
      %parallel_loop3A_223 = vector.shape_cast %parallel_loop3A_218 : vector<16xf32> to vector<1x16xf32>
      tpu.vector_store %arg10[%parallel_loop3A_219, %parallel_loop3A_220], %parallel_loop3A_223 {add = true, strides = array<i32>} : memref<80x256xf32, #tpu.memory_space<vmem>>, vector<1x16xf32>,
      %parallel_loop3A_224 = arith.index_cast %parallel_loop3A_133 : i32 to index
      %parallel_loop3A_225 = arith.constant 160 : index
      %parallel_loop3A_226 = tpu.vector_load %arg7[%parallel_loop3A_224, %parallel_loop3A_225] {strides = array<i32>} : memref<80x256xf32, #tpu.memory_space<vmem>>, vector<1x16xf32>,
      %parallel_loop3A_227 = vector.shape_cast %parallel_loop3A_226 : vector<1x16xf32> to vector<16xf32>
      %parallel_loop3A_228 = arith.index_cast %parallel_loop3A_133 : i32 to index
      %parallel_loop3A_229 = arith.constant 160 : index
      %parallel_loop3A_230 = tpu.vector_load %arg10[%parallel_loop3A_228, %parallel_loop3A_229] {strides = array<i32>} : memref<80x256xf32, #tpu.memory_space<vmem>>, vector<1x16xf32>,
      %parallel_loop3A_231 = vector.shape_cast %parallel_loop3A_230 : vector<1x16xf32> to vector<16xf32>
      %parallel_loop3A_232 = vector.shape_cast %parallel_loop3A_227 : vector<16xf32> to vector<1x16xf32>
      tpu.vector_store %arg10[%parallel_loop3A_228, %parallel_loop3A_229], %parallel_loop3A_232 {add = true, strides = array<i32>} : memref<80x256xf32, #tpu.memory_space<vmem>>, vector<1x16xf32>,
      %parallel_loop3A_233 = arith.index_cast %parallel_loop3A_133 : i32 to index
      %parallel_loop3A_234 = arith.constant 176 : index
      %parallel_loop3A_235 = tpu.vector_load %arg7[%parallel_loop3A_233, %parallel_loop3A_234] {strides = array<i32>} : memref<80x256xf32, #tpu.memory_space<vmem>>, vector<1x16xf32>,
      %parallel_loop3A_236 = vector.shape_cast %parallel_loop3A_235 : vector<1x16xf32> to vector<16xf32>
      %parallel_loop3A_237 = arith.index_cast %parallel_loop3A_133 : i32 to index
      %parallel_loop3A_238 = arith.constant 176 : index
      %parallel_loop3A_239 = tpu.vector_load %arg10[%parallel_loop3A_237, %parallel_loop3A_238] {strides = array<i32>} : memref<80x256xf32, #tpu.memory_space<vmem>>, vector<1x16xf32>,
      %parallel_loop3A_240 = vector.shape_cast %parallel_loop3A_239 : vector<1x16xf32> to vector<16xf32>
      %parallel_loop3A_241 = vector.shape_cast %parallel_loop3A_236 : vector<16xf32> to vector<1x16xf32>
      tpu.vector_store %arg10[%parallel_loop3A_237, %parallel_loop3A_238], %parallel_loop3A_241 {add = true, strides = array<i32>} : memref<80x256xf32, #tpu.memory_space<vmem>>, vector<1x16xf32>,
      %parallel_loop3A_242 = arith.index_cast %parallel_loop3A_133 : i32 to index
      %parallel_loop3A_243 = arith.constant 192 : index
      %parallel_loop3A_244 = tpu.vector_load %arg7[%parallel_loop3A_242, %parallel_loop3A_243] {strides = array<i32>} : memref<80x256xf32, #tpu.memory_space<vmem>>, vector<1x16xf32>,
      %parallel_loop3A_245 = vector.shape_cast %parallel_loop3A_244 : vector<1x16xf32> to vector<16xf32>
      %parallel_loop3A_246 = arith.index_cast %parallel_loop3A_133 : i32 to index
      %parallel_loop3A_247 = arith.constant 192 : index
      %parallel_loop3A_248 = tpu.vector_load %arg10[%parallel_loop3A_246, %parallel_loop3A_247] {strides = array<i32>} : memref<80x256xf32, #tpu.memory_space<vmem>>, vector<1x16xf32>,
      %parallel_loop3A_249 = vector.shape_cast %parallel_loop3A_248 : vector<1x16xf32> to vector<16xf32>
      %parallel_loop3A_250 = vector.shape_cast %parallel_loop3A_245 : vector<16xf32> to vector<1x16xf32>
      tpu.vector_store %arg10[%parallel_loop3A_246, %parallel_loop3A_247], %parallel_loop3A_250 {add = true, strides = array<i32>} : memref<80x256xf32, #tpu.memory_space<vmem>>, vector<1x16xf32>,
      %parallel_loop3A_251 = arith.index_cast %parallel_loop3A_133 : i32 to index
      %parallel_loop3A_252 = arith.constant 208 : index
      %parallel_loop3A_253 = tpu.vector_load %arg7[%parallel_loop3A_251, %parallel_loop3A_252] {strides = array<i32>} : memref<80x256xf32, #tpu.memory_space<vmem>>, vector<1x16xf32>,
      %parallel_loop3A_254 = vector.shape_cast %parallel_loop3A_253 : vector<1x16xf32> to vector<16xf32>
      %parallel_loop3A_255 = arith.index_cast %parallel_loop3A_133 : i32 to index
      %parallel_loop3A_256 = arith.constant 208 : index
      %parallel_loop3A_257 = tpu.vector_load %arg10[%parallel_loop3A_255, %parallel_loop3A_256] {strides = array<i32>} : memref<80x256xf32, #tpu.memory_space<vmem>>, vector<1x16xf32>,
      %parallel_loop3A_258 = vector.shape_cast %parallel_loop3A_257 : vector<1x16xf32> to vector<16xf32>
      %parallel_loop3A_259 = vector.shape_cast %parallel_loop3A_254 : vector<16xf32> to vector<1x16xf32>
      tpu.vector_store %arg10[%parallel_loop3A_255, %parallel_loop3A_256], %parallel_loop3A_259 {add = true, strides = array<i32>} : memref<80x256xf32, #tpu.memory_space<vmem>>, vector<1x16xf32>,
      %parallel_loop3A_260 = arith.index_cast %parallel_loop3A_133 : i32 to index
      %parallel_loop3A_261 = arith.constant 224 : index
      %parallel_loop3A_262 = tpu.vector_load %arg7[%parallel_loop3A_260, %parallel_loop3A_261] {strides = array<i32>} : memref<80x256xf32, #tpu.memory_space<vmem>>, vector<1x16xf32>,
      %parallel_loop3A_263 = vector.shape_cast %parallel_loop3A_262 : vector<1x16xf32> to vector<16xf32>
      %parallel_loop3A_264 = arith.index_cast %parallel_loop3A_133 : i32 to index
      %parallel_loop3A_265 = arith.constant 224 : index
      %parallel_loop3A_266 = tpu.vector_load %arg10[%parallel_loop3A_264, %parallel_loop3A_265] {strides = array<i32>} : memref<80x256xf32, #tpu.memory_space<vmem>>, vector<1x16xf32>,
      %parallel_loop3A_267 = vector.shape_cast %parallel_loop3A_266 : vector<1x16xf32> to vector<16xf32>
      %parallel_loop3A_268 = vector.shape_cast %parallel_loop3A_263 : vector<16xf32> to vector<1x16xf32>
      tpu.vector_store %arg10[%parallel_loop3A_264, %parallel_loop3A_265], %parallel_loop3A_268 {add = true, strides = array<i32>} : memref<80x256xf32, #tpu.memory_space<vmem>>, vector<1x16xf32>,
      %parallel_loop3A_269 = arith.index_cast %parallel_loop3A_133 : i32 to index
      %parallel_loop3A_270 = arith.constant 240 : index
      %parallel_loop3A_271 = tpu.vector_load %arg7[%parallel_loop3A_269, %parallel_loop3A_270] {strides = array<i32>} : memref<80x256xf32, #tpu.memory_space<vmem>>, vector<1x16xf32>,
      %parallel_loop3A_272 = vector.shape_cast %parallel_loop3A_271 : vector<1x16xf32> to vector<16xf32>
      %parallel_loop3A_273 = arith.index_cast %parallel_loop3A_133 : i32 to index
      %parallel_loop3A_274 = arith.constant 240 : index
      %parallel_loop3A_275 = tpu.vector_load %arg10[%parallel_loop3A_273, %parallel_loop3A_274] {strides = array<i32>} : memref<80x256xf32, #tpu.memory_space<vmem>>, vector<1x16xf32>,
      %parallel_loop3A_276 = vector.shape_cast %parallel_loop3A_275 : vector<1x16xf32> to vector<16xf32>
      %parallel_loop3A_277 = vector.shape_cast %parallel_loop3A_272 : vector<16xf32> to vector<1x16xf32>
      tpu.vector_store %arg10[%parallel_loop3A_273, %parallel_loop3A_274], %parallel_loop3A_277 {add = true, strides = array<i32>} : memref<80x256xf32, #tpu.memory_space<vmem>>, vector<1x16xf32>,
    } {sc.loop_unroll_factor = 4 : i64, sc.parallel_access}
    %add3A_115 = arith.constant 240 : i32
    %add3A_116 = arith.addi %min3A_3, %add3A_115 : i32
    %dma_start3A_117 = arith.constant 0 : i32
    %dma_start3A_118 = tpu.memref_slice %arg5[%add3A_116, %dma_start3A_117] : memref<10000x256xf32, #tpu.memory_space<hbm>> -> memref<80x256xf32, #tpu.memory_space<hbm>>
    %dma_start3A_119 = arith.constant 0 : i32
    %dma_start3A_120 = tpu.memref_slice %arg5[%add3A_116, %dma_start3A_119] : memref<10000x256xf32, #tpu.memory_space<hbm>> -> memref<80x256xf32, #tpu.memory_space<hbm>>
    tpu.enqueue_dma source(%arg10 : memref<80x256xf32, #tpu.memory_space<vmem>>) target(%dma_start3A_120 : memref<80x256xf32, #tpu.memory_space<hbm>>) target_semaphore(%arg19 : memref<!tpu.dma_semaphore, #tpu.memory_space<semaphore_mem>>)
    %dma_wait3A_121 = arith.constant 0 : i32
    %dma_wait3A_122 = tpu.memref_slice %arg5[%add3A_116, %dma_wait3A_121] : memref<10000x256xf32, #tpu.memory_space<hbm>> -> memref<80x256xf32, #tpu.memory_space<hbm>>
    %dma_wait3A_123 = arith.constant 0 : i32
    %dma_wait3A_124 = tpu.memref_slice %arg5[%add3A_116, %dma_wait3A_123] : memref<10000x256xf32, #tpu.memory_space<hbm>> -> memref<80x256xf32, #tpu.memory_space<hbm>>
    tpu.wait_dma2 semaphore(%arg19 : memref<!tpu.dma_semaphore, #tpu.memory_space<semaphore_mem>>) src(%arg10 : memref<80x256xf32, #tpu.memory_space<vmem>>) dst(%dma_wait3A_124 : memref<80x256xf32, #tpu.memory_space<hbm>>)
    %dma_wait3A_125 = arith.constant 0 : i32
    %dma_wait3A_126 = tpu.memref_slice %arg5[%add3A_80, %dma_wait3A_125] : memref<10000x256xf32, #tpu.memory_space<hbm>> -> memref<80x256xf32, #tpu.memory_space<hbm>>
    %dma_wait3A_127 = arith.constant 0 : i32
    %dma_wait3A_128 = tpu.memref_slice %arg5[%add3A_80, %dma_wait3A_127] : memref<10000x256xf32, #tpu.memory_space<hbm>> -> memref<80x256xf32, #tpu.memory_space<hbm>>
    tpu.wait_dma2 semaphore(%arg20 : memref<!tpu.dma_semaphore, #tpu.memory_space<semaphore_mem>>) src(%arg11 : memref<80x256xf32, #tpu.memory_space<vmem>>) dst(%dma_wait3A_128 : memref<80x256xf32, #tpu.memory_space<hbm>>)
    %dma_wait3A_129 = arith.constant 0 : i32
    %dma_wait3A_130 = tpu.memref_slice %arg5[%add3A_98, %dma_wait3A_129] : memref<10000x256xf32, #tpu.memory_space<hbm>> -> memref<80x256xf32, #tpu.memory_space<hbm>>
    %dma_wait3A_131 = arith.constant 0 : i32
    %dma_wait3A_132 = tpu.memref_slice %arg5[%add3A_98, %dma_wait3A_131] : memref<10000x256xf32, #tpu.memory_space<hbm>> -> memref<80x256xf32, #tpu.memory_space<hbm>>
    tpu.wait_dma2 semaphore(%arg21 : memref<!tpu.dma_semaphore, #tpu.memory_space<semaphore_mem>>) src(%arg12 : memref<80x256xf32, #tpu.memory_space<vmem>>) dst(%dma_wait3A_132 : memref<80x256xf32, #tpu.memory_space<hbm>>)
    return
  }
}

module attributes {stable_mosaic.version = 14 : i64} {
  func.func @_degree_body(%arg0: i32, %arg1: memref<200x10000xf32, #tpu.memory_space<vmem>>, %arg2: memref<1x10000xi32, #tpu.memory_space<vmem>>, %arg3: memref<1x10000xf32, #tpu.memory_space<vmem>>) attributes {dimension_semantics = [#tpu.dimension_semantics<arbitrary>], iteration_bounds = array<i64: 50>, scalar_prefetch = 0 : i64, scratch_operands = 1 : i64, tpu.core_type = #tpu.core_type<tc>, window_params = [{transform_indices = @transform_0, window_bounds = array<i64: 200, 10000>}, {pipeline_mode = #tpu.pipeline_mode<synchronous>, transform_indices = @transform_1, window_bounds = array<i64: 1, 10000>}]} {
    %eq3A = arith.constant 0 : i32
    %eq3A_0 = arith.cmpi eq, %arg0, %eq3A : i32
    %convert_element_type3A = arith.extui %eq3A_0 : i1 to i32
    %cond3A = arith.constant 0 : i32
    %cond3A_1 = arith.cmpi ne, %convert_element_type3A, %cond3A : i32
    scf.if %cond3A_1 {
      %broadcast_in_dim3A_15 = arith.constant 0.000000e+00 : f32
      %broadcast_in_dim3A_16 = vector.broadcast %broadcast_in_dim3A_15 : f32 to vector<1x10000xf32>
      %swap3A_17 = arith.constant 0 : index
      %swap3A_18 = arith.constant 0 : index
      %swap3A_19 = vector.load %arg3[%swap3A_17, %swap3A_18] : memref<1x10000xf32, #tpu.memory_space<vmem>>, vector<1x10000xf32>
      tpu.vector_store %arg3[%swap3A_17, %swap3A_18], %broadcast_in_dim3A_16 {strides = array<i32>} : memref<1x10000xf32, #tpu.memory_space<vmem>>, vector<1x10000xf32>,
    } else {
    }
    %get3A = arith.constant 0 : index
    %get3A_2 = arith.constant 0 : index
    %get3A_3 = vector.load %arg3[%get3A, %get3A_2] : memref<1x10000xf32, #tpu.memory_space<vmem>>, vector<1x10000xf32>
    %get3A_4 = arith.constant 0 : index
    %get3A_5 = arith.constant 0 : index
    %get3A_6 = vector.load %arg1[%get3A_4, %get3A_5] : memref<200x10000xf32, #tpu.memory_space<vmem>>, vector<200x10000xf32>
    %reduce_sum3A = arith.constant dense<0.000000e+00> : vector<10000xf32>
    %reduce_sum3A_7 = vector.multi_reduction <add>, %get3A_6, %reduce_sum3A [0] : vector<200x10000xf32> to vector<10000xf32>
    %broadcast_in_dim3A = vector.shape_cast %reduce_sum3A_7 : vector<10000xf32> to vector<1x10000xf32>
    %add3A = arith.addf %get3A_3, %broadcast_in_dim3A : vector<1x10000xf32>
    %swap3A = arith.constant 0 : index
    %swap3A_8 = arith.constant 0 : index
    %swap3A_9 = vector.load %arg3[%swap3A, %swap3A_8] : memref<1x10000xf32, #tpu.memory_space<vmem>>, vector<1x10000xf32>
    tpu.vector_store %arg3[%swap3A, %swap3A_8], %add3A {strides = array<i32>} : memref<1x10000xf32, #tpu.memory_space<vmem>>, vector<1x10000xf32>,
    %eq3A_10 = arith.constant 49 : i32
    %eq3A_11 = arith.cmpi eq, %arg0, %eq3A_10 : i32
    %convert_element_type3A_12 = arith.extui %eq3A_11 : i1 to i32
    %cond3A_13 = arith.constant 0 : i32
    %cond3A_14 = arith.cmpi ne, %convert_element_type3A_12, %cond3A_13 : i32
    scf.if %cond3A_14 {
      %get3A_15 = arith.constant 0 : index
      %get3A_16 = arith.constant 0 : index
      %get3A_17 = vector.load %arg3[%get3A_15, %get3A_16] : memref<1x10000xf32, #tpu.memory_space<vmem>>, vector<1x10000xf32>
      %ceil3A = math.ceil %get3A_17 : vector<1x10000xf32>
      %convert_element_type3A_18 = arith.fptosi %ceil3A : vector<1x10000xf32> to vector<1x10000xi32>
      %jit3A = arith.constant 0 : i32
      %jit3A_19 = arith.constant 10000 : i32
      %max3A = vector.broadcast %jit3A : i32 to vector<1x10000xi32>
      %max3A_20 = arith.maxsi %max3A, %convert_element_type3A_18 : vector<1x10000xi32>
      %min3A = vector.broadcast %jit3A_19 : i32 to vector<1x10000xi32>
      %min3A_21 = arith.minsi %min3A, %max3A_20 : vector<1x10000xi32>
      %swap3A_22 = arith.constant 0 : index
      %swap3A_23 = arith.constant 0 : index
      %swap3A_24 = vector.load %arg2[%swap3A_22, %swap3A_23] : memref<1x10000xi32, #tpu.memory_space<vmem>>, vector<1x10000xi32>
      tpu.vector_store %arg2[%swap3A_22, %swap3A_23], %min3A_21 {strides = array<i32>} : memref<1x10000xi32, #tpu.memory_space<vmem>>, vector<1x10000xi32>,
    } else {
    }
    return
  }
  func.func @transform_0(%arg0: i32) -> (i32, i32) {
    %c0_i32 = arith.constant 0 : i32
    %c0_i32_0 = arith.constant 0 : i32
    return %arg0, %c0_i32 : i32, i32
  }
  func.func @transform_1(%arg0: i32) -> (i32, i32) {
    %c0_i32 = arith.constant 0 : i32
    %c0_i32_0 = arith.constant 0 : i32
    %c0_i32_1 = arith.constant 0 : i32
    return %c0_i32, %c0_i32_0 : i32, i32
  }
}

</mosaic_0001>

<sc_bundles>
// kernel: kernel.4.cloned.1.call-start
scs
__scs_entry_jumppad:
0x0: {  	(pc) =	sbr.rel $0x88, $3  }
0x1: {  	(tag) =	ssettag $0x0;
	lr =	simm.s32 $0x1  }
0x2: {  	[smem:$0x3F9E] =	sst lr;
	_ =	strace $0xD0000000  }
0x3: {  	_ = 	snop  }
0x4: {  	_ = 	snop  }
0x5: {  	_ = 	snop  }
0x6: {  	_ = 	snop  }
0x7: {  	_ = 	snop  }
__scs_overlays_trampoline_lowered:
0x8: {  	[smem:$0x3FAD] =	sst s0  }
0x9: {  	[smem:$0x3FAE] =	sst s1  }
0xa: {  	[smem:$0x3FAF] =	sst s2  }
0xb: {  	[smem:$0x3FB0] =	sst s3  }
0xc: {  	[smem:$0x3FB1] =	sst s4  }
0xd: {  	[smem:$0x3FB2] =	sst s5  }
0xe: {  	[smem:$0x3FB3] =	sst s6  }
0xf: {  	[smem:$0x3FB4] =	sst s7  }
0x10: {  	[smem:$0x3FB5] =	sst s8  }
0x11: {  	[smem:$0x3FB6] =	sst s9;
	s0 =	simm.s32 @!p0 $0x0  }
0x12: {  	s1 =	sld [smem:$0x3F9C];
	s0 =	simm.s32 @p0 $0x1  }
0x13: {  	[smem:$0x3FB7] =	sst s0;
	s0 =	simm.s32 @!p1 $0x0  }
0x14: {  	s2 =	sld [smem:$0x3F9B];
	s0 =	simm.s32 @p1 $0x1  }
0x15: {  	[smem:$0x3FB8] =	sst s0;
	s0 =	simm.s32 @!p2 $0x0  }
0x16: {  	s3 =	sld [smem:$0x3FDB];
	s0 =	simm.s32 @p2 $0x1  }
0x17: {  	s4 =	simm.s32 $0x1BF5;
	[smem:$0x3FBA] =	sst s0  }
0x18: {  	s0 =	sld [smem:$0x3F9D];
	_ =	swait.ge [sflag:s4], $0x0  }
0x19: {  	s7 =	sld [smem:$0x3F9E]  }
0x1a: {  	s8 =	sadd.s32 $0xFFFFE003, lr  }
0x1b: {  	s9 =	sadd.s32 $0xFFFFFEF7, lr;
	s5 =	simm.s32 $0xFFFFFFFF;
	p2 =	slt.u32 s8, $0xFFFFF086  }
0x1c: {  	p1 =	slt.u32 s9, $0xF7A;
	s5 =	simm.s32 @!p2 $0x0  }
0x1d: {  	s5 =	simm.s32 @p1 $0x1;
	p0 =	seq.s32 s7, s2  }
0x1e: {  	s7 =	smul.u32 @!p0 $0xF7A, s2;
	p2 =	seq.s32 @!p0 s5, $0x0  }
0x1f: {  	s9 =	smul.u32 $0xF7A, s1;
	s8 =	simm.s32 @!p0 $0x1BF5;
	p2 =	por !p2, p0  }
0x20: {  	[sflag:s8] =	ssyncset.s32 @!p0 $0xFFFFF086;
	s6 =	sadd.s32 @!p0 s3, s7;
	s7 =	simm.s32 @!p0 $0x108  }
0x21: {  	s3 =	sadd.s32 s3, s9;
	s6 =	sadd.s32 @!p0 $0x88, s6;
	s7 =	simm.s32 @p2 $0x1082  }
0x22: {  	[simem:s7], [sflag:s8] =	dma.local @!p0 [hbm:s6], $0xF7A  }
0x23: {  	s9 =	sor.u32 $0xD0000000, s2;
	s6 =	simm.s32 $0x108;
	_ =	swait.ge @!p0 [sflag:s8], $0x0  }
0x24: {  	s3 =	sadd.s32 $0x88, s3;
	s6 =	simm.s32 @!p1 $0x1082;
	[sflag:s4] =	ssyncset.s32 $0xFFFFF086  }
0x25: {  	[simem:s6], [sflag:s4] =	dma.local [hbm:s3], $0xF7A  }
0x26: {  	[smem:$0x3F9E] =	sst s1;
	(tag) =	ssettag s2;
	_ =	strace s9  }
0x27: {  	s1 =	sld [smem:$0x3FAE]  }
0x28: {  	s2 =	sld [smem:$0x3FAF]  }
0x29: {  	s4 =	sld [smem:$0x3FB1]  }
0x2a: {  	p0 =	seq.s32 s5, $0x0;
	s5 =	sld [smem:$0x3FB2]  }
0x2b: {  	s6 =	sld [smem:$0x3FB3]  }
0x2c: {  	s7 =	sld [smem:$0x3FB4]  }
0x2d: {  	s3 =	simm.s32 $0x108;
	s8 =	sld [smem:$0x3FB5]  }
0x2e: {  	s3 =	simm.s32 @!p0 $0x1082;
	s9 =	sld [smem:$0x3FB6]  }
0x2f: {  	lr =	sadd.s32 s0, s3;
	s0 =	sld [smem:$0x3FAD]  }
0x30: {  	s3 =	sld [smem:$0x3FB0]  }
0x31: {  	[smem:$0x3FB9] =	sst s10  }
0x32: {  	s10 =	sld [smem:$0x3FB7];
	_ =	sdelay $0x3  }
0x33: {  	p0 =	seq.s32 s10, $0x1;
	s10 =	sld [smem:$0x3FB9];
	_ =	sdelay $0x3  }
0x34: {  	[smem:$0x3FB9] =	sst s10  }
0x35: {  	s10 =	sld [smem:$0x3FB8];
	_ =	sdelay $0x3  }
0x36: {  	p1 =	seq.s32 s10, $0x1;
	s10 =	sld [smem:$0x3FB9];
	_ =	sdelay $0x3  }
0x37: {  	[smem:$0x3FB9] =	sst s10  }
0x38: {  	s10 =	sld [smem:$0x3FBA]  }
0x39: {  	_ = 	snop;
	(pc) =	sbr.ind lr, $3  }
0x3a: {  	_ = 	snop  }
0x3b: {  	_ = 	snop  }
0x3c: {  	p2 =	seq.s32 s10, $0x1;
	s10 =	sld [smem:$0x3FB9]  }
0x3d: {  	_ =	shalt  }
0x3e: {  	_ =	shalt  }
0x3f: {  	_ =	shalt  }
0x40: {  	_ =	shalt  }
0x41: {  	_ =	shalt  }
0x42: {  	_ =	shalt  }
0x43: {  	_ =	shalt  }
0x44: {  	_ =	shalt  }
0x45: {  	_ =	shalt  }
0x46: {  	_ =	shalt  }
0x47: {  	_ =	shalt  }
0x48: {  	_ =	shalt  }
0x49: {  	_ =	shalt  }
0x4a: {  	_ =	shalt  }
0x4b: {  	_ =	shalt  }
0x4c: {  	_ =	shalt  }
0x4d: {  	_ =	shalt  }
0x4e: {  	_ =	shalt  }
0x4f: {  	_ =	shalt  }
0x50: {  	_ =	shalt  }
0x51: {  	_ =	shalt  }
0x52: {  	_ =	shalt  }
0x53: {  	_ =	shalt  }
0x54: {  	_ =	shalt  }
0x55: {  	_ =	shalt  }
0x56: {  	_ =	shalt  }
0x57: {  	_ =	shalt  }
0x58: {  	_ =	shalt  }
0x59: {  	_ =	shalt  }
0x5a: {  	_ =	shalt  }
0x5b: {  	_ =	shalt  }
0x5c: {  	_ =	shalt  }
0x5d: {  	_ =	shalt  }
0x5e: {  	_ =	shalt  }
0x5f: {  	_ =	shalt  }
0x60: {  	_ =	shalt  }
0x61: {  	_ =	shalt  }
0x62: {  	_ =	shalt  }
0x63: {  	_ =	shalt  }
0x64: {  	_ =	shalt  }
0x65: {  	_ =	shalt  }
0x66: {  	_ =	shalt  }
0x67: {  	_ =	shalt  }
0x68: {  	_ =	shalt  }
0x69: {  	_ =	shalt  }
0x6a: {  	_ =	shalt  }
0x6b: {  	_ =	shalt  }
0x6c: {  	_ =	shalt  }
0x6d: {  	_ =	shalt  }
0x6e: {  	_ =	shalt  }
0x6f: {  	_ =	shalt  }
0x70: {  	_ =	shalt  }
0x71: {  	_ =	shalt  }
0x72: {  	_ =	shalt  }
0x73: {  	_ =	shalt  }
0x74: {  	_ =	shalt  }
0x75: {  	_ =	shalt  }
0x76: {  	_ =	shalt  }
0x77: {  	_ =	shalt  }
0x78: {  	_ =	shalt  }
0x79: {  	_ =	shalt  }
0x7a: {  	_ =	shalt  }
0x7b: {  	_ =	shalt  }
0x7c: {  	_ =	shalt  }
0x7d: {  	_ =	shalt  }
0x7e: {  	_ =	shalt  }
0x7f: {  	_ =	shalt  }
0x80: {  	_ =	shalt  }
0x81: {  	_ =	shalt  }
0x82: {  	_ =	shalt  }
0x83: {  	_ =	shalt  }
0x84: {  	_ =	shalt  }
0x85: {  	_ =	shalt  }
0x86: {  	_ =	shalt  }
0x87: {  	_ =	shalt  }
.Lfunc_end0:
.L_simem_size_0:
called_computation_lowered:
.L_overlay_start_0:
0x88: {  	s2 =	sld [smem:$0x3FD9]  }
0x89: {  	s3 =	sld [smem:$0x3FFE];
	_ =	sdelay $0x1  }
0x8a: {  	s1 =	srdreg.scid  }
0x8b: {  	s0 =	sand.u32 $0x1, s1  }
0x8c: {  	s17 =	sshll.u32 s0, $0xA;
	s2 =	sadd.s32 s3, s2  }
0x8d: {  	s2 =	sadd.s32 s2, s17  }
0x8e: {  	[smem:$0x3FC5] =	sst s2  }
0x8f: {  	_ = 	snop  }
0x90: {  	s2 =	sld [smem:$0x3FC8]  }
0x91: {  	s18 =	sld [smem:$0x3FC7]  }
0x92: {  	s4 =	sld [smem:$0x3FD0];
	(tm) =	ssettm $0x1  }
0x93: {  	s5 =	sld [smem:$0x3FFB];
	_ =	sdelay $0x3  }
0x94: {  	_ =	strace s5  }
0x95: {  	s5 =	sld [smem:$0x3FFC];
	_ =	sdelay $0x3  }
0x96: {  	_ =	strace s5  }
0x97: {  	s5 =	sld [smem:$0x3FFD];
	_ =	sdelay $0x3  }
0x98: {  	_ =	strace s5  }
0x99: {  	_ =	strace $0x8FFFFFFF  }
0x9a: {  	s19 =	sld [smem:$0x3FDB];
	_ =	sdelay $0x1  }
0x9b: {  	s6 =	simm.s32 $_scs_section_size  }
0x9c: {  	s7 =	simm.s32 $_size__tile_overlayer_lowered;
	s8 =	simm.s32 $_tile_overlayer_lowered  }
0x9d: {  	s22 =	simm.s32 $0x1BFF;
	s21 =	sshll.u32 s8, $0x1;
	s5 =	sadd.s32 s6, s19  }
0x9e: {  	s9 =	simm.s32 $0x0;
	s20 =	sshll.u32 s7, $0x1;
	s7 =	sadd.s32 s21, s5  }
0x9f: {  	[timem:s9], [sflag:s22] =	dma.local [hbm:s7], s20  }
0xa0: {  	_ =	swait.ge [sflag:s22], s20  }
0xa1: {  	s6 =	ssub.s32 $0x0, s20;
	[sflag:s22] =	ssyncset.done $0x0  }
0xa2: {  	[sflag:s22] =	ssyncadd.s32 s6;
	_ =	sdelay $0x1  }
0xa3: {  	s23 =	simm.s32 $0x1B8B  }
0xa4: {  	_ =	swait.ge [sflag:s23], $0x1  }
0xa5: {  	[sflag:s23] =	ssyncset.done $0x0  }
0xa6: {  	s25 =	simm.s32 $0x1B8E;
	s24 =	sld [smem:$0x3FFE];
	[sflag:s23] =	ssyncadd.s32 $0xFFFFFFFF  }
0xa7: {  	s26 =	simm.s32 $execute0_lowered;
	[smem:$0x3FD2] =	sst s25  }
0xa8: {  	s7 =	sshll.u32 s26, $0x1;
	_ =	strace $0x80000046;
	[dreg:$0x1] =	wrdreg $0xFFFFFFFF  }
0xa9: {  	s28 =	simm.s32 $_size_execute0_lowered;
	s5 =	sadd.s32 s5, s7;
	[dreg:$0x0] =	wrdreg $0x0  }
0xaa: {  	s7 =	sshll.u32 s28, $0x1;
	[dreg:$0x2] =	wrdreg s5  }
0xab: {  	[dreg:$0x3] =	wrdreg s7  }
0xac: {  	[dreg:$0x4] =	wrdreg $0xC0  }
0xad: {  	_ =	task [dreg:s9], $0x5FFFF  }
0xae: {  	[dreg:$0x1] =	wrdreg $0xFFFFFFFF  }
0xaf: {  	[dreg:$0x0] =	wrdreg $0x60  }
0xb0: {  	[dreg:$0x2] =	wrdreg s18  }
0xb1: {  	[dreg:$0x3] =	wrdreg s2  }
0xb2: {  	[dreg:$0x4] =	wrdreg s24  }
0xb3: {  	[dreg:$0x5] =	wrdreg s4  }
0xb4: {  	[dreg:$0x6] =	wrdreg $0x9  }
0xb5: {  	_ =	task.clear_ibuf [dreg:s9], $0x7FFFF;
	_ =	strace $0x90000046  }
0xb6: {  	s29 =	simm.s32 $0x9;
	_ =	strace $0x80000048  }
0xb7: {  	_ =	swait.ge [sflag:s29], $0x1  }
0xb8: {  	[sflag:s29] =	ssyncadd.s32 $0xFFFFFFFF  }
0xb9: {  	_ =	strace $0x90000048  }
0xba: {  	_ =	sfence  }
0xbb: {  	s30 =	sld [smem:$0x0];
	_ =	sdelay $0x2  }
0xbc: {  	s31 =	sshll.u32 s1, $0xD;
	s1 =	sshrl.u32 s1, $0x2  }
0xbd: {  	s3 =	sand.u32 $0x4000, s31;
	s1 =	sadd.s32 s1, s30  }
0xbe: {  	s0 =	sor.u32 s3, s0;
	s1 =	sshll.u32 s1, $0x11  }
0xbf: {  	s0 =	sor.u32 s1, s0  }
0xc0: {  	s0 =	sadd.s32 $0x8F2B, s0  }
0xc1: {  	[sflag:s0] =	ssyncadd.remote.s32 $0x1  }
0xc2: {  	_ =	sfence.sel $0xFFFF  }
0xc3: {  	[dreg:$0x0] =	wrdreg $0xFFFFFFFF;
	(pc) =	sbr.abs _section_cstart, $3  }
0xc4: {  	[dreg:$0x1] =	wrdreg $0xFFFFFFFF  }
0xc5: {  	_ =	task.clear_ibuf [dreg:s9], $0x2FFFF;
	_ =	strace $0x9FFFFFFF  }
0xc6: {  	(tm) =	ssettm $0x7FFFFFFF  }
0xc7: {  	_ =	shalt  }
tec
execute0_lowered:
.L_overlay_start_1:
0x0: {  	(tag) =	ssettag $0x1  }
0x1: {  	s0 =	srdreg.scid  }
0x2: {  	s2 =	stileid.u32;
	s1 =	rddreg [dreg:$0x1]  }
0x3: {  	s3 =	rddreg [dreg:$0x2];
	s0 =	sand.u32 $0x1, s0;
	s2 =	sshll.u32 s2, $0x1  }
0x4: {  	s4 =	rddreg [dreg:$0x3];
	s2 =	sor.u32 s0, s2  }
0x5: {  	s7 =	simm.s32 $0x0;
	s0 =	ssub.s32 $0x2, s0;
	s2 =	smul.u32 $0x140, s2  }
0x6: {  	[smem:$0x7FF] =	sst s7;
	s5 =	sshrl.u32 s0, $0x1  }
0x7: {  	_ =	strace $0x80000047;
	s0 =	ssub.s32 s0, s5;
	s2 =	smin.u32 s2, $0x25D0  }
0x8: {  	s0 =	smax.u32 s0, $0x1;
	s6 =	sshll.u32 s2, $0x5;
	s2 =	sshrl.u32 s2, $0x3  }
0x9: {  	[smem:$0x7FD] =	sst s0;
	s23 =	sadd.s32 $0xA00, s6;
	s8 =	sadd.s32 s1, s6  }
0xa: {  	s2 =	sadd.s32 s3, s2;
	s25 =	sadd.s32 $0x1400, s6;
	[smem:$0x7F4] =	sst s8  }
0xb: {  	s26 =	sadd.s32 $0x1E00, s6;
	s6 =	sadd.s32 s4, s6;
	[smem:$0x7F6] =	sst s2  }
0xc: {  	s24 =	sadd.s32 s1, s23;
	[smem:$0x7F8] =	sst s6  }
0xd: {  	s28 =	sadd.s32 s1, s25;
	[smem:$0x7F5] =	sst s24  }
0xe: {  	s1 =	sadd.s32 s1, s26;
	[smem:$0x7F7] =	sst s28  }
0xf: {  	s29 =	sadd.s32 s4, s23;
	[smem:$0x7F9] =	sst s1  }
0x10: {  	v2 =	vlaneseq.u32;
	s30 =	sadd.s32 s4, s25;
	[smem:$0x7FA] =	sst s29  }
0x11: {  	vm0 =	vmmov $0xffff;
	v1 =	vshrl.u32 v2, $0x3;
	s31 =	sadd.s32 s4, s26;
	[smem:$0x7FB] =	sst s30  }
0x12: {  	v0 =	vand.u32 $0x7, v2;
	v2 =	vor.u32 $0x8, v2;
	v1 =	vmul.u32 $0x8, v1;
	s3 =	simm.s32 $0x0;
	[smem:$0x7FC] =	sst s31;
	s1 =	simm.s32 $0xF180  }
.LBB2_1:
0x13: {  	s0 =	sld [smem:$0x7F4];
	_ =	sdelay $0x1  }
0x14: {  	s26 =	sld [smem:$0x7F5]  }
0x15: {  	[tilespmem:s1], [sflag:$0x4] =	stream.linear.gather [hbm4b:s0+s7], $0x5000, $0x38;
	[tilespmem:$0x1E180] =	vst v63  }
0x16: {  	s28 =	simm.s32 $0x14180;
	s29 =	sld [smem:$0x7F6]  }
0x17: {  	[tilespmem:s28], [sflag:$0x5] =	stream.linear.gather [hbm4b:s26+s7], $0x5000, $0x38;
	[tilespmem:$0x1E180] =	vst v63  }
0x18: {  	[smem:$0x7F3] =	sst s3;
	s30 =	simm.s32 $0xA  }
0x19: {  	[tilespmem:s7], [sflag:$0xA] =	stream.linear.gather [hbm4b:s29+s7], $0x140, $0x38;
	[tilespmem:$0x1E180] =	vst v63  }
0x1a: {  	_ =	swait.ge [sflag:s30], $0x140  }
0x1b: {  	[sflag:s30] =	ssyncset.done $0x0  }
0x1c: {  	[sflag:s30] =	ssyncadd.s32 $0xFFFFFEC0  }
0x1d: {  	v3 =	vld [tilespmem:$0x0];
	_ =	sdelay $0x4  }
0x1e: {  	v4 =	vshll.u32 v3, $0x1  }
0x1f: {  	v3 =	vand.u32 $0x7, v3;
	v4 =	vand.u32 $0xFFFFFFF0, v4  }
0x20: {  	v3 =	vor.u32 v3, v4  }
0x21: {  	v4 =	vperm.xlane v3, v0;
	_ =	sdelay $0x1  }
0x22: {  	v3 =	vperm.xlane v3, v2;
	v4 =	vadd.s32 v1, v4;
	_ =	sdelay $0x1  }
0x23: {  	v3 =	vadd.s32 v1, v3;
	_ =	sdelay $0x1  }
0x24: {  	s31 =	simm.s32 $0x180;
	s0 =	rddreg [dreg:$0x0]  }
0x25: {  	[tilespmem:s31], [sflag:$0x1] =	stream.indirect_vreg.gather [hbm4b:s0+s7], $0x80, v4, vm0, $0xb8;
	[tilespmem:$0x1E180] =	vst v63  }
0x26: {  	s2 =	simm.s32 $0x980  }
0x27: {  	[tilespmem:s2], [sflag:$0x1] =	stream.indirect_vreg.gather [hbm4b:s0+s7], $0x80, v3, vm0, $0xb8;
	[tilespmem:$0x1E180] =	vst v63  }
0x28: {  	v3 =	vld [tilespmem:$0x10];
	_ =	sdelay $0x4  }
0x29: {  	v4 =	vshll.u32 v3, $0x1  }
0x2a: {  	v3 =	vand.u32 $0x7, v3;
	v4 =	vand.u32 $0xFFFFFFF0, v4  }
0x2b: {  	v3 =	vor.u32 v3, v4  }
0x2c: {  	v4 =	vperm.xlane v3, v0;
	_ =	sdelay $0x1  }
0x2d: {  	v3 =	vperm.xlane v3, v2;
	v4 =	vadd.s32 v1, v4;
	_ =	sdelay $0x1  }
0x2e: {  	v3 =	vadd.s32 v1, v3;
	_ =	sdelay $0x1  }
0x2f: {  	s3 =	simm.s32 $0x1180  }
0x30: {  	[tilespmem:s3], [sflag:$0x1] =	stream.indirect_vreg.gather [hbm4b:s0+s7], $0x80, v4, vm0, $0xb8;
	[tilespmem:$0x1E180] =	vst v63  }
0x31: {  	s4 =	simm.s32 $0x1980  }
0x32: {  	[tilespmem:s4], [sflag:$0x1] =	stream.indirect_vreg.gather [hbm4b:s0+s7], $0x80, v3, vm0, $0xb8;
	[tilespmem:$0x1E180] =	vst v63  }
0x33: {  	v3 =	vld [tilespmem:$0x20];
	_ =	sdelay $0x4  }
0x34: {  	v4 =	vshll.u32 v3, $0x1  }
0x35: {  	v3 =	vand.u32 $0x7, v3;
	v4 =	vand.u32 $0xFFFFFFF0, v4  }
0x36: {  	v3 =	vor.u32 v3, v4  }
0x37: {  	v4 =	vperm.xlane v3, v0;
	_ =	sdelay $0x1  }
0x38: {  	v3 =	vperm.xlane v3, v2;
	v4 =	vadd.s32 v1, v4;
	_ =	sdelay $0x1  }
0x39: {  	v3 =	vadd.s32 v1, v3;
	_ =	sdelay $0x1  }
0x3a: {  	s5 =	simm.s32 $0x2180  }
0x3b: {  	[tilespmem:s5], [sflag:$0x1] =	stream.indirect_vreg.gather [hbm4b:s0+s7], $0x80, v4, vm0, $0xb8;
	[tilespmem:$0x1E180] =	vst v63  }
0x3c: {  	s6 =	simm.s32 $0x2980  }
0x3d: {  	[tilespmem:s6], [sflag:$0x1] =	stream.indirect_vreg.gather [hbm4b:s0+s7], $0x80, v3, vm0, $0xb8;
	[tilespmem:$0x1E180] =	vst v63  }
0x3e: {  	v3 =	vld [tilespmem:$0x30];
	_ =	sdelay $0x4  }
0x3f: {  	v4 =	vshll.u32 v3, $0x1  }
0x40: {  	v3 =	vand.u32 $0x7, v3;
	v4 =	vand.u32 $0xFFFFFFF0, v4  }
0x41: {  	v3 =	vor.u32 v3, v4  }
0x42: {  	v4 =	vperm.xlane v3, v0;
	_ =	sdelay $0x1  }
0x43: {  	v3 =	vperm.xlane v3, v2;
	v4 =	vadd.s32 v1, v4;
	_ =	sdelay $0x1  }
0x44: {  	v3 =	vadd.s32 v1, v3;
	_ =	sdelay $0x1  }
0x45: {  	s8 =	simm.s32 $0x3180  }
0x46: {  	[tilespmem:s8], [sflag:$0x1] =	stream.indirect_vreg.gather [hbm4b:s0+s7], $0x80, v4, vm0, $0xb8;
	[tilespmem:$0x1E180] =	vst v63  }
0x47: {  	s9 =	simm.s32 $0x3980  }
0x48: {  	[tilespmem:s9], [sflag:$0x1] =	stream.indirect_vreg.gather [hbm4b:s0+s7], $0x80, v3, vm0, $0xb8;
	[tilespmem:$0x1E180] =	vst v63  }
0x49: {  	v3 =	vld [tilespmem:$0x40];
	_ =	sdelay $0x4  }
0x4a: {  	v4 =	vshll.u32 v3, $0x1  }
0x4b: {  	v3 =	vand.u32 $0x7, v3;
	v4 =	vand.u32 $0xFFFFFFF0, v4  }
0x4c: {  	v3 =	vor.u32 v3, v4  }
0x4d: {  	v4 =	vperm.xlane v3, v0;
	_ =	sdelay $0x1  }
0x4e: {  	v3 =	vperm.xlane v3, v2;
	v4 =	vadd.s32 v1, v4;
	_ =	sdelay $0x1  }
0x4f: {  	v3 =	vadd.s32 v1, v3;
	_ =	sdelay $0x1  }
0x50: {  	s10 =	simm.s32 $0x4180  }
0x51: {  	[tilespmem:s10], [sflag:$0x1] =	stream.indirect_vreg.gather [hbm4b:s0+s7], $0x80, v4, vm0, $0xb8;
	[tilespmem:$0x1E180] =	vst v63  }
0x52: {  	s11 =	simm.s32 $0x4980  }
0x53: {  	[tilespmem:s11], [sflag:$0x1] =	stream.indirect_vreg.gather [hbm4b:s0+s7], $0x80, v3, vm0, $0xb8;
	[tilespmem:$0x1E180] =	vst v63  }
0x54: {  	v3 =	vld [tilespmem:$0x50];
	_ =	sdelay $0x4  }
0x55: {  	v4 =	vshll.u32 v3, $0x1  }
0x56: {  	v3 =	vand.u32 $0x7, v3;
	v4 =	vand.u32 $0xFFFFFFF0, v4  }
0x57: {  	v3 =	vor.u32 v3, v4  }
0x58: {  	v4 =	vperm.xlane v3, v0;
	_ =	sdelay $0x1  }
0x59: {  	v3 =	vperm.xlane v3, v2;
	v4 =	vadd.s32 v1, v4;
	_ =	sdelay $0x1  }
0x5a: {  	v3 =	vadd.s32 v1, v3;
	_ =	sdelay $0x1  }
0x5b: {  	s12 =	simm.s32 $0x5180  }
0x5c: {  	[tilespmem:s12], [sflag:$0x2] =	stream.indirect_vreg.gather [hbm4b:s0+s7], $0x80, v4, vm0, $0xb8;
	[tilespmem:$0x1E180] =	vst v63  }
0x5d: {  	s13 =	simm.s32 $0x5980  }
0x5e: {  	[tilespmem:s13], [sflag:$0x2] =	stream.indirect_vreg.gather [hbm4b:s0+s7], $0x80, v3, vm0, $0xb8;
	[tilespmem:$0x1E180] =	vst v63  }
0x5f: {  	v3 =	vld [tilespmem:$0x60];
	_ =	sdelay $0x4  }
0x60: {  	v4 =	vshll.u32 v3, $0x1  }
0x61: {  	v3 =	vand.u32 $0x7, v3;
	v4 =	vand.u32 $0xFFFFFFF0, v4  }
0x62: {  	v3 =	vor.u32 v3, v4  }
0x63: {  	v4 =	vperm.xlane v3, v0;
	_ =	sdelay $0x1  }
0x64: {  	v3 =	vperm.xlane v3, v2;
	v4 =	vadd.s32 v1, v4;
	_ =	sdelay $0x1  }
0x65: {  	v3 =	vadd.s32 v1, v3;
	_ =	sdelay $0x1  }
0x66: {  	s14 =	simm.s32 $0x6180  }
0x67: {  	[tilespmem:s14], [sflag:$0x2] =	stream.indirect_vreg.gather [hbm4b:s0+s7], $0x80, v4, vm0, $0xb8;
	[tilespmem:$0x1E180] =	vst v63  }
0x68: {  	s15 =	simm.s32 $0x6980  }
0x69: {  	[tilespmem:s15], [sflag:$0x2] =	stream.indirect_vreg.gather [hbm4b:s0+s7], $0x80, v3, vm0, $0xb8;
	[tilespmem:$0x1E180] =	vst v63  }
0x6a: {  	v3 =	vld [tilespmem:$0x70];
	_ =	sdelay $0x4  }
0x6b: {  	v4 =	vshll.u32 v3, $0x1  }
0x6c: {  	v3 =	vand.u32 $0x7, v3;
	v4 =	vand.u32 $0xFFFFFFF0, v4  }
0x6d: {  	v3 =	vor.u32 v3, v4  }
0x6e: {  	v4 =	vperm.xlane v3, v0;
	_ =	sdelay $0x1  }
0x6f: {  	v3 =	vperm.xlane v3, v2;
	v4 =	vadd.s32 v1, v4;
	_ =	sdelay $0x1  }
0x70: {  	v3 =	vadd.s32 v1, v3;
	_ =	sdelay $0x1  }
0x71: {  	s16 =	simm.s32 $0x7180  }
0x72: {  	[tilespmem:s16], [sflag:$0x2] =	stream.indirect_vreg.gather [hbm4b:s0+s7], $0x80, v4, vm0, $0xb8;
	[tilespmem:$0x1E180] =	vst v63  }
0x73: {  	s17 =	simm.s32 $0x7980  }
0x74: {  	[tilespmem:s17], [sflag:$0x2] =	stream.indirect_vreg.gather [hbm4b:s0+s7], $0x80, v3, vm0, $0xb8;
	[tilespmem:$0x1E180] =	vst v63  }
0x75: {  	v3 =	vld [tilespmem:$0x80];
	_ =	sdelay $0x4  }
0x76: {  	v4 =	vshll.u32 v3, $0x1  }
0x77: {  	v3 =	vand.u32 $0x7, v3;
	v4 =	vand.u32 $0xFFFFFFF0, v4  }
0x78: {  	v3 =	vor.u32 v3, v4  }
0x79: {  	v4 =	vperm.xlane v3, v0;
	_ =	sdelay $0x1  }
0x7a: {  	v3 =	vperm.xlane v3, v2;
	v4 =	vadd.s32 v1, v4;
	_ =	sdelay $0x1  }
0x7b: {  	v3 =	vadd.s32 v1, v3;
	_ =	sdelay $0x1  }
0x7c: {  	s18 =	simm.s32 $0x8180  }
0x7d: {  	[tilespmem:s18], [sflag:$0x2] =	stream.indirect_vreg.gather [hbm4b:s0+s7], $0x80, v4, vm0, $0xb8;
	[tilespmem:$0x1E180] =	vst v63  }
0x7e: {  	s19 =	simm.s32 $0x8980  }
0x7f: {  	[tilespmem:s19], [sflag:$0x2] =	stream.indirect_vreg.gather [hbm4b:s0+s7], $0x80, v3, vm0, $0xb8;
	[tilespmem:$0x1E180] =	vst v63  }
0x80: {  	v3 =	vld [tilespmem:$0x90];
	_ =	sdelay $0x4  }
0x81: {  	v4 =	vshll.u32 v3, $0x1  }
0x82: {  	v3 =	vand.u32 $0x7, v3;
	v4 =	vand.u32 $0xFFFFFFF0, v4  }
0x83: {  	v3 =	vor.u32 v3, v4  }
0x84: {  	v4 =	vperm.xlane v3, v0;
	_ =	sdelay $0x1  }
0x85: {  	v3 =	vperm.xlane v3, v2;
	v4 =	vadd.s32 v1, v4;
	_ =	sdelay $0x1  }
0x86: {  	v3 =	vadd.s32 v1, v3;
	_ =	sdelay $0x1  }
0x87: {  	s20 =	simm.s32 $0x9180  }
0x88: {  	[tilespmem:s20], [sflag:$0x2] =	stream.indirect_vreg.gather [hbm4b:s0+s7], $0x80, v4, vm0, $0xb8;
	[tilespmem:$0x1E180] =	vst v63  }
0x89: {  	s21 =	simm.s32 $0x9980  }
0x8a: {  	[tilespmem:s21], [sflag:$0x2] =	stream.indirect_vreg.gather [hbm4b:s0+s7], $0x80, v3, vm0, $0xb8;
	[tilespmem:$0x1E180] =	vst v63  }
0x8b: {  	v3 =	vld [tilespmem:$0xA0];
	_ =	sdelay $0x4  }
0x8c: {  	v4 =	vshll.u32 v3, $0x1  }
0x8d: {  	v3 =	vand.u32 $0x7, v3;
	v4 =	vand.u32 $0xFFFFFFF0, v4  }
0x8e: {  	v3 =	vor.u32 v3, v4  }
0x8f: {  	v4 =	vperm.xlane v3, v0;
	_ =	sdelay $0x1  }
0x90: {  	v3 =	vperm.xlane v3, v2;
	v4 =	vadd.s32 v1, v4;
	_ =	sdelay $0x1  }
0x91: {  	v3 =	vadd.s32 v1, v3;
	_ =	sdelay $0x1  }
0x92: {  	s22 =	simm.s32 $0xA180  }
0x93: {  	[tilespmem:s22], [sflag:$0x3] =	stream.indirect_vreg.gather [hbm4b:s0+s7], $0x80, v4, vm0, $0xb8;
	[tilespmem:$0x1E180] =	vst v63  }
0x94: {  	s23 =	simm.s32 $0xA980  }
0x95: {  	[tilespmem:s23], [sflag:$0x3] =	stream.indirect_vreg.gather [hbm4b:s0+s7], $0x80, v3, vm0, $0xb8;
	[tilespmem:$0x1E180] =	vst v63  }
0x96: {  	v3 =	vld [tilespmem:$0xB0];
	_ =	sdelay $0x4  }
0x97: {  	v4 =	vshll.u32 v3, $0x1  }
0x98: {  	v3 =	vand.u32 $0x7, v3;
	v4 =	vand.u32 $0xFFFFFFF0, v4  }
0x99: {  	v3 =	vor.u32 v3, v4  }
0x9a: {  	v4 =	vperm.xlane v3, v0;
	_ =	sdelay $0x1  }
0x9b: {  	v3 =	vperm.xlane v3, v2;
	v4 =	vadd.s32 v1, v4;
	_ =	sdelay $0x1  }
0x9c: {  	v3 =	vadd.s32 v1, v3;
	_ =	sdelay $0x1  }
0x9d: {  	s24 =	simm.s32 $0xB180  }
0x9e: {  	[tilespmem:s24], [sflag:$0x3] =	stream.indirect_vreg.gather [hbm4b:s0+s7], $0x80, v4, vm0, $0xb8;
	[tilespmem:$0x1E180] =	vst v63  }
0x9f: {  	s25 =	simm.s32 $0xB980  }
0xa0: {  	[tilespmem:s25], [sflag:$0x3] =	stream.indirect_vreg.gather [hbm4b:s0+s7], $0x80, v3, vm0, $0xb8;
	[tilespmem:$0x1E180] =	vst v63  }
0xa1: {  	v3 =	vld [tilespmem:$0xC0];
	_ =	sdelay $0x4  }
0xa2: {  	v4 =	vshll.u32 v3, $0x1  }
0xa3: {  	v3 =	vand.u32 $0x7, v3;
	v4 =	vand.u32 $0xFFFFFFF0, v4  }
0xa4: {  	v3 =	vor.u32 v3, v4  }
0xa5: {  	v4 =	vperm.xlane v3, v0;
	_ =	sdelay $0x1  }
0xa6: {  	v3 =	vperm.xlane v3, v2;
	v4 =	vadd.s32 v1, v4;
	_ =	sdelay $0x1  }
0xa7: {  	v3 =	vadd.s32 v1, v3;
	_ =	sdelay $0x1  }
0xa8: {  	s26 =	simm.s32 $0xC180  }
0xa9: {  	[tilespmem:s26], [sflag:$0x3] =	stream.indirect_vreg.gather [hbm4b:s0+s7], $0x80, v4, vm0, $0xb8;
	[tilespmem:$0x1E180] =	vst v63  }
0xaa: {  	s28 =	simm.s32 $0xC980  }
0xab: {  	[tilespmem:s28], [sflag:$0x3] =	stream.indirect_vreg.gather [hbm4b:s0+s7], $0x80, v3, vm0, $0xb8;
	[tilespmem:$0x1E180] =	vst v63  }
0xac: {  	v3 =	vld [tilespmem:$0xD0];
	_ =	sdelay $0x4  }
0xad: {  	v4 =	vshll.u32 v3, $0x1  }
0xae: {  	v3 =	vand.u32 $0x7, v3;
	v4 =	vand.u32 $0xFFFFFFF0, v4  }
0xaf: {  	v3 =	vor.u32 v3, v4  }
0xb0: {  	v4 =	vperm.xlane v3, v0;
	_ =	sdelay $0x1  }
0xb1: {  	v3 =	vperm.xlane v3, v2;
	v4 =	vadd.s32 v1, v4;
	_ =	sdelay $0x1  }
0xb2: {  	v3 =	vadd.s32 v1, v3;
	_ =	sdelay $0x1  }
0xb3: {  	s29 =	simm.s32 $0xD180  }
0xb4: {  	[tilespmem:s29], [sflag:$0x3] =	stream.indirect_vreg.gather [hbm4b:s0+s7], $0x80, v4, vm0, $0xb8;
	[tilespmem:$0x1E180] =	vst v63  }
0xb5: {  	s30 =	simm.s32 $0xD980  }
0xb6: {  	[tilespmem:s30], [sflag:$0x3] =	stream.indirect_vreg.gather [hbm4b:s0+s7], $0x80, v3, vm0, $0xb8;
	[tilespmem:$0x1E180] =	vst v63  }
0xb7: {  	v3 =	vld [tilespmem:$0xE0];
	_ =	sdelay $0x4  }
0xb8: {  	v4 =	vshll.u32 v3, $0x1  }
0xb9: {  	v3 =	vand.u32 $0x7, v3;
	v4 =	vand.u32 $0xFFFFFFF0, v4  }
0xba: {  	v3 =	vor.u32 v3, v4  }
0xbb: {  	v4 =	vperm.xlane v3, v0;
	_ =	sdelay $0x1  }
0xbc: {  	v3 =	vperm.xlane v3, v2;
	v4 =	vadd.s32 v1, v4;
	_ =	sdelay $0x1  }
0xbd: {  	v3 =	vadd.s32 v1, v3;
	_ =	sdelay $0x1  }
0xbe: {  	s31 =	simm.s32 $0xE180  }
0xbf: {  	[tilespmem:s31], [sflag:$0x3] =	stream.indirect_vreg.gather [hbm4b:s0+s7], $0x80, v4, vm0, $0xb8;
	[tilespmem:$0x1E180] =	vst v63  }
0xc0: {  	s2 =	simm.s32 $0xE980;
	s3 =	sld [smem:$0x7F7]  }
0xc1: {  	[tilespmem:s2], [sflag:$0x3] =	stream.indirect_vreg.gather [hbm4b:s0+s7], $0x80, v3, vm0, $0xb8;
	[tilespmem:$0x1E180] =	vst v63  }
0xc2: {  	s4 =	simm.s32 $0x19180;
	s5 =	simm.s32 $0x1  }
0xc3: {  	[tilespmem:s4], [sflag:$0x6] =	stream.linear.gather [hbm4b:s3+s7], $0x5000, $0x38;
	[tilespmem:$0x1E180] =	vst v63  }
0xc4: {  	_ =	swait.ge [sflag:s5], $0x5000  }
0xc5: {  	[sflag:s5] =	ssyncset.done $0x0  }
0xc6: {  	s2 =	simm.s32 $0x4;
	[sflag:s5] =	ssyncadd.s32 $0xFFFFB000  }
0xc7: {  	_ =	swait.ge [sflag:s2], $0x5000  }
0xc8: {  	s6 =	sand.u32 $0x7800, s7;
	s7 =	sand.u32 $0x200, s7;
	[sflag:s2] =	ssyncset.done $0x0  }
0xc9: {  	s8 =	sor.u32 s7, s6;
	[sflag:s2] =	ssyncadd.s32 $0xFFFFB000  }
0xca: {  	v3 =	vld [tilespmem:s8+$0x300]  }
0xcb: {  	v4 =	vld [tilespmem:s8+$0x310]  }
0xcc: {  	v5 =	vld [tilespmem:s8+$0x320]  }
0xcd: {  	v6 =	vld [tilespmem:s8+$0x330]  }
0xce: {  	v7 =	vld [tilespmem:s8+$0x340]  }
0xcf: {  	v8 =	vld [tilespmem:s8+$0x350]  }
0xd0: {  	v9 =	vld [tilespmem:s8+$0x360]  }
0xd1: {  	v10 =	vld [tilespmem:s8+$0x370]  }
0xd2: {  	v61 =	vld [tilespmem:s8+$0x1C0]  }
0xd3: {  	v62 =	vld [tilespmem:s8+$0x1D0]  }
0xd4: {  	v63 =	vld [tilespmem:s8+$0x1E0]  }
0xd5: {  	v11 =	vld [tilespmem:s8+$0x1F0]  }
0xd6: {  	v12 =	vld [tilespmem:s8+$0x200]  }
0xd7: {  	v13 =	vld [tilespmem:s8+$0x210]  }
0xd8: {  	v14 =	vld [tilespmem:s8+$0x220]  }
0xd9: {  	v15 =	vld [tilespmem:s8+$0x230]  }
0xda: {  	v16 =	vld [tilespmem:s8+$0x240]  }
0xdb: {  	v17 =	vld [tilespmem:s8+$0x250]  }
0xdc: {  	v18 =	vld [tilespmem:s8+$0x260]  }
0xdd: {  	v19 =	vld [tilespmem:s8+$0x270]  }
0xde: {  	v20 =	vld [tilespmem:s8+$0x280]  }
0xdf: {  	v21 =	vld [tilespmem:s8+$0x290]  }
0xe0: {  	v22 =	vld [tilespmem:s8+$0x2A0]  }
0xe1: {  	v23 =	vld [tilespmem:s8+$0x2B0]  }
0xe2: {  	v24 =	vld [tilespmem:s8+$0x2C0]  }
0xe3: {  	v25 =	vld [tilespmem:s8+$0x2D0]  }
0xe4: {  	v26 =	vld [tilespmem:s8+$0x2E0]  }
0xe5: {  	v27 =	vld [tilespmem:s8+$0x2F0]  }
0xe6: {  	[tilespmem:s8+$0xF300] =	vst.add.f32.msk $0xffff, v3  }
0xe7: {  	[tilespmem:s8+$0xF310] =	vst.add.f32.msk $0xffff, v4  }
0xe8: {  	[tilespmem:s8+$0xF320] =	vst.add.f32.msk $0xffff, v5  }
0xe9: {  	[tilespmem:s8+$0xF330] =	vst.add.f32.msk $0xffff, v6  }
0xea: {  	[tilespmem:s8+$0xF340] =	vst.add.f32.msk $0xffff, v7  }
0xeb: {  	[tilespmem:s8+$0xF350] =	vst.add.f32.msk $0xffff, v8  }
0xec: {  	[tilespmem:s8+$0xF360] =	vst.add.f32.msk $0xffff, v9  }
0xed: {  	[tilespmem:s8+$0xF370] =	vst.add.f32.msk $0xffff, v10  }
0xee: {  	v4 =	vld [tilespmem:s8+$0x180]  }
0xef: {  	v5 =	vld [tilespmem:s8+$0x190]  }
0xf0: {  	p0 =	por $0x0, $0x0;
	s0 =	simm.s32 $0x1;
	v6 =	vld [tilespmem:s8+$0x1A0]  }
0xf1: {  	s0 =	simm.s32 @!p0 $0x0;
	v7 =	vld [tilespmem:s8+$0x1B0]  }
0xf2: {  	s0 =	sshll.u32 s0, $0x9;
	[tilespmem:s8+$0xF1C0] =	vst.add.f32.msk $0xffff, v61  }
0xf3: {  	s0 =	sadd.s32 $0x0, s0;
	[tilespmem:s8+$0xF1D0] =	vst.add.f32.msk $0xffff, v62  }
0xf4: {  	s9 =	sadd.s32 $0x180, s0;
	[tilespmem:s8+$0xF1E0] =	vst.add.f32.msk $0xffff, v63  }
0xf5: {  	s10 =	sor.u32 $0x400, s9;
	[tilespmem:s8+$0xF1F0] =	vst.add.f32.msk $0xffff, v11  }
0xf6: {  	v3 =	vld [tilespmem:s10+$0x180]  }
0xf7: {  	[tilespmem:s8+$0xF200] =	vst.add.f32.msk $0xffff, v12  }
0xf8: {  	[tilespmem:s8+$0xF210] =	vst.add.f32.msk $0xffff, v13  }
0xf9: {  	[tilespmem:s8+$0xF220] =	vst.add.f32.msk $0xffff, v14  }
0xfa: {  	[tilespmem:s8+$0xF230] =	vst.add.f32.msk $0xffff, v15  }
0xfb: {  	s11 =	sor.u32 $0x410, s9;
	[tilespmem:s10+$0xF180] =	vst.add.f32.msk $0xffff, v3  }
0xfc: {  	v3 =	vld [tilespmem:s11+$0x180]  }
0xfd: {  	[tilespmem:s8+$0xF240] =	vst.add.f32.msk $0xffff, v16  }
0xfe: {  	[tilespmem:s8+$0xF250] =	vst.add.f32.msk $0xffff, v17  }
0xff: {  	[tilespmem:s8+$0xF260] =	vst.add.f32.msk $0xffff, v18  }
0x100: {  	[tilespmem:s8+$0xF270] =	vst.add.f32.msk $0xffff, v19  }
0x101: {  	s12 =	sor.u32 $0x420, s9;
	[tilespmem:s11+$0xF180] =	vst.add.f32.msk $0xffff, v3  }
0x102: {  	v3 =	vld [tilespmem:s12+$0x180]  }
0x103: {  	[tilespmem:s8+$0xF280] =	vst.add.f32.msk $0xffff, v20  }
0x104: {  	[tilespmem:s8+$0xF290] =	vst.add.f32.msk $0xffff, v21  }
0x105: {  	[tilespmem:s8+$0xF2A0] =	vst.add.f32.msk $0xffff, v22  }
0x106: {  	[tilespmem:s8+$0xF2B0] =	vst.add.f32.msk $0xffff, v23  }
0x107: {  	s13 =	sor.u32 $0x430, s9;
	[tilespmem:s12+$0xF180] =	vst.add.f32.msk $0xffff, v3  }
0x108: {  	v3 =	vld [tilespmem:s13+$0x180]  }
0x109: {  	[tilespmem:s8+$0xF2C0] =	vst.add.f32.msk $0xffff, v24  }
0x10a: {  	[tilespmem:s8+$0xF2D0] =	vst.add.f32.msk $0xffff, v25  }
0x10b: {  	[tilespmem:s8+$0xF2E0] =	vst.add.f32.msk $0xffff, v26  }
0x10c: {  	[tilespmem:s8+$0xF2F0] =	vst.add.f32.msk $0xffff, v27  }
0x10d: {  	s14 =	sor.u32 $0x440, s9;
	[tilespmem:s13+$0xF180] =	vst.add.f32.msk $0xffff, v3  }
0x10e: {  	v3 =	vld [tilespmem:s14+$0x180]  }
0x10f: {  	[tilespmem:s8+$0xF180] =	vst.add.f32.msk $0xffff, v4  }
0x110: {  	s16 =	sadd.s32 $0x80, s0;
	[tilespmem:s8+$0xF190] =	vst.add.f32.msk $0xffff, v5  }
0x111: {  	s5 =	sor.u32 $0x400, s16;
	[tilespmem:s8+$0xF1A0] =	vst.add.f32.msk $0xffff, v6  }
0x112: {  	v4 =	vld [tilespmem:s5+$0x180]  }
0x113: {  	s15 =	sor.u32 $0x450, s9;
	[tilespmem:s14+$0xF180] =	vst.add.f32.msk $0xffff, v3  }
0x114: {  	s6 =	sadd.s32 $0x100, s0;
	v3 =	vld [tilespmem:s15+$0x180]  }
0x115: {  	s17 =	sor.u32 $0x400, s6;
	[tilespmem:s8+$0xF1B0] =	vst.add.f32.msk $0xffff, v7  }
0x116: {  	v5 =	vld [tilespmem:s17+$0x180]  }
0x117: {  	s19 =	sor.u32 $0x410, s16;
	[tilespmem:s5+$0xF180] =	vst.add.f32.msk $0xffff, v4  }
0x118: {  	v4 =	vld [tilespmem:s19+$0x180]  }
0x119: {  	s4 =	sor.u32 $0x400, s0;
	[tilespmem:s15+$0xF180] =	vst.add.f32.msk $0xffff, v3  }
0x11a: {  	v3 =	vld [tilespmem:s4+$0x180]  }
0x11b: {  	s8 =	sor.u32 $0x410, s6;
	[tilespmem:s17+$0xF180] =	vst.add.f32.msk $0xffff, v5  }
0x11c: {  	v5 =	vld [tilespmem:s8+$0x180];
	_ =	sdelay $0x1  }
0x11d: {  	[tilespmem:s19+$0xF180] =	vst.add.f32.msk $0xffff, v4  }
0x11e: {  	s18 =	sor.u32 $0x410, s0;
	[tilespmem:s4+$0xF180] =	vst.add.f32.msk $0xffff, v3  }
0x11f: {  	v3 =	vld [tilespmem:s18+$0x180]  }
0x120: {  	s22 =	sor.u32 $0x420, s16;
	[tilespmem:s8+$0xF180] =	vst.add.f32.msk $0xffff, v5  }
0x121: {  	s23 =	sor.u32 $0x420, s6;
	v4 =	vld [tilespmem:s22+$0x180]  }
0x122: {  	v5 =	vld [tilespmem:s23+$0x180];
	_ =	sdelay $0x1  }
0x123: {  	s21 =	sor.u32 $0x420, s0;
	[tilespmem:s18+$0xF180] =	vst.add.f32.msk $0xffff, v3  }
0x124: {  	v3 =	vld [tilespmem:s21+$0x180]  }
0x125: {  	[tilespmem:s22+$0xF180] =	vst.add.f32.msk $0xffff, v4  }
0x126: {  	s25 =	sor.u32 $0x430, s16;
	[tilespmem:s23+$0xF180] =	vst.add.f32.msk $0xffff, v5  }
0x127: {  	s20 =	sor.u32 $0x460, s9;
	v4 =	vld [tilespmem:s25+$0x180]  }
0x128: {  	v6 =	vld [tilespmem:s20+$0x180]  }
0x129: {  	s24 =	sor.u32 $0x430, s0;
	[tilespmem:s21+$0xF180] =	vst.add.f32.msk $0xffff, v3  }
0x12a: {  	s26 =	sor.u32 $0x430, s6;
	v3 =	vld [tilespmem:s24+$0x180]  }
0x12b: {  	v5 =	vld [tilespmem:s26+$0x180]  }
0x12c: {  	[tilespmem:s25+$0xF180] =	vst.add.f32.msk $0xffff, v4  }
0x12d: {  	s1 =	sor.u32 $0x470, s9;
	[tilespmem:s20+$0xF180] =	vst.add.f32.msk $0xffff, v6  }
0x12e: {  	v6 =	vld [tilespmem:s1+$0x180]  }
0x12f: {  	s28 =	sor.u32 $0x440, s0;
	[tilespmem:s24+$0xF180] =	vst.add.f32.msk $0xffff, v3  }
0x130: {  	v3 =	vld [tilespmem:s28+$0x180]  }
0x131: {  	s29 =	sor.u32 $0x440, s16;
	[tilespmem:s26+$0xF180] =	vst.add.f32.msk $0xffff, v5  }
0x132: {  	s30 =	sor.u32 $0x440, s6;
	v4 =	vld [tilespmem:s29+$0x180]  }
0x133: {  	v5 =	vld [tilespmem:s30+$0x180]  }
0x134: {  	[tilespmem:s1+$0xF180] =	vst.add.f32.msk $0xffff, v6  }
0x135: {  	s31 =	sor.u32 $0x450, s0;
	[tilespmem:s28+$0xF180] =	vst.add.f32.msk $0xffff, v3  }
0x136: {  	v6 =	vld [tilespmem:s31+$0x180]  }
0x137: {  	[tilespmem:s29+$0xF180] =	vst.add.f32.msk $0xffff, v4  }
0x138: {  	s7 =	sor.u32 $0x450, s6;
	s5 =	simm.s32 $0x200;
	[tilespmem:s30+$0xF180] =	vst.add.f32.msk $0xffff, v5  }
0x139: {  	s11 =	sor.u32 $0x470, s16;
	s8 =	sor.u32 $0x450, s16;
	s22 =	sor.u32 $0x460, s16;
	v4 =	vld [tilespmem:s7+$0x180]  }
0x13a: {  	s23 =	sor.u32 $0x470, s0;
	s26 =	simm.s32 $0x0;
	s25 =	sor.u32 $0x460, s0;
	v3 =	vld [tilespmem:s8+$0x180]  }
0x13b: {  	s4 =	sor.u32 $0x460, s6;
	s24 =	sor.u32 $0x470, s6;
	s6 =	simm.s32 $0x400;
	[tilespmem:s31+$0xF180] =	vst.add.f32.msk $0xffff, v6  }
.LBB2_2:
0x13c: {  	s0 =	sand.u32 $0x7800, s6;
	s1 =	sand.u32 $0x200, s5  }
0x13d: {  	s29 =	sor.u32 s1, s0  }
0x13e: {  	v5 =	vld [tilespmem:s29+$0x320]  }
0x13f: {  	v6 =	vld [tilespmem:s29+$0x330]  }
0x140: {  	v7 =	vld [tilespmem:s29+$0x340]  }
0x141: {  	v8 =	vld [tilespmem:s29+$0x350]  }
0x142: {  	v9 =	vld [tilespmem:s29+$0x360]  }
0x143: {  	v10 =	vld [tilespmem:s29+$0x370]  }
0x144: {  	v60 =	vld [tilespmem:s29+$0x1C0]  }
0x145: {  	v61 =	vld [tilespmem:s29+$0x1D0]  }
0x146: {  	v62 =	vld [tilespmem:s29+$0x1E0]  }
0x147: {  	v11 =	vld [tilespmem:s29+$0x1F0]  }
0x148: {  	[tilespmem:s8+$0xF180] =	vst.add.f32.msk $0xffff, v3  }
0x149: {  	[tilespmem:s7+$0xF180] =	vst.add.f32.msk $0xffff, v4  }
0x14a: {  	v3 =	vld [tilespmem:s29+$0x300]  }
0x14b: {  	v4 =	vld [tilespmem:s29+$0x310]  }
0x14c: {  	v12 =	vld [tilespmem:s29+$0x200]  }
0x14d: {  	v13 =	vld [tilespmem:s29+$0x210]  }
0x14e: {  	v14 =	vld [tilespmem:s29+$0x220]  }
0x14f: {  	v15 =	vld [tilespmem:s29+$0x230]  }
0x150: {  	v16 =	vld [tilespmem:s29+$0x240]  }
0x151: {  	v17 =	vld [tilespmem:s29+$0x250]  }
0x152: {  	v18 =	vld [tilespmem:s29+$0x260]  }
0x153: {  	v19 =	vld [tilespmem:s29+$0x270]  }
0x154: {  	v20 =	vld [tilespmem:s29+$0x280]  }
0x155: {  	v21 =	vld [tilespmem:s29+$0x290]  }
0x156: {  	v22 =	vld [tilespmem:s29+$0x2A0]  }
0x157: {  	v23 =	vld [tilespmem:s29+$0x2B0]  }
0x158: {  	v24 =	vld [tilespmem:s29+$0x2C0]  }
0x159: {  	v25 =	vld [tilespmem:s29+$0x2D0]  }
0x15a: {  	v26 =	vld [tilespmem:s29+$0x2E0]  }
0x15b: {  	v27 =	vld [tilespmem:s29+$0x2F0]  }
0x15c: {  	[tilespmem:s29+$0xF320] =	vst.add.f32.msk $0xffff, v5  }
0x15d: {  	[tilespmem:s29+$0xF330] =	vst.add.f32.msk $0xffff, v6  }
0x15e: {  	[tilespmem:s29+$0xF340] =	vst.add.f32.msk $0xffff, v7  }
0x15f: {  	[tilespmem:s29+$0xF350] =	vst.add.f32.msk $0xffff, v8  }
0x160: {  	[tilespmem:s29+$0xF360] =	vst.add.f32.msk $0xffff, v9  }
0x161: {  	[tilespmem:s29+$0xF370] =	vst.add.f32.msk $0xffff, v10  }
0x162: {  	v5 =	vld [tilespmem:s29+$0x190]  }
0x163: {  	v6 =	vld [tilespmem:s29+$0x1A0]  }
0x164: {  	p0 =	por !p0, !p0;
	s0 =	simm.s32 $0x1;
	v7 =	vld [tilespmem:s29+$0x1B0]  }
0x165: {  	s0 =	simm.s32 @!p0 $0x0;
	[tilespmem:s29+$0xF1C0] =	vst.add.f32.msk $0xffff, v60  }
0x166: {  	s0 =	sshll.u32 s0, $0x9;
	[tilespmem:s29+$0xF1D0] =	vst.add.f32.msk $0xffff, v61  }
0x167: {  	s18 =	sadd.s32 s0, s6;
	[tilespmem:s29+$0xF1E0] =	vst.add.f32.msk $0xffff, v62  }
0x168: {  	s13 =	sadd.s32 $0x180, s18;
	[tilespmem:s29+$0xF300] =	vst.add.f32.msk $0xffff, v3  }
0x169: {  	s10 =	sor.u32 $0x400, s13;
	[tilespmem:s29+$0xF310] =	vst.add.f32.msk $0xffff, v4  }
0x16a: {  	v3 =	vld [tilespmem:s10+$0x180]  }
0x16b: {  	[tilespmem:s29+$0xF1F0] =	vst.add.f32.msk $0xffff, v11  }
0x16c: {  	v4 =	vld [tilespmem:s29+$0x180]  }
0x16d: {  	[tilespmem:s29+$0xF200] =	vst.add.f32.msk $0xffff, v12  }
0x16e: {  	[tilespmem:s29+$0xF210] =	vst.add.f32.msk $0xffff, v13  }
0x16f: {  	[tilespmem:s10+$0xF180] =	vst.add.f32.msk $0xffff, v3;
	s10 =	sor.u32 $0x410, s13  }
0x170: {  	v3 =	vld [tilespmem:s10+$0x180]  }
0x171: {  	[tilespmem:s29+$0xF220] =	vst.add.f32.msk $0xffff, v14  }
0x172: {  	[tilespmem:s29+$0xF230] =	vst.add.f32.msk $0xffff, v15  }
0x173: {  	[tilespmem:s29+$0xF240] =	vst.add.f32.msk $0xffff, v16  }
0x174: {  	[tilespmem:s29+$0xF250] =	vst.add.f32.msk $0xffff, v17  }
0x175: {  	[tilespmem:s10+$0xF180] =	vst.add.f32.msk $0xffff, v3;
	s10 =	sor.u32 $0x420, s13  }
0x176: {  	v3 =	vld [tilespmem:s10+$0x180]  }
0x177: {  	s12 =	sadd.s32 $0x80, s18;
	s1 =	sor.u32 $0x450, s18;
	[tilespmem:s29+$0xF260] =	vst.add.f32.msk $0xffff, v18  }
0x178: {  	[dreg:$0x5] =	wrdreg s1;
	s1 =	sor.u32 $0x460, s12;
	[tilespmem:s29+$0xF270] =	vst.add.f32.msk $0xffff, v19  }
0x179: {  	s9 =	sadd.s32 $0x100, s18;
	[dreg:$0x15] =	wrdreg s1;
	s1 =	sor.u32 $0x460, s18;
	[tilespmem:s29+$0xF280] =	vst.add.f32.msk $0xffff, v20  }
0x17a: {  	[dreg:$0x1d] =	wrdreg s1;
	s1 =	sor.u32 $0x460, s9;
	[tilespmem:s29+$0xF290] =	vst.add.f32.msk $0xffff, v21  }
0x17b: {  	[dreg:$0x19] =	wrdreg s1;
	s1 =	sor.u32 $0x430, s13;
	[tilespmem:s10+$0xF180] =	vst.add.f32.msk $0xffff, v3  }
0x17c: {  	v3 =	vld [tilespmem:s1+$0x180]  }
0x17d: {  	[tilespmem:s29+$0xF2A0] =	vst.add.f32.msk $0xffff, v22  }
0x17e: {  	[tilespmem:s29+$0xF2B0] =	vst.add.f32.msk $0xffff, v23  }
0x17f: {  	[tilespmem:s29+$0xF2C0] =	vst.add.f32.msk $0xffff, v24  }
0x180: {  	[tilespmem:s29+$0xF2D0] =	vst.add.f32.msk $0xffff, v25  }
0x181: {  	s10 =	sor.u32 $0x440, s13;
	[tilespmem:s1+$0xF180] =	vst.add.f32.msk $0xffff, v3  }
0x182: {  	v3 =	vld [tilespmem:s10+$0x180]  }
0x183: {  	[tilespmem:s29+$0xF2E0] =	vst.add.f32.msk $0xffff, v26  }
0x184: {  	[tilespmem:s29+$0xF2F0] =	vst.add.f32.msk $0xffff, v27  }
0x185: {  	[tilespmem:s29+$0xF190] =	vst.add.f32.msk $0xffff, v5  }
0x186: {  	[tilespmem:s29+$0xF1A0] =	vst.add.f32.msk $0xffff, v6  }
0x187: {  	s1 =	sor.u32 $0x450, s13;
	[tilespmem:s10+$0xF180] =	vst.add.f32.msk $0xffff, v3  }
0x188: {  	v3 =	vld [tilespmem:s1+$0x180]  }
0x189: {  	s20 =	sor.u32 $0x400, s9;
	[tilespmem:s29+$0xF1B0] =	vst.add.f32.msk $0xffff, v7  }
0x18a: {  	v5 =	vld [tilespmem:s20+$0x180]  }
0x18b: {  	v7 =	vld [tilespmem:s22+$0x180]  }
0x18c: {  	[tilespmem:s29+$0xF180] =	vst.add.f32.msk $0xffff, v4  }
0x18d: {  	s10 =	sor.u32 $0x460, s13;
	[tilespmem:s1+$0xF180] =	vst.add.f32.msk $0xffff, v3  }
0x18e: {  	s3 =	sor.u32 $0x400, s12;
	v3 =	vld [tilespmem:s10+$0x180]  }
0x18f: {  	v4 =	vld [tilespmem:s3+$0x180]  }
0x190: {  	v6 =	vld [tilespmem:s25+$0x180]  }
0x191: {  	s31 =	sor.u32 $0x410, s9;
	[tilespmem:s20+$0xF180] =	vst.add.f32.msk $0xffff, v5  }
0x192: {  	v5 =	vld [tilespmem:s31+$0x180]  }
0x193: {  	s1 =	sor.u32 $0x470, s13;
	[tilespmem:s10+$0xF180] =	vst.add.f32.msk $0xffff, v3  }
0x194: {  	v3 =	vld [tilespmem:s1+$0x180]  }
0x195: {  	v63 =	vld [tilespmem:s4+$0x180]  }
0x196: {  	s2 =	sor.u32 $0x410, s12;
	[tilespmem:s3+$0xF180] =	vst.add.f32.msk $0xffff, v4  }
0x197: {  	v4 =	vld [tilespmem:s2+$0x180]  }
0x198: {  	[tilespmem:s31+$0xF180] =	vst.add.f32.msk $0xffff, v5  }
0x199: {  	s21 =	sor.u32 $0x400, s18;
	[tilespmem:s1+$0xF180] =	vst.add.f32.msk $0xffff, v3  }
0x19a: {  	s17 =	sor.u32 $0x420, s9;
	v3 =	vld [tilespmem:s21+$0x180]  }
0x19b: {  	v5 =	vld [tilespmem:s17+$0x180]  }
0x19c: {  	[tilespmem:s4+$0xF180] =	vst.add.f32.msk $0xffff, v63  }
0x19d: {  	s19 =	sor.u32 $0x420, s12;
	[tilespmem:s2+$0xF180] =	vst.add.f32.msk $0xffff, v4  }
0x19e: {  	v4 =	vld [tilespmem:s19+$0x180]  }
0x19f: {  	s0 =	sor.u32 $0x410, s18;
	[tilespmem:s21+$0xF180] =	vst.add.f32.msk $0xffff, v3  }
0x1a0: {  	v3 =	vld [tilespmem:s0+$0x180]  }
0x1a1: {  	[tilespmem:s22+$0xF180] =	vst.add.f32.msk $0xffff, v7  }
0x1a2: {  	s16 =	sor.u32 $0x430, s9;
	[tilespmem:s17+$0xF180] =	vst.add.f32.msk $0xffff, v5  }
0x1a3: {  	v5 =	vld [tilespmem:s16+$0x180]  }
0x1a4: {  	[tilespmem:s25+$0xF180] =	vst.add.f32.msk $0xffff, v6  }
0x1a5: {  	s14 =	sor.u32 $0x420, s18;
	[tilespmem:s0+$0xF180] =	vst.add.f32.msk $0xffff, v3  }
0x1a6: {  	v3 =	vld [tilespmem:s14+$0x180]  }
0x1a7: {  	s28 =	sor.u32 $0x430, s12;
	[tilespmem:s19+$0xF180] =	vst.add.f32.msk $0xffff, v4  }
0x1a8: {  	v4 =	vld [tilespmem:s28+$0x180]  }
0x1a9: {  	v7 =	vld [tilespmem:s11+$0x180]  }
0x1aa: {  	s7 =	sor.u32 $0x440, s12;
	[tilespmem:s16+$0xF180] =	vst.add.f32.msk $0xffff, v5  }
0x1ab: {  	s15 =	sor.u32 $0x430, s18;
	s8 =	sor.u32 $0x440, s9;
	[dreg:$0xd] =	wrdreg s7;
	[tilespmem:s14+$0xF180] =	vst.add.f32.msk $0xffff, v3  }
0x1ac: {  	[dreg:$0x9] =	wrdreg s8;
	v3 =	vld [tilespmem:s15+$0x180]  }
0x1ad: {  	[tilespmem:s28+$0xF180] =	vst.add.f32.msk $0xffff, v4;
	s28 =	rddreg [dreg:$0x9]  }
0x1ae: {  	v5 =	vld [tilespmem:s28+$0x180];
	s21 =	rddreg [dreg:$0xd]  }
0x1af: {  	v4 =	vld [tilespmem:s21+$0x180]  }
0x1b0: {  	v6 =	vld [tilespmem:s23+$0x180]  }
0x1b1: {  	s30 =	sor.u32 $0x440, s18;
	[tilespmem:s15+$0xF180] =	vst.add.f32.msk $0xffff, v3  }
0x1b2: {  	v3 =	vld [tilespmem:s30+$0x180]  }
0x1b3: {  	v8 =	vld [tilespmem:s24+$0x180]  }
0x1b4: {  	[tilespmem:s28+$0xF180] =	vst.add.f32.msk $0xffff, v5  }
0x1b5: {  	s18 =	sor.u32 $0x470, s18;
	[tilespmem:s21+$0xF180] =	vst.add.f32.msk $0xffff, v4  }
0x1b6: {  	[dreg:$0x11] =	wrdreg s18;
	[tilespmem:s23+$0xF180] =	vst.add.f32.msk $0xffff, v6  }
0x1b7: {  	s26 =	sadd.s32 $0x4, s26;
	s31 =	rddreg [dreg:$0x5];
	[tilespmem:s30+$0xF180] =	vst.add.f32.msk $0xffff, v3  }
0x1b8: {  	p1 =	slt.u32 s26, $0x4C;
	s7 =	sor.u32 $0x450, s9;
	s29 =	rddreg [dreg:$0x11];
	v5 =	vld [tilespmem:s31+$0x180]  }
.Ltmp0:
0x1b9: {  	s5 =	sadd.s32 $0x200, s5;
	s20 =	rddreg [dreg:$0x19];
	v4 =	vld [tilespmem:s7+$0x180];
	(pc) =	sbr.rel @p1 .LBB2_2-.Ltmp0, $4  }
0x1ba: {  	s6 =	sadd.s32 $0x400, s6;
	s8 =	sor.u32 $0x450, s12;
	s13 =	rddreg [dreg:$0x15];
	[tilespmem:s24+$0xF180] =	vst.add.f32.msk $0xffff, v8  }
0x1bb: {  	s12 =	sor.u32 $0x470, s12;
	s18 =	sor.u32 $0x470, s9;
	s10 =	rddreg [dreg:$0x1d];
	v3 =	vld [tilespmem:s8+$0x180]  }
0x1bc: {  	s4 =	smov.u32 s20;
	s22 =	smov.u32 s13;
	s25 =	smov.u32 s10;
	[tilespmem:s11+$0xF180] =	vst.add.f32.msk $0xffff, v7  }
0x1bd: {  	s24 =	smov.u32 s18;
	s23 =	smov.u32 s29;
	s11 =	smov.u32 s12;
	[tilespmem:s31+$0xF180] =	vst.add.f32.msk $0xffff, v5  }
0x1be: {  	[tilespmem:s7+$0xF180] =	vst.add.f32.msk $0xffff, v4  }
0x1bf: {  	v5 =	vld [tilespmem:s4+$0x180]  }
0x1c0: {  	[tilespmem:s8+$0xF180] =	vst.add.f32.msk $0xffff, v3  }
0x1c1: {  	v3 =	vld [tilespmem:s25+$0x180];
	_ =	sdelay $0x1  }
0x1c2: {  	v4 =	vld [tilespmem:s22+$0x180];
	_ =	sdelay $0x1  }
0x1c3: {  	[tilespmem:s4+$0xF180] =	vst.add.f32.msk $0xffff, v5  }
0x1c4: {  	[tilespmem:s25+$0xF180] =	vst.add.f32.msk $0xffff, v3  }
0x1c5: {  	v5 =	vld [tilespmem:s24+$0x180]  }
0x1c6: {  	[tilespmem:s22+$0xF180] =	vst.add.f32.msk $0xffff, v4  }
0x1c7: {  	v3 =	vld [tilespmem:s23+$0x180]  }
0x1c8: {  	v4 =	vld [tilespmem:s11+$0x180];
	_ =	sdelay $0x2  }
0x1c9: {  	[tilespmem:s24+$0xF180] =	vst.add.f32.msk $0xffff, v5  }
0x1ca: {  	[tilespmem:s23+$0xF180] =	vst.add.f32.msk $0xffff, v3  }
0x1cb: {  	[tilespmem:s11+$0xF180] =	vst.add.f32.msk $0xffff, v4  }
0x1cc: {  	s1 =	sld [smem:$0x7F8];
	_ =	sdelay $0x1  }
0x1cd: {  	s0 =	simm.s32 $0x0;
	s2 =	simm.s32 $0xF180;
	s15 =	simm.s32 $0x7  }
0x1ce: {  	[hbm4b:s1+s0] =	stream.linear.scatter [tilespmem:s2], [sflag:$0x7], $0x5000, $0x38;
	[tilespmem:$0x1E180] =	vst v63  }
0x1cf: {  	_ =	swait.ge [sflag:s15], $0x5000  }
0x1d0: {  	[sflag:s15] =	ssyncset.done $0x0  }
0x1d1: {  	[sflag:s15] =	ssyncadd.s32 $0xFFFFB000  }
0x1d2: {  	v3 =	vld [tilespmem:$0xF0];
	_ =	sdelay $0x4  }
0x1d3: {  	v4 =	vshll.u32 v3, $0x1  }
0x1d4: {  	v3 =	vand.u32 $0x7, v3;
	v4 =	vand.u32 $0xFFFFFFF0, v4  }
0x1d5: {  	v3 =	vor.u32 v3, v4  }
0x1d6: {  	v4 =	vperm.xlane v3, v0;
	_ =	sdelay $0x1  }
0x1d7: {  	v3 =	vperm.xlane v3, v2;
	v4 =	vadd.s32 v1, v4;
	_ =	sdelay $0x1  }
0x1d8: {  	v3 =	vadd.s32 v1, v3;
	_ =	sdelay $0x1  }
0x1d9: {  	s3 =	simm.s32 $0x180;
	s1 =	rddreg [dreg:$0x0]  }
0x1da: {  	[tilespmem:s3], [sflag:$0x1] =	stream.indirect_vreg.gather [hbm4b:s1+s0], $0x80, v4, vm0, $0xb8;
	[tilespmem:$0x1E180] =	vst v63  }
0x1db: {  	s16 =	simm.s32 $0x980  }
0x1dc: {  	[tilespmem:s16], [sflag:$0x1] =	stream.indirect_vreg.gather [hbm4b:s1+s0], $0x80, v3, vm0, $0xb8;
	[tilespmem:$0x1E180] =	vst v63  }
0x1dd: {  	v3 =	vld [tilespmem:$0x100];
	_ =	sdelay $0x4  }
0x1de: {  	v4 =	vshll.u32 v3, $0x1  }
0x1df: {  	v3 =	vand.u32 $0x7, v3;
	v4 =	vand.u32 $0xFFFFFFF0, v4  }
0x1e0: {  	v3 =	vor.u32 v3, v4  }
0x1e1: {  	v4 =	vperm.xlane v3, v0;
	_ =	sdelay $0x1  }
0x1e2: {  	v3 =	vperm.xlane v3, v2;
	v4 =	vadd.s32 v1, v4;
	_ =	sdelay $0x1  }
0x1e3: {  	v3 =	vadd.s32 v1, v3;
	_ =	sdelay $0x1  }
0x1e4: {  	s17 =	simm.s32 $0x1180  }
0x1e5: {  	[tilespmem:s17], [sflag:$0x1] =	stream.indirect_vreg.gather [hbm4b:s1+s0], $0x80, v4, vm0, $0xb8;
	[tilespmem:$0x1E180] =	vst v63  }
0x1e6: {  	s18 =	simm.s32 $0x1980  }
0x1e7: {  	[tilespmem:s18], [sflag:$0x1] =	stream.indirect_vreg.gather [hbm4b:s1+s0], $0x80, v3, vm0, $0xb8;
	[tilespmem:$0x1E180] =	vst v63  }
0x1e8: {  	v3 =	vld [tilespmem:$0x110];
	_ =	sdelay $0x4  }
0x1e9: {  	v4 =	vshll.u32 v3, $0x1  }
0x1ea: {  	v3 =	vand.u32 $0x7, v3;
	v4 =	vand.u32 $0xFFFFFFF0, v4  }
0x1eb: {  	v3 =	vor.u32 v3, v4  }
0x1ec: {  	v4 =	vperm.xlane v3, v0;
	_ =	sdelay $0x1  }
0x1ed: {  	v3 =	vperm.xlane v3, v2;
	v4 =	vadd.s32 v1, v4;
	_ =	sdelay $0x1  }
0x1ee: {  	v3 =	vadd.s32 v1, v3;
	_ =	sdelay $0x1  }
0x1ef: {  	s19 =	simm.s32 $0x2180  }
0x1f0: {  	[tilespmem:s19], [sflag:$0x1] =	stream.indirect_vreg.gather [hbm4b:s1+s0], $0x80, v4, vm0, $0xb8;
	[tilespmem:$0x1E180] =	vst v63  }
0x1f1: {  	s20 =	simm.s32 $0x2980  }
0x1f2: {  	[tilespmem:s20], [sflag:$0x1] =	stream.indirect_vreg.gather [hbm4b:s1+s0], $0x80, v3, vm0, $0xb8;
	[tilespmem:$0x1E180] =	vst v63  }
0x1f3: {  	v3 =	vld [tilespmem:$0x120];
	_ =	sdelay $0x4  }
0x1f4: {  	v4 =	vshll.u32 v3, $0x1  }
0x1f5: {  	v3 =	vand.u32 $0x7, v3;
	v4 =	vand.u32 $0xFFFFFFF0, v4  }
0x1f6: {  	v3 =	vor.u32 v3, v4  }
0x1f7: {  	v4 =	vperm.xlane v3, v0;
	_ =	sdelay $0x1  }
0x1f8: {  	v3 =	vperm.xlane v3, v2;
	v4 =	vadd.s32 v1, v4;
	_ =	sdelay $0x1  }
0x1f9: {  	v3 =	vadd.s32 v1, v3;
	_ =	sdelay $0x1  }
0x1fa: {  	s21 =	simm.s32 $0x3180  }
0x1fb: {  	[tilespmem:s21], [sflag:$0x1] =	stream.indirect_vreg.gather [hbm4b:s1+s0], $0x80, v4, vm0, $0xb8;
	[tilespmem:$0x1E180] =	vst v63  }
0x1fc: {  	s22 =	simm.s32 $0x3980  }
0x1fd: {  	[tilespmem:s22], [sflag:$0x1] =	stream.indirect_vreg.gather [hbm4b:s1+s0], $0x80, v3, vm0, $0xb8;
	[tilespmem:$0x1E180] =	vst v63  }
0x1fe: {  	v3 =	vld [tilespmem:$0x130];
	_ =	sdelay $0x4  }
0x1ff: {  	v4 =	vshll.u32 v3, $0x1  }
0x200: {  	v3 =	vand.u32 $0x7, v3;
	v4 =	vand.u32 $0xFFFFFFF0, v4  }
0x201: {  	v3 =	vor.u32 v3, v4  }
0x202: {  	v4 =	vperm.xlane v3, v0;
	_ =	sdelay $0x1  }
0x203: {  	v3 =	vperm.xlane v3, v2;
	v4 =	vadd.s32 v1, v4;
	_ =	sdelay $0x1  }
0x204: {  	v3 =	vadd.s32 v1, v3;
	_ =	sdelay $0x1  }
0x205: {  	s23 =	simm.s32 $0x4180  }
0x206: {  	[tilespmem:s23], [sflag:$0x1] =	stream.indirect_vreg.gather [hbm4b:s1+s0], $0x80, v4, vm0, $0xb8;
	[tilespmem:$0x1E180] =	vst v63  }
0x207: {  	s24 =	simm.s32 $0x4980;
	s25 =	sld [smem:$0x7F9]  }
0x208: {  	[tilespmem:s24], [sflag:$0x1] =	stream.indirect_vreg.gather [hbm4b:s1+s0], $0x80, v3, vm0, $0xb8;
	[tilespmem:$0x1E180] =	vst v63  }
0x209: {  	s26 =	simm.s32 $0x2  }
0x20a: {  	[tilespmem:s2], [sflag:$0x4] =	stream.linear.gather [hbm4b:s25+s0], $0x5000, $0x38;
	[tilespmem:$0x1E180] =	vst v63  }
0x20b: {  	_ =	swait.ge [sflag:s26], $0x5000  }
0x20c: {  	[sflag:s26] =	ssyncset.done $0x0  }
0x20d: {  	s28 =	simm.s32 $0x5;
	[sflag:s26] =	ssyncadd.s32 $0xFFFFB000  }
0x20e: {  	_ =	swait.ge [sflag:s28], $0x5000  }
0x20f: {  	s29 =	sand.u32 $0x7800, s0;
	s0 =	sand.u32 $0x200, s0;
	[sflag:s28] =	ssyncset.done $0x0  }
0x210: {  	s30 =	sor.u32 s0, s29;
	[sflag:s28] =	ssyncadd.s32 $0xFFFFB000  }
0x211: {  	v3 =	vld [tilespmem:s30+$0x5300]  }
0x212: {  	v4 =	vld [tilespmem:s30+$0x5310]  }
0x213: {  	v5 =	vld [tilespmem:s30+$0x5320]  }
0x214: {  	v6 =	vld [tilespmem:s30+$0x5330]  }
0x215: {  	v7 =	vld [tilespmem:s30+$0x5340]  }
0x216: {  	v8 =	vld [tilespmem:s30+$0x5350]  }
0x217: {  	v9 =	vld [tilespmem:s30+$0x5360]  }
0x218: {  	v10 =	vld [tilespmem:s30+$0x5370]  }
0x219: {  	v61 =	vld [tilespmem:s30+$0x51C0]  }
0x21a: {  	v62 =	vld [tilespmem:s30+$0x51D0]  }
0x21b: {  	v63 =	vld [tilespmem:s30+$0x51E0]  }
0x21c: {  	v11 =	vld [tilespmem:s30+$0x51F0]  }
0x21d: {  	v12 =	vld [tilespmem:s30+$0x5200]  }
0x21e: {  	v13 =	vld [tilespmem:s30+$0x5210]  }
0x21f: {  	v14 =	vld [tilespmem:s30+$0x5220]  }
0x220: {  	v15 =	vld [tilespmem:s30+$0x5230]  }
0x221: {  	v16 =	vld [tilespmem:s30+$0x5240]  }
0x222: {  	v17 =	vld [tilespmem:s30+$0x5250]  }
0x223: {  	v18 =	vld [tilespmem:s30+$0x5260]  }
0x224: {  	v19 =	vld [tilespmem:s30+$0x5270]  }
0x225: {  	v20 =	vld [tilespmem:s30+$0x5280]  }
0x226: {  	v21 =	vld [tilespmem:s30+$0x5290]  }
0x227: {  	v22 =	vld [tilespmem:s30+$0x52A0]  }
0x228: {  	v23 =	vld [tilespmem:s30+$0x52B0]  }
0x229: {  	v24 =	vld [tilespmem:s30+$0x52C0]  }
0x22a: {  	v25 =	vld [tilespmem:s30+$0x52D0]  }
0x22b: {  	v26 =	vld [tilespmem:s30+$0x52E0]  }
0x22c: {  	v27 =	vld [tilespmem:s30+$0x52F0]  }
0x22d: {  	[tilespmem:s30+$0x14300] =	vst.add.f32.msk $0xffff, v3  }
0x22e: {  	[tilespmem:s30+$0x14310] =	vst.add.f32.msk $0xffff, v4  }
0x22f: {  	[tilespmem:s30+$0x14320] =	vst.add.f32.msk $0xffff, v5  }
0x230: {  	[tilespmem:s30+$0x14330] =	vst.add.f32.msk $0xffff, v6  }
0x231: {  	[tilespmem:s30+$0x14340] =	vst.add.f32.msk $0xffff, v7  }
0x232: {  	[tilespmem:s30+$0x14350] =	vst.add.f32.msk $0xffff, v8  }
0x233: {  	[tilespmem:s30+$0x14360] =	vst.add.f32.msk $0xffff, v9  }
0x234: {  	[tilespmem:s30+$0x14370] =	vst.add.f32.msk $0xffff, v10  }
0x235: {  	v4 =	vld [tilespmem:s30+$0x5180]  }
0x236: {  	v5 =	vld [tilespmem:s30+$0x5190]  }
0x237: {  	p0 =	por $0x0, $0x0;
	s0 =	simm.s32 $0x1;
	v6 =	vld [tilespmem:s30+$0x51A0]  }
0x238: {  	s0 =	simm.s32 @!p0 $0x0;
	v7 =	vld [tilespmem:s30+$0x51B0]  }
0x239: {  	s0 =	sshll.u32 s0, $0x9;
	[tilespmem:s30+$0x141C0] =	vst.add.f32.msk $0xffff, v61  }
0x23a: {  	s0 =	sadd.s32 $0x0, s0;
	[tilespmem:s30+$0x141D0] =	vst.add.f32.msk $0xffff, v62  }
0x23b: {  	s31 =	sadd.s32 $0x180, s0;
	[tilespmem:s30+$0x141E0] =	vst.add.f32.msk $0xffff, v63  }
0x23c: {  	s8 =	sor.u32 $0x400, s31;
	[tilespmem:s30+$0x141F0] =	vst.add.f32.msk $0xffff, v11  }
0x23d: {  	v3 =	vld [tilespmem:s8+$0x5180]  }
0x23e: {  	[tilespmem:s30+$0x14200] =	vst.add.f32.msk $0xffff, v12  }
0x23f: {  	[tilespmem:s30+$0x14210] =	vst.add.f32.msk $0xffff, v13  }
0x240: {  	[tilespmem:s30+$0x14220] =	vst.add.f32.msk $0xffff, v14  }
0x241: {  	[tilespmem:s30+$0x14230] =	vst.add.f32.msk $0xffff, v15  }
0x242: {  	s9 =	sor.u32 $0x410, s31;
	[tilespmem:s8+$0x14180] =	vst.add.f32.msk $0xffff, v3  }
0x243: {  	v3 =	vld [tilespmem:s9+$0x5180]  }
0x244: {  	[tilespmem:s30+$0x14240] =	vst.add.f32.msk $0xffff, v16  }
0x245: {  	[tilespmem:s30+$0x14250] =	vst.add.f32.msk $0xffff, v17  }
0x246: {  	[tilespmem:s30+$0x14260] =	vst.add.f32.msk $0xffff, v18  }
0x247: {  	[tilespmem:s30+$0x14270] =	vst.add.f32.msk $0xffff, v19  }
0x248: {  	s10 =	sor.u32 $0x420, s31;
	[tilespmem:s9+$0x14180] =	vst.add.f32.msk $0xffff, v3  }
0x249: {  	v3 =	vld [tilespmem:s10+$0x5180]  }
0x24a: {  	[tilespmem:s30+$0x14280] =	vst.add.f32.msk $0xffff, v20  }
0x24b: {  	[tilespmem:s30+$0x14290] =	vst.add.f32.msk $0xffff, v21  }
0x24c: {  	[tilespmem:s30+$0x142A0] =	vst.add.f32.msk $0xffff, v22  }
0x24d: {  	[tilespmem:s30+$0x142B0] =	vst.add.f32.msk $0xffff, v23  }
0x24e: {  	s11 =	sor.u32 $0x430, s31;
	[tilespmem:s10+$0x14180] =	vst.add.f32.msk $0xffff, v3  }
0x24f: {  	v3 =	vld [tilespmem:s11+$0x5180]  }
0x250: {  	[tilespmem:s30+$0x142C0] =	vst.add.f32.msk $0xffff, v24  }
0x251: {  	[tilespmem:s30+$0x142D0] =	vst.add.f32.msk $0xffff, v25  }
0x252: {  	[tilespmem:s30+$0x142E0] =	vst.add.f32.msk $0xffff, v26  }
0x253: {  	[tilespmem:s30+$0x142F0] =	vst.add.f32.msk $0xffff, v27  }
0x254: {  	s12 =	sor.u32 $0x440, s31;
	[tilespmem:s11+$0x14180] =	vst.add.f32.msk $0xffff, v3  }
0x255: {  	v3 =	vld [tilespmem:s12+$0x5180]  }
0x256: {  	[tilespmem:s30+$0x14180] =	vst.add.f32.msk $0xffff, v4  }
0x257: {  	s14 =	sadd.s32 $0x80, s0;
	[tilespmem:s30+$0x14190] =	vst.add.f32.msk $0xffff, v5  }
0x258: {  	s5 =	sor.u32 $0x400, s14;
	[tilespmem:s30+$0x141A0] =	vst.add.f32.msk $0xffff, v6  }
0x259: {  	v4 =	vld [tilespmem:s5+$0x5180]  }
0x25a: {  	s13 =	sor.u32 $0x450, s31;
	[tilespmem:s12+$0x14180] =	vst.add.f32.msk $0xffff, v3  }
0x25b: {  	s6 =	sadd.s32 $0x100, s0;
	v3 =	vld [tilespmem:s13+$0x5180]  }
0x25c: {  	s16 =	sor.u32 $0x400, s6;
	[tilespmem:s30+$0x141B0] =	vst.add.f32.msk $0xffff, v7  }
0x25d: {  	v5 =	vld [tilespmem:s16+$0x5180]  }
0x25e: {  	s18 =	sor.u32 $0x410, s14;
	[tilespmem:s5+$0x14180] =	vst.add.f32.msk $0xffff, v4  }
0x25f: {  	v4 =	vld [tilespmem:s18+$0x5180]  }
0x260: {  	s15 =	sor.u32 $0x400, s0;
	[tilespmem:s13+$0x14180] =	vst.add.f32.msk $0xffff, v3  }
0x261: {  	v3 =	vld [tilespmem:s15+$0x5180]  }
0x262: {  	s20 =	sor.u32 $0x410, s6;
	[tilespmem:s16+$0x14180] =	vst.add.f32.msk $0xffff, v5  }
0x263: {  	v5 =	vld [tilespmem:s20+$0x5180];
	_ =	sdelay $0x1  }
0x264: {  	[tilespmem:s18+$0x14180] =	vst.add.f32.msk $0xffff, v4  }
0x265: {  	s17 =	sor.u32 $0x410, s0;
	[tilespmem:s15+$0x14180] =	vst.add.f32.msk $0xffff, v3  }
0x266: {  	v3 =	vld [tilespmem:s17+$0x5180]  }
0x267: {  	s22 =	sor.u32 $0x420, s14;
	[tilespmem:s20+$0x14180] =	vst.add.f32.msk $0xffff, v5  }
0x268: {  	s23 =	sor.u32 $0x420, s6;
	v4 =	vld [tilespmem:s22+$0x5180]  }
0x269: {  	v5 =	vld [tilespmem:s23+$0x5180];
	_ =	sdelay $0x1  }
0x26a: {  	s21 =	sor.u32 $0x420, s0;
	[tilespmem:s17+$0x14180] =	vst.add.f32.msk $0xffff, v3  }
0x26b: {  	v3 =	vld [tilespmem:s21+$0x5180]  }
0x26c: {  	[tilespmem:s22+$0x14180] =	vst.add.f32.msk $0xffff, v4  }
0x26d: {  	s25 =	sor.u32 $0x430, s14;
	[tilespmem:s23+$0x14180] =	vst.add.f32.msk $0xffff, v5  }
0x26e: {  	s19 =	sor.u32 $0x460, s31;
	v4 =	vld [tilespmem:s25+$0x5180]  }
0x26f: {  	v6 =	vld [tilespmem:s19+$0x5180]  }
0x270: {  	s24 =	sor.u32 $0x430, s0;
	[tilespmem:s21+$0x14180] =	vst.add.f32.msk $0xffff, v3  }
0x271: {  	s26 =	sor.u32 $0x430, s6;
	v3 =	vld [tilespmem:s24+$0x5180]  }
0x272: {  	v5 =	vld [tilespmem:s26+$0x5180]  }
0x273: {  	[tilespmem:s25+$0x14180] =	vst.add.f32.msk $0xffff, v4  }
0x274: {  	s1 =	sor.u32 $0x470, s31;
	[tilespmem:s19+$0x14180] =	vst.add.f32.msk $0xffff, v6  }
0x275: {  	v6 =	vld [tilespmem:s1+$0x5180]  }
0x276: {  	s28 =	sor.u32 $0x440, s0;
	[tilespmem:s24+$0x14180] =	vst.add.f32.msk $0xffff, v3  }
0x277: {  	v3 =	vld [tilespmem:s28+$0x5180]  }
0x278: {  	s29 =	sor.u32 $0x440, s14;
	[tilespmem:s26+$0x14180] =	vst.add.f32.msk $0xffff, v5  }
0x279: {  	s30 =	sor.u32 $0x440, s6;
	v4 =	vld [tilespmem:s29+$0x5180]  }
0x27a: {  	v5 =	vld [tilespmem:s30+$0x5180]  }
0x27b: {  	[tilespmem:s1+$0x14180] =	vst.add.f32.msk $0xffff, v6  }
0x27c: {  	s31 =	sor.u32 $0x450, s0;
	[tilespmem:s28+$0x14180] =	vst.add.f32.msk $0xffff, v3  }
0x27d: {  	v6 =	vld [tilespmem:s31+$0x5180]  }
0x27e: {  	[tilespmem:s29+$0x14180] =	vst.add.f32.msk $0xffff, v4  }
0x27f: {  	s7 =	sor.u32 $0x450, s6;
	s4 =	sor.u32 $0x460, s6;
	[tilespmem:s30+$0x14180] =	vst.add.f32.msk $0xffff, v5  }
0x280: {  	s8 =	sor.u32 $0x450, s14;
	s5 =	simm.s32 $0x200;
	s22 =	sor.u32 $0x460, s14;
	v4 =	vld [tilespmem:s7+$0x5180]  }
0x281: {  	s23 =	sor.u32 $0x470, s0;
	s11 =	sor.u32 $0x470, s14;
	s26 =	simm.s32 $0x0;
	v3 =	vld [tilespmem:s8+$0x5180]  }
0x282: {  	s25 =	sor.u32 $0x460, s0;
	s24 =	sor.u32 $0x470, s6;
	s6 =	simm.s32 $0x400;
	[tilespmem:s31+$0x14180] =	vst.add.f32.msk $0xffff, v6  }
.LBB2_4:
0x283: {  	s0 =	sand.u32 $0x7800, s6;
	s1 =	sand.u32 $0x200, s5  }
0x284: {  	s29 =	sor.u32 s1, s0  }
0x285: {  	v5 =	vld [tilespmem:s29+$0x5320]  }
0x286: {  	v6 =	vld [tilespmem:s29+$0x5330]  }
0x287: {  	v7 =	vld [tilespmem:s29+$0x5340]  }
0x288: {  	v8 =	vld [tilespmem:s29+$0x5350]  }
0x289: {  	v9 =	vld [tilespmem:s29+$0x5360]  }
0x28a: {  	v10 =	vld [tilespmem:s29+$0x5370]  }
0x28b: {  	v60 =	vld [tilespmem:s29+$0x51C0]  }
0x28c: {  	v61 =	vld [tilespmem:s29+$0x51D0]  }
0x28d: {  	v62 =	vld [tilespmem:s29+$0x51E0]  }
0x28e: {  	v11 =	vld [tilespmem:s29+$0x51F0]  }
0x28f: {  	[tilespmem:s8+$0x14180] =	vst.add.f32.msk $0xffff, v3  }
0x290: {  	[tilespmem:s7+$0x14180] =	vst.add.f32.msk $0xffff, v4  }
0x291: {  	v3 =	vld [tilespmem:s29+$0x5300]  }
0x292: {  	v4 =	vld [tilespmem:s29+$0x5310]  }
0x293: {  	v12 =	vld [tilespmem:s29+$0x5200]  }
0x294: {  	v13 =	vld [tilespmem:s29+$0x5210]  }
0x295: {  	v14 =	vld [tilespmem:s29+$0x5220]  }
0x296: {  	v15 =	vld [tilespmem:s29+$0x5230]  }
0x297: {  	v16 =	vld [tilespmem:s29+$0x5240]  }
0x298: {  	v17 =	vld [tilespmem:s29+$0x5250]  }
0x299: {  	v18 =	vld [tilespmem:s29+$0x5260]  }
0x29a: {  	v19 =	vld [tilespmem:s29+$0x5270]  }
0x29b: {  	v20 =	vld [tilespmem:s29+$0x5280]  }
0x29c: {  	v21 =	vld [tilespmem:s29+$0x5290]  }
0x29d: {  	v22 =	vld [tilespmem:s29+$0x52A0]  }
0x29e: {  	v23 =	vld [tilespmem:s29+$0x52B0]  }
0x29f: {  	v24 =	vld [tilespmem:s29+$0x52C0]  }
0x2a0: {  	v25 =	vld [tilespmem:s29+$0x52D0]  }
0x2a1: {  	v26 =	vld [tilespmem:s29+$0x52E0]  }
0x2a2: {  	v27 =	vld [tilespmem:s29+$0x52F0]  }
0x2a3: {  	[tilespmem:s29+$0x14320] =	vst.add.f32.msk $0xffff, v5  }
0x2a4: {  	[tilespmem:s29+$0x14330] =	vst.add.f32.msk $0xffff, v6  }
0x2a5: {  	[tilespmem:s29+$0x14340] =	vst.add.f32.msk $0xffff, v7  }
0x2a6: {  	[tilespmem:s29+$0x14350] =	vst.add.f32.msk $0xffff, v8  }
0x2a7: {  	[tilespmem:s29+$0x14360] =	vst.add.f32.msk $0xffff, v9  }
0x2a8: {  	[tilespmem:s29+$0x14370] =	vst.add.f32.msk $0xffff, v10  }
0x2a9: {  	v5 =	vld [tilespmem:s29+$0x5190]  }
0x2aa: {  	v6 =	vld [tilespmem:s29+$0x51A0]  }
0x2ab: {  	p0 =	por !p0, !p0;
	s0 =	simm.s32 $0x1;
	v7 =	vld [tilespmem:s29+$0x51B0]  }
0x2ac: {  	s0 =	simm.s32 @!p0 $0x0;
	[tilespmem:s29+$0x141C0] =	vst.add.f32.msk $0xffff, v60  }
0x2ad: {  	s0 =	sshll.u32 s0, $0x9;
	[tilespmem:s29+$0x141D0] =	vst.add.f32.msk $0xffff, v61  }
0x2ae: {  	s18 =	sadd.s32 s0, s6;
	[tilespmem:s29+$0x141E0] =	vst.add.f32.msk $0xffff, v62  }
0x2af: {  	s30 =	sadd.s32 $0x180, s18;
	[tilespmem:s29+$0x14300] =	vst.add.f32.msk $0xffff, v3  }
0x2b0: {  	s10 =	sor.u32 $0x400, s30;
	[tilespmem:s29+$0x14310] =	vst.add.f32.msk $0xffff, v4  }
0x2b1: {  	v3 =	vld [tilespmem:s10+$0x5180]  }
0x2b2: {  	[tilespmem:s29+$0x141F0] =	vst.add.f32.msk $0xffff, v11  }
0x2b3: {  	v4 =	vld [tilespmem:s29+$0x5180]  }
0x2b4: {  	[tilespmem:s29+$0x14200] =	vst.add.f32.msk $0xffff, v12  }
0x2b5: {  	[tilespmem:s29+$0x14210] =	vst.add.f32.msk $0xffff, v13  }
0x2b6: {  	[tilespmem:s10+$0x14180] =	vst.add.f32.msk $0xffff, v3;
	s10 =	sor.u32 $0x410, s30  }
0x2b7: {  	v3 =	vld [tilespmem:s10+$0x5180]  }
0x2b8: {  	[tilespmem:s29+$0x14220] =	vst.add.f32.msk $0xffff, v14  }
0x2b9: {  	[tilespmem:s29+$0x14230] =	vst.add.f32.msk $0xffff, v15  }
0x2ba: {  	[tilespmem:s29+$0x14240] =	vst.add.f32.msk $0xffff, v16  }
0x2bb: {  	[tilespmem:s29+$0x14250] =	vst.add.f32.msk $0xffff, v17  }
0x2bc: {  	[tilespmem:s10+$0x14180] =	vst.add.f32.msk $0xffff, v3;
	s10 =	sor.u32 $0x420, s30  }
0x2bd: {  	v3 =	vld [tilespmem:s10+$0x5180]  }
0x2be: {  	s12 =	sadd.s32 $0x80, s18;
	s1 =	sor.u32 $0x450, s18;
	[tilespmem:s29+$0x14260] =	vst.add.f32.msk $0xffff, v18  }
0x2bf: {  	[dreg:$0x6] =	wrdreg s1;
	s1 =	sor.u32 $0x460, s12;
	[tilespmem:s29+$0x14270] =	vst.add.f32.msk $0xffff, v19  }
0x2c0: {  	s9 =	sadd.s32 $0x100, s18;
	[dreg:$0x16] =	wrdreg s1;
	s1 =	sor.u32 $0x460, s18;
	[tilespmem:s29+$0x14280] =	vst.add.f32.msk $0xffff, v20  }
0x2c1: {  	[dreg:$0x1e] =	wrdreg s1;
	s1 =	sor.u32 $0x460, s9;
	[tilespmem:s29+$0x14290] =	vst.add.f32.msk $0xffff, v21  }
0x2c2: {  	[dreg:$0x1a] =	wrdreg s1;
	s1 =	sor.u32 $0x430, s30;
	[tilespmem:s10+$0x14180] =	vst.add.f32.msk $0xffff, v3  }
0x2c3: {  	v3 =	vld [tilespmem:s1+$0x5180]  }
0x2c4: {  	[tilespmem:s29+$0x142A0] =	vst.add.f32.msk $0xffff, v22  }
0x2c5: {  	[tilespmem:s29+$0x142B0] =	vst.add.f32.msk $0xffff, v23  }
0x2c6: {  	[tilespmem:s29+$0x142C0] =	vst.add.f32.msk $0xffff, v24  }
0x2c7: {  	[tilespmem:s29+$0x142D0] =	vst.add.f32.msk $0xffff, v25  }
0x2c8: {  	s10 =	sor.u32 $0x440, s30;
	[tilespmem:s1+$0x14180] =	vst.add.f32.msk $0xffff, v3  }
0x2c9: {  	v3 =	vld [tilespmem:s10+$0x5180]  }
0x2ca: {  	[tilespmem:s29+$0x142E0] =	vst.add.f32.msk $0xffff, v26  }
0x2cb: {  	[tilespmem:s29+$0x142F0] =	vst.add.f32.msk $0xffff, v27  }
0x2cc: {  	[tilespmem:s29+$0x14190] =	vst.add.f32.msk $0xffff, v5  }
0x2cd: {  	[tilespmem:s29+$0x141A0] =	vst.add.f32.msk $0xffff, v6  }
0x2ce: {  	s1 =	sor.u32 $0x450, s30;
	[tilespmem:s10+$0x14180] =	vst.add.f32.msk $0xffff, v3  }
0x2cf: {  	v3 =	vld [tilespmem:s1+$0x5180]  }
0x2d0: {  	s20 =	sor.u32 $0x400, s9;
	[tilespmem:s29+$0x141B0] =	vst.add.f32.msk $0xffff, v7  }
0x2d1: {  	v5 =	vld [tilespmem:s20+$0x5180]  }
0x2d2: {  	v7 =	vld [tilespmem:s22+$0x5180]  }
0x2d3: {  	[tilespmem:s29+$0x14180] =	vst.add.f32.msk $0xffff, v4  }
0x2d4: {  	s10 =	sor.u32 $0x460, s30;
	[tilespmem:s1+$0x14180] =	vst.add.f32.msk $0xffff, v3  }
0x2d5: {  	s3 =	sor.u32 $0x400, s12;
	v3 =	vld [tilespmem:s10+$0x5180]  }
0x2d6: {  	v4 =	vld [tilespmem:s3+$0x5180]  }
0x2d7: {  	v6 =	vld [tilespmem:s25+$0x5180]  }
0x2d8: {  	s31 =	sor.u32 $0x410, s9;
	[tilespmem:s20+$0x14180] =	vst.add.f32.msk $0xffff, v5  }
0x2d9: {  	v5 =	vld [tilespmem:s31+$0x5180]  }
0x2da: {  	s1 =	sor.u32 $0x470, s30;
	[tilespmem:s10+$0x14180] =	vst.add.f32.msk $0xffff, v3  }
0x2db: {  	v3 =	vld [tilespmem:s1+$0x5180]  }
0x2dc: {  	v63 =	vld [tilespmem:s4+$0x5180]  }
0x2dd: {  	s2 =	sor.u32 $0x410, s12;
	[tilespmem:s3+$0x14180] =	vst.add.f32.msk $0xffff, v4  }
0x2de: {  	v4 =	vld [tilespmem:s2+$0x5180]  }
0x2df: {  	[tilespmem:s31+$0x14180] =	vst.add.f32.msk $0xffff, v5  }
0x2e0: {  	s21 =	sor.u32 $0x400, s18;
	[tilespmem:s1+$0x14180] =	vst.add.f32.msk $0xffff, v3  }
0x2e1: {  	s17 =	sor.u32 $0x420, s9;
	v3 =	vld [tilespmem:s21+$0x5180]  }
0x2e2: {  	v5 =	vld [tilespmem:s17+$0x5180]  }
0x2e3: {  	[tilespmem:s4+$0x14180] =	vst.add.f32.msk $0xffff, v63  }
0x2e4: {  	s19 =	sor.u32 $0x420, s12;
	[tilespmem:s2+$0x14180] =	vst.add.f32.msk $0xffff, v4  }
0x2e5: {  	v4 =	vld [tilespmem:s19+$0x5180]  }
0x2e6: {  	s0 =	sor.u32 $0x410, s18;
	[tilespmem:s21+$0x14180] =	vst.add.f32.msk $0xffff, v3  }
0x2e7: {  	v3 =	vld [tilespmem:s0+$0x5180]  }
0x2e8: {  	[tilespmem:s22+$0x14180] =	vst.add.f32.msk $0xffff, v7  }
0x2e9: {  	s16 =	sor.u32 $0x430, s9;
	[tilespmem:s17+$0x14180] =	vst.add.f32.msk $0xffff, v5  }
0x2ea: {  	v5 =	vld [tilespmem:s16+$0x5180]  }
0x2eb: {  	[tilespmem:s25+$0x14180] =	vst.add.f32.msk $0xffff, v6  }
0x2ec: {  	s14 =	sor.u32 $0x420, s18;
	[tilespmem:s0+$0x14180] =	vst.add.f32.msk $0xffff, v3  }
0x2ed: {  	v3 =	vld [tilespmem:s14+$0x5180]  }
0x2ee: {  	s28 =	sor.u32 $0x430, s12;
	[tilespmem:s19+$0x14180] =	vst.add.f32.msk $0xffff, v4  }
0x2ef: {  	v4 =	vld [tilespmem:s28+$0x5180]  }
0x2f0: {  	v7 =	vld [tilespmem:s11+$0x5180]  }
0x2f1: {  	s13 =	sor.u32 $0x440, s9;
	[tilespmem:s16+$0x14180] =	vst.add.f32.msk $0xffff, v5  }
0x2f2: {  	s15 =	sor.u32 $0x430, s18;
	[dreg:$0xa] =	wrdreg s13;
	[tilespmem:s14+$0x14180] =	vst.add.f32.msk $0xffff, v3  }
0x2f3: {  	s8 =	sor.u32 $0x440, s12;
	s29 =	rddreg [dreg:$0xa];
	v3 =	vld [tilespmem:s15+$0x5180]  }
0x2f4: {  	[dreg:$0xe] =	wrdreg s8;
	v5 =	vld [tilespmem:s29+$0x5180]  }
0x2f5: {  	[tilespmem:s28+$0x14180] =	vst.add.f32.msk $0xffff, v4;
	s28 =	rddreg [dreg:$0xe]  }
0x2f6: {  	v4 =	vld [tilespmem:s28+$0x5180]  }
0x2f7: {  	v6 =	vld [tilespmem:s23+$0x5180]  }
0x2f8: {  	s13 =	sor.u32 $0x440, s18;
	[tilespmem:s15+$0x14180] =	vst.add.f32.msk $0xffff, v3  }
0x2f9: {  	v3 =	vld [tilespmem:s13+$0x5180]  }
0x2fa: {  	v8 =	vld [tilespmem:s24+$0x5180]  }
0x2fb: {  	[tilespmem:s29+$0x14180] =	vst.add.f32.msk $0xffff, v5  }
0x2fc: {  	[tilespmem:s28+$0x14180] =	vst.add.f32.msk $0xffff, v4  }
0x2fd: {  	s26 =	sadd.s32 $0x4, s26;
	[tilespmem:s23+$0x14180] =	vst.add.f32.msk $0xffff, v6  }
0x2fe: {  	s5 =	sadd.s32 $0x200, s5;
	s18 =	sor.u32 $0x470, s18;
	s31 =	rddreg [dreg:$0x6];
	[tilespmem:s13+$0x14180] =	vst.add.f32.msk $0xffff, v3  }
0x2ff: {  	p1 =	slt.u32 s26, $0x4C;
	s7 =	sor.u32 $0x450, s9;
	[dreg:$0x12] =	wrdreg s18;
	v5 =	vld [tilespmem:s31+$0x5180]  }
.Ltmp1:
0x300: {  	s6 =	sadd.s32 $0x400, s6;
	s20 =	rddreg [dreg:$0x16];
	v4 =	vld [tilespmem:s7+$0x5180];
	(pc) =	sbr.rel @p1 .LBB2_4-.Ltmp1, $4  }
0x301: {  	s8 =	sor.u32 $0x450, s12;
	s12 =	sor.u32 $0x470, s12;
	[tilespmem:s24+$0x14180] =	vst.add.f32.msk $0xffff, v8;
	s30 =	rddreg [dreg:$0x12]  }
0x302: {  	s18 =	sor.u32 $0x470, s9;
	s22 =	smov.u32 s20;
	s10 =	rddreg [dreg:$0x1e];
	v3 =	vld [tilespmem:s8+$0x5180]  }
0x303: {  	s24 =	smov.u32 s18;
	s21 =	rddreg [dreg:$0x1a];
	s25 =	smov.u32 s10;
	[tilespmem:s11+$0x14180] =	vst.add.f32.msk $0xffff, v7  }
0x304: {  	s4 =	smov.u32 s21;
	s23 =	smov.u32 s30;
	s11 =	smov.u32 s12;
	[tilespmem:s31+$0x14180] =	vst.add.f32.msk $0xffff, v5  }
0x305: {  	[tilespmem:s7+$0x14180] =	vst.add.f32.msk $0xffff, v4  }
0x306: {  	v5 =	vld [tilespmem:s4+$0x5180]  }
0x307: {  	[tilespmem:s8+$0x14180] =	vst.add.f32.msk $0xffff, v3  }
0x308: {  	v3 =	vld [tilespmem:s25+$0x5180];
	_ =	sdelay $0x1  }
0x309: {  	v4 =	vld [tilespmem:s22+$0x5180];
	_ =	sdelay $0x1  }
0x30a: {  	[tilespmem:s4+$0x14180] =	vst.add.f32.msk $0xffff, v5  }
0x30b: {  	[tilespmem:s25+$0x14180] =	vst.add.f32.msk $0xffff, v3  }
0x30c: {  	v5 =	vld [tilespmem:s24+$0x5180]  }
0x30d: {  	[tilespmem:s22+$0x14180] =	vst.add.f32.msk $0xffff, v4  }
0x30e: {  	v3 =	vld [tilespmem:s23+$0x5180]  }
0x30f: {  	v4 =	vld [tilespmem:s11+$0x5180];
	_ =	sdelay $0x2  }
0x310: {  	[tilespmem:s24+$0x14180] =	vst.add.f32.msk $0xffff, v5  }
0x311: {  	[tilespmem:s23+$0x14180] =	vst.add.f32.msk $0xffff, v3  }
0x312: {  	[tilespmem:s11+$0x14180] =	vst.add.f32.msk $0xffff, v4  }
0x313: {  	s1 =	sld [smem:$0x7FA];
	_ =	sdelay $0x1  }
0x314: {  	s0 =	simm.s32 $0x0;
	s2 =	simm.s32 $0x14180;
	s26 =	simm.s32 $0x3  }
0x315: {  	[hbm4b:s1+s0] =	stream.linear.scatter [tilespmem:s2], [sflag:$0x8], $0x5000, $0x38;
	[tilespmem:$0x1E180] =	vst v63  }
0x316: {  	_ =	swait.ge [sflag:s26], $0x5000  }
0x317: {  	[sflag:s26] =	ssyncset.done $0x0  }
0x318: {  	s28 =	simm.s32 $0x6;
	[sflag:s26] =	ssyncadd.s32 $0xFFFFB000  }
0x319: {  	_ =	swait.ge [sflag:s28], $0x5000  }
0x31a: {  	s29 =	sand.u32 $0x7800, s0;
	s0 =	sand.u32 $0x200, s0;
	[sflag:s28] =	ssyncset.done $0x0  }
0x31b: {  	s30 =	sor.u32 s0, s29;
	[sflag:s28] =	ssyncadd.s32 $0xFFFFB000  }
0x31c: {  	v3 =	vld [tilespmem:s30+$0xA300]  }
0x31d: {  	v4 =	vld [tilespmem:s30+$0xA310]  }
0x31e: {  	v5 =	vld [tilespmem:s30+$0xA320]  }
0x31f: {  	v6 =	vld [tilespmem:s30+$0xA330]  }
0x320: {  	v7 =	vld [tilespmem:s30+$0xA340]  }
0x321: {  	v8 =	vld [tilespmem:s30+$0xA350]  }
0x322: {  	v9 =	vld [tilespmem:s30+$0xA360]  }
0x323: {  	v10 =	vld [tilespmem:s30+$0xA370]  }
0x324: {  	v61 =	vld [tilespmem:s30+$0xA1C0]  }
0x325: {  	v62 =	vld [tilespmem:s30+$0xA1D0]  }
0x326: {  	v63 =	vld [tilespmem:s30+$0xA1E0]  }
0x327: {  	v11 =	vld [tilespmem:s30+$0xA1F0]  }
0x328: {  	v12 =	vld [tilespmem:s30+$0xA200]  }
0x329: {  	v13 =	vld [tilespmem:s30+$0xA210]  }
0x32a: {  	v14 =	vld [tilespmem:s30+$0xA220]  }
0x32b: {  	v15 =	vld [tilespmem:s30+$0xA230]  }
0x32c: {  	v16 =	vld [tilespmem:s30+$0xA240]  }
0x32d: {  	v17 =	vld [tilespmem:s30+$0xA250]  }
0x32e: {  	v18 =	vld [tilespmem:s30+$0xA260]  }
0x32f: {  	v19 =	vld [tilespmem:s30+$0xA270]  }
0x330: {  	v20 =	vld [tilespmem:s30+$0xA280]  }
0x331: {  	v21 =	vld [tilespmem:s30+$0xA290]  }
0x332: {  	v22 =	vld [tilespmem:s30+$0xA2A0]  }
0x333: {  	v23 =	vld [tilespmem:s30+$0xA2B0]  }
0x334: {  	v24 =	vld [tilespmem:s30+$0xA2C0]  }
0x335: {  	v25 =	vld [tilespmem:s30+$0xA2D0]  }
0x336: {  	v26 =	vld [tilespmem:s30+$0xA2E0]  }
0x337: {  	v27 =	vld [tilespmem:s30+$0xA2F0]  }
0x338: {  	[tilespmem:s30+$0x19300] =	vst.add.f32.msk $0xffff, v3  }
0x339: {  	[tilespmem:s30+$0x19310] =	vst.add.f32.msk $0xffff, v4  }
0x33a: {  	[tilespmem:s30+$0x19320] =	vst.add.f32.msk $0xffff, v5  }
0x33b: {  	[tilespmem:s30+$0x19330] =	vst.add.f32.msk $0xffff, v6  }
0x33c: {  	[tilespmem:s30+$0x19340] =	vst.add.f32.msk $0xffff, v7  }
0x33d: {  	[tilespmem:s30+$0x19350] =	vst.add.f32.msk $0xffff, v8  }
0x33e: {  	[tilespmem:s30+$0x19360] =	vst.add.f32.msk $0xffff, v9  }
0x33f: {  	[tilespmem:s30+$0x19370] =	vst.add.f32.msk $0xffff, v10  }
0x340: {  	v4 =	vld [tilespmem:s30+$0xA180]  }
0x341: {  	v5 =	vld [tilespmem:s30+$0xA190]  }
0x342: {  	p0 =	por $0x0, $0x0;
	s0 =	simm.s32 $0x1;
	v6 =	vld [tilespmem:s30+$0xA1A0]  }
0x343: {  	s0 =	simm.s32 @!p0 $0x0;
	v7 =	vld [tilespmem:s30+$0xA1B0]  }
0x344: {  	s0 =	sshll.u32 s0, $0x9;
	[tilespmem:s30+$0x191C0] =	vst.add.f32.msk $0xffff, v61  }
0x345: {  	s0 =	sadd.s32 $0x0, s0;
	[tilespmem:s30+$0x191D0] =	vst.add.f32.msk $0xffff, v62  }
0x346: {  	s31 =	sadd.s32 $0x180, s0;
	[tilespmem:s30+$0x191E0] =	vst.add.f32.msk $0xffff, v63  }
0x347: {  	s3 =	sor.u32 $0x400, s31;
	[tilespmem:s30+$0x191F0] =	vst.add.f32.msk $0xffff, v11  }
0x348: {  	v3 =	vld [tilespmem:s3+$0xA180]  }
0x349: {  	[tilespmem:s30+$0x19200] =	vst.add.f32.msk $0xffff, v12  }
0x34a: {  	[tilespmem:s30+$0x19210] =	vst.add.f32.msk $0xffff, v13  }
0x34b: {  	[tilespmem:s30+$0x19220] =	vst.add.f32.msk $0xffff, v14  }
0x34c: {  	[tilespmem:s30+$0x19230] =	vst.add.f32.msk $0xffff, v15  }
0x34d: {  	s9 =	sor.u32 $0x410, s31;
	[tilespmem:s3+$0x19180] =	vst.add.f32.msk $0xffff, v3  }
0x34e: {  	v3 =	vld [tilespmem:s9+$0xA180]  }
0x34f: {  	[tilespmem:s30+$0x19240] =	vst.add.f32.msk $0xffff, v16  }
0x350: {  	[tilespmem:s30+$0x19250] =	vst.add.f32.msk $0xffff, v17  }
0x351: {  	[tilespmem:s30+$0x19260] =	vst.add.f32.msk $0xffff, v18  }
0x352: {  	[tilespmem:s30+$0x19270] =	vst.add.f32.msk $0xffff, v19  }
0x353: {  	s10 =	sor.u32 $0x420, s31;
	[tilespmem:s9+$0x19180] =	vst.add.f32.msk $0xffff, v3  }
0x354: {  	v3 =	vld [tilespmem:s10+$0xA180]  }
0x355: {  	[tilespmem:s30+$0x19280] =	vst.add.f32.msk $0xffff, v20  }
0x356: {  	[tilespmem:s30+$0x19290] =	vst.add.f32.msk $0xffff, v21  }
0x357: {  	[tilespmem:s30+$0x192A0] =	vst.add.f32.msk $0xffff, v22  }
0x358: {  	[tilespmem:s30+$0x192B0] =	vst.add.f32.msk $0xffff, v23  }
0x359: {  	s11 =	sor.u32 $0x430, s31;
	[tilespmem:s10+$0x19180] =	vst.add.f32.msk $0xffff, v3  }
0x35a: {  	v3 =	vld [tilespmem:s11+$0xA180]  }
0x35b: {  	[tilespmem:s30+$0x192C0] =	vst.add.f32.msk $0xffff, v24  }
0x35c: {  	[tilespmem:s30+$0x192D0] =	vst.add.f32.msk $0xffff, v25  }
0x35d: {  	[tilespmem:s30+$0x192E0] =	vst.add.f32.msk $0xffff, v26  }
0x35e: {  	[tilespmem:s30+$0x192F0] =	vst.add.f32.msk $0xffff, v27  }
0x35f: {  	s12 =	sor.u32 $0x440, s31;
	[tilespmem:s11+$0x19180] =	vst.add.f32.msk $0xffff, v3  }
0x360: {  	v3 =	vld [tilespmem:s12+$0xA180]  }
0x361: {  	[tilespmem:s30+$0x19180] =	vst.add.f32.msk $0xffff, v4  }
0x362: {  	s14 =	sadd.s32 $0x80, s0;
	[tilespmem:s30+$0x19190] =	vst.add.f32.msk $0xffff, v5  }
0x363: {  	s5 =	sor.u32 $0x400, s14;
	[tilespmem:s30+$0x191A0] =	vst.add.f32.msk $0xffff, v6  }
0x364: {  	v4 =	vld [tilespmem:s5+$0xA180]  }
0x365: {  	s13 =	sor.u32 $0x450, s31;
	[tilespmem:s12+$0x19180] =	vst.add.f32.msk $0xffff, v3  }
0x366: {  	s6 =	sadd.s32 $0x100, s0;
	v3 =	vld [tilespmem:s13+$0xA180]  }
0x367: {  	s16 =	sor.u32 $0x400, s6;
	[tilespmem:s30+$0x191B0] =	vst.add.f32.msk $0xffff, v7  }
0x368: {  	v5 =	vld [tilespmem:s16+$0xA180]  }
0x369: {  	s18 =	sor.u32 $0x410, s14;
	[tilespmem:s5+$0x19180] =	vst.add.f32.msk $0xffff, v4  }
0x36a: {  	v4 =	vld [tilespmem:s18+$0xA180]  }
0x36b: {  	s15 =	sor.u32 $0x400, s0;
	[tilespmem:s13+$0x19180] =	vst.add.f32.msk $0xffff, v3  }
0x36c: {  	v3 =	vld [tilespmem:s15+$0xA180]  }
0x36d: {  	s20 =	sor.u32 $0x410, s6;
	[tilespmem:s16+$0x19180] =	vst.add.f32.msk $0xffff, v5  }
0x36e: {  	v5 =	vld [tilespmem:s20+$0xA180];
	_ =	sdelay $0x1  }
0x36f: {  	[tilespmem:s18+$0x19180] =	vst.add.f32.msk $0xffff, v4  }
0x370: {  	s17 =	sor.u32 $0x410, s0;
	[tilespmem:s15+$0x19180] =	vst.add.f32.msk $0xffff, v3  }
0x371: {  	v3 =	vld [tilespmem:s17+$0xA180]  }
0x372: {  	s22 =	sor.u32 $0x420, s14;
	[tilespmem:s20+$0x19180] =	vst.add.f32.msk $0xffff, v5  }
0x373: {  	s23 =	sor.u32 $0x420, s6;
	v4 =	vld [tilespmem:s22+$0xA180]  }
0x374: {  	v5 =	vld [tilespmem:s23+$0xA180];
	_ =	sdelay $0x1  }
0x375: {  	s21 =	sor.u32 $0x420, s0;
	[tilespmem:s17+$0x19180] =	vst.add.f32.msk $0xffff, v3  }
0x376: {  	v3 =	vld [tilespmem:s21+$0xA180]  }
0x377: {  	[tilespmem:s22+$0x19180] =	vst.add.f32.msk $0xffff, v4  }
0x378: {  	s25 =	sor.u32 $0x430, s14;
	[tilespmem:s23+$0x19180] =	vst.add.f32.msk $0xffff, v5  }
0x379: {  	s19 =	sor.u32 $0x460, s31;
	v4 =	vld [tilespmem:s25+$0xA180]  }
0x37a: {  	v6 =	vld [tilespmem:s19+$0xA180]  }
0x37b: {  	s24 =	sor.u32 $0x430, s0;
	[tilespmem:s21+$0x19180] =	vst.add.f32.msk $0xffff, v3  }
0x37c: {  	s26 =	sor.u32 $0x430, s6;
	v3 =	vld [tilespmem:s24+$0xA180]  }
0x37d: {  	v5 =	vld [tilespmem:s26+$0xA180]  }
0x37e: {  	[tilespmem:s25+$0x19180] =	vst.add.f32.msk $0xffff, v4  }
0x37f: {  	s1 =	sor.u32 $0x470, s31;
	[tilespmem:s19+$0x19180] =	vst.add.f32.msk $0xffff, v6  }
0x380: {  	v6 =	vld [tilespmem:s1+$0xA180]  }
0x381: {  	s28 =	sor.u32 $0x440, s0;
	[tilespmem:s24+$0x19180] =	vst.add.f32.msk $0xffff, v3  }
0x382: {  	v3 =	vld [tilespmem:s28+$0xA180]  }
0x383: {  	s29 =	sor.u32 $0x440, s14;
	[tilespmem:s26+$0x19180] =	vst.add.f32.msk $0xffff, v5  }
0x384: {  	s30 =	sor.u32 $0x440, s6;
	v4 =	vld [tilespmem:s29+$0xA180]  }
0x385: {  	v5 =	vld [tilespmem:s30+$0xA180]  }
0x386: {  	[tilespmem:s1+$0x19180] =	vst.add.f32.msk $0xffff, v6  }
0x387: {  	s31 =	sor.u32 $0x450, s0;
	[tilespmem:s28+$0x19180] =	vst.add.f32.msk $0xffff, v3  }
0x388: {  	v6 =	vld [tilespmem:s31+$0xA180]  }
0x389: {  	[tilespmem:s29+$0x19180] =	vst.add.f32.msk $0xffff, v4  }
0x38a: {  	s8 =	sor.u32 $0x450, s14;
	s7 =	sor.u32 $0x450, s6;
	[tilespmem:s30+$0x19180] =	vst.add.f32.msk $0xffff, v5  }
0x38b: {  	s4 =	sor.u32 $0x460, s6;
	s5 =	simm.s32 $0x200;
	s22 =	sor.u32 $0x460, s14;
	v4 =	vld [tilespmem:s7+$0xA180]  }
0x38c: {  	s23 =	sor.u32 $0x470, s0;
	s11 =	sor.u32 $0x470, s14;
	s26 =	simm.s32 $0x0;
	v3 =	vld [tilespmem:s8+$0xA180]  }
0x38d: {  	s25 =	sor.u32 $0x460, s0;
	s24 =	sor.u32 $0x470, s6;
	s6 =	simm.s32 $0x400;
	[tilespmem:s31+$0x19180] =	vst.add.f32.msk $0xffff, v6  }
.LBB2_6:
0x38e: {  	s0 =	sand.u32 $0x7800, s6;
	s1 =	sand.u32 $0x200, s5  }
0x38f: {  	s29 =	sor.u32 s1, s0  }
0x390: {  	v5 =	vld [tilespmem:s29+$0xA320]  }
0x391: {  	v6 =	vld [tilespmem:s29+$0xA330]  }
0x392: {  	v7 =	vld [tilespmem:s29+$0xA340]  }
0x393: {  	v8 =	vld [tilespmem:s29+$0xA350]  }
0x394: {  	v9 =	vld [tilespmem:s29+$0xA360]  }
0x395: {  	v10 =	vld [tilespmem:s29+$0xA370]  }
0x396: {  	v60 =	vld [tilespmem:s29+$0xA1C0]  }
0x397: {  	v61 =	vld [tilespmem:s29+$0xA1D0]  }
0x398: {  	v62 =	vld [tilespmem:s29+$0xA1E0]  }
0x399: {  	v11 =	vld [tilespmem:s29+$0xA1F0]  }
0x39a: {  	[tilespmem:s8+$0x19180] =	vst.add.f32.msk $0xffff, v3  }
0x39b: {  	[tilespmem:s7+$0x19180] =	vst.add.f32.msk $0xffff, v4  }
0x39c: {  	v3 =	vld [tilespmem:s29+$0xA300]  }
0x39d: {  	v4 =	vld [tilespmem:s29+$0xA310]  }
0x39e: {  	v12 =	vld [tilespmem:s29+$0xA200]  }
0x39f: {  	v13 =	vld [tilespmem:s29+$0xA210]  }
0x3a0: {  	v14 =	vld [tilespmem:s29+$0xA220]  }
0x3a1: {  	v15 =	vld [tilespmem:s29+$0xA230]  }
0x3a2: {  	v16 =	vld [tilespmem:s29+$0xA240]  }
0x3a3: {  	v17 =	vld [tilespmem:s29+$0xA250]  }
0x3a4: {  	v18 =	vld [tilespmem:s29+$0xA260]  }
0x3a5: {  	v19 =	vld [tilespmem:s29+$0xA270]  }
0x3a6: {  	v20 =	vld [tilespmem:s29+$0xA280]  }
0x3a7: {  	v21 =	vld [tilespmem:s29+$0xA290]  }
0x3a8: {  	v22 =	vld [tilespmem:s29+$0xA2A0]  }
0x3a9: {  	v23 =	vld [tilespmem:s29+$0xA2B0]  }
0x3aa: {  	v24 =	vld [tilespmem:s29+$0xA2C0]  }
0x3ab: {  	v25 =	vld [tilespmem:s29+$0xA2D0]  }
0x3ac: {  	v26 =	vld [tilespmem:s29+$0xA2E0]  }
0x3ad: {  	v27 =	vld [tilespmem:s29+$0xA2F0]  }
0x3ae: {  	[tilespmem:s29+$0x19320] =	vst.add.f32.msk $0xffff, v5  }
0x3af: {  	[tilespmem:s29+$0x19330] =	vst.add.f32.msk $0xffff, v6  }
0x3b0: {  	[tilespmem:s29+$0x19340] =	vst.add.f32.msk $0xffff, v7  }
0x3b1: {  	[tilespmem:s29+$0x19350] =	vst.add.f32.msk $0xffff, v8  }
0x3b2: {  	[tilespmem:s29+$0x19360] =	vst.add.f32.msk $0xffff, v9  }
0x3b3: {  	[tilespmem:s29+$0x19370] =	vst.add.f32.msk $0xffff, v10  }
0x3b4: {  	v5 =	vld [tilespmem:s29+$0xA190]  }
0x3b5: {  	v6 =	vld [tilespmem:s29+$0xA1A0]  }
0x3b6: {  	p0 =	por !p0, !p0;
	s0 =	simm.s32 $0x1;
	v7 =	vld [tilespmem:s29+$0xA1B0]  }
0x3b7: {  	s0 =	simm.s32 @!p0 $0x0;
	[tilespmem:s29+$0x191C0] =	vst.add.f32.msk $0xffff, v60  }
0x3b8: {  	s0 =	sshll.u32 s0, $0x9;
	[tilespmem:s29+$0x191D0] =	vst.add.f32.msk $0xffff, v61  }
0x3b9: {  	s18 =	sadd.s32 s0, s6;
	[tilespmem:s29+$0x191E0] =	vst.add.f32.msk $0xffff, v62  }
0x3ba: {  	s30 =	sadd.s32 $0x180, s18;
	[tilespmem:s29+$0x19300] =	vst.add.f32.msk $0xffff, v3  }
0x3bb: {  	s10 =	sor.u32 $0x400, s30;
	[tilespmem:s29+$0x19310] =	vst.add.f32.msk $0xffff, v4  }
0x3bc: {  	v3 =	vld [tilespmem:s10+$0xA180]  }
0x3bd: {  	[tilespmem:s29+$0x191F0] =	vst.add.f32.msk $0xffff, v11  }
0x3be: {  	v4 =	vld [tilespmem:s29+$0xA180]  }
0x3bf: {  	[tilespmem:s29+$0x19200] =	vst.add.f32.msk $0xffff, v12  }
0x3c0: {  	[tilespmem:s29+$0x19210] =	vst.add.f32.msk $0xffff, v13  }
0x3c1: {  	[tilespmem:s10+$0x19180] =	vst.add.f32.msk $0xffff, v3;
	s10 =	sor.u32 $0x410, s30  }
0x3c2: {  	v3 =	vld [tilespmem:s10+$0xA180]  }
0x3c3: {  	[tilespmem:s29+$0x19220] =	vst.add.f32.msk $0xffff, v14  }
0x3c4: {  	[tilespmem:s29+$0x19230] =	vst.add.f32.msk $0xffff, v15  }
0x3c5: {  	[tilespmem:s29+$0x19240] =	vst.add.f32.msk $0xffff, v16  }
0x3c6: {  	[tilespmem:s29+$0x19250] =	vst.add.f32.msk $0xffff, v17  }
0x3c7: {  	[tilespmem:s10+$0x19180] =	vst.add.f32.msk $0xffff, v3;
	s10 =	sor.u32 $0x420, s30  }
0x3c8: {  	v3 =	vld [tilespmem:s10+$0xA180]  }
0x3c9: {  	s12 =	sadd.s32 $0x80, s18;
	s1 =	sor.u32 $0x450, s18;
	[tilespmem:s29+$0x19260] =	vst.add.f32.msk $0xffff, v18  }
0x3ca: {  	[dreg:$0x7] =	wrdreg s1;
	s1 =	sor.u32 $0x460, s12;
	[tilespmem:s29+$0x19270] =	vst.add.f32.msk $0xffff, v19  }
0x3cb: {  	s9 =	sadd.s32 $0x100, s18;
	[dreg:$0x17] =	wrdreg s1;
	s1 =	sor.u32 $0x460, s18;
	[tilespmem:s29+$0x19280] =	vst.add.f32.msk $0xffff, v20  }
0x3cc: {  	[dreg:$0x1f] =	wrdreg s1;
	s1 =	sor.u32 $0x460, s9;
	[tilespmem:s29+$0x19290] =	vst.add.f32.msk $0xffff, v21  }
0x3cd: {  	[dreg:$0x1b] =	wrdreg s1;
	s1 =	sor.u32 $0x430, s30;
	[tilespmem:s10+$0x19180] =	vst.add.f32.msk $0xffff, v3  }
0x3ce: {  	v3 =	vld [tilespmem:s1+$0xA180]  }
0x3cf: {  	[tilespmem:s29+$0x192A0] =	vst.add.f32.msk $0xffff, v22  }
0x3d0: {  	[tilespmem:s29+$0x192B0] =	vst.add.f32.msk $0xffff, v23  }
0x3d1: {  	[tilespmem:s29+$0x192C0] =	vst.add.f32.msk $0xffff, v24  }
0x3d2: {  	[tilespmem:s29+$0x192D0] =	vst.add.f32.msk $0xffff, v25  }
0x3d3: {  	s10 =	sor.u32 $0x440, s30;
	[tilespmem:s1+$0x19180] =	vst.add.f32.msk $0xffff, v3  }
0x3d4: {  	v3 =	vld [tilespmem:s10+$0xA180]  }
0x3d5: {  	[tilespmem:s29+$0x192E0] =	vst.add.f32.msk $0xffff, v26  }
0x3d6: {  	[tilespmem:s29+$0x192F0] =	vst.add.f32.msk $0xffff, v27  }
0x3d7: {  	[tilespmem:s29+$0x19190] =	vst.add.f32.msk $0xffff, v5  }
0x3d8: {  	[tilespmem:s29+$0x191A0] =	vst.add.f32.msk $0xffff, v6  }
0x3d9: {  	s1 =	sor.u32 $0x450, s30;
	[tilespmem:s10+$0x19180] =	vst.add.f32.msk $0xffff, v3  }
0x3da: {  	v3 =	vld [tilespmem:s1+$0xA180]  }
0x3db: {  	s20 =	sor.u32 $0x400, s9;
	[tilespmem:s29+$0x191B0] =	vst.add.f32.msk $0xffff, v7  }
0x3dc: {  	v5 =	vld [tilespmem:s20+$0xA180]  }
0x3dd: {  	v7 =	vld [tilespmem:s22+$0xA180]  }
0x3de: {  	[tilespmem:s29+$0x19180] =	vst.add.f32.msk $0xffff, v4  }
0x3df: {  	s10 =	sor.u32 $0x460, s30;
	[tilespmem:s1+$0x19180] =	vst.add.f32.msk $0xffff, v3  }
0x3e0: {  	s3 =	sor.u32 $0x400, s12;
	v3 =	vld [tilespmem:s10+$0xA180]  }
0x3e1: {  	v4 =	vld [tilespmem:s3+$0xA180]  }
0x3e2: {  	v6 =	vld [tilespmem:s25+$0xA180]  }
0x3e3: {  	s31 =	sor.u32 $0x410, s9;
	[tilespmem:s20+$0x19180] =	vst.add.f32.msk $0xffff, v5  }
0x3e4: {  	v5 =	vld [tilespmem:s31+$0xA180]  }
0x3e5: {  	s1 =	sor.u32 $0x470, s30;
	[tilespmem:s10+$0x19180] =	vst.add.f32.msk $0xffff, v3  }
0x3e6: {  	v3 =	vld [tilespmem:s1+$0xA180]  }
0x3e7: {  	v63 =	vld [tilespmem:s4+$0xA180]  }
0x3e8: {  	s2 =	sor.u32 $0x410, s12;
	[tilespmem:s3+$0x19180] =	vst.add.f32.msk $0xffff, v4  }
0x3e9: {  	v4 =	vld [tilespmem:s2+$0xA180]  }
0x3ea: {  	[tilespmem:s31+$0x19180] =	vst.add.f32.msk $0xffff, v5  }
0x3eb: {  	s21 =	sor.u32 $0x400, s18;
	[tilespmem:s1+$0x19180] =	vst.add.f32.msk $0xffff, v3  }
0x3ec: {  	s17 =	sor.u32 $0x420, s9;
	v3 =	vld [tilespmem:s21+$0xA180]  }
0x3ed: {  	v5 =	vld [tilespmem:s17+$0xA180]  }
0x3ee: {  	[tilespmem:s4+$0x19180] =	vst.add.f32.msk $0xffff, v63  }
0x3ef: {  	s19 =	sor.u32 $0x420, s12;
	[tilespmem:s2+$0x19180] =	vst.add.f32.msk $0xffff, v4  }
0x3f0: {  	v4 =	vld [tilespmem:s19+$0xA180]  }
0x3f1: {  	s0 =	sor.u32 $0x410, s18;
	[tilespmem:s21+$0x19180] =	vst.add.f32.msk $0xffff, v3  }
0x3f2: {  	v3 =	vld [tilespmem:s0+$0xA180]  }
0x3f3: {  	[tilespmem:s22+$0x19180] =	vst.add.f32.msk $0xffff, v7  }
0x3f4: {  	s16 =	sor.u32 $0x430, s9;
	[tilespmem:s17+$0x19180] =	vst.add.f32.msk $0xffff, v5  }
0x3f5: {  	v5 =	vld [tilespmem:s16+$0xA180]  }
0x3f6: {  	[tilespmem:s25+$0x19180] =	vst.add.f32.msk $0xffff, v6  }
0x3f7: {  	s14 =	sor.u32 $0x420, s18;
	[tilespmem:s0+$0x19180] =	vst.add.f32.msk $0xffff, v3  }
0x3f8: {  	v3 =	vld [tilespmem:s14+$0xA180]  }
0x3f9: {  	s28 =	sor.u32 $0x430, s12;
	[tilespmem:s19+$0x19180] =	vst.add.f32.msk $0xffff, v4  }
0x3fa: {  	v4 =	vld [tilespmem:s28+$0xA180]  }
0x3fb: {  	v7 =	vld [tilespmem:s11+$0xA180]  }
0x3fc: {  	s13 =	sor.u32 $0x440, s9;
	[tilespmem:s16+$0x19180] =	vst.add.f32.msk $0xffff, v5  }
0x3fd: {  	s15 =	sor.u32 $0x430, s18;
	[dreg:$0xb] =	wrdreg s13;
	[tilespmem:s14+$0x19180] =	vst.add.f32.msk $0xffff, v3  }
0x3fe: {  	s8 =	sor.u32 $0x440, s12;
	s29 =	rddreg [dreg:$0xb];
	v3 =	vld [tilespmem:s15+$0xA180]  }
0x3ff: {  	[dreg:$0xf] =	wrdreg s8;
	v5 =	vld [tilespmem:s29+$0xA180]  }
0x400: {  	[tilespmem:s28+$0x19180] =	vst.add.f32.msk $0xffff, v4;
	s28 =	rddreg [dreg:$0xf]  }
0x401: {  	v4 =	vld [tilespmem:s28+$0xA180]  }
0x402: {  	v6 =	vld [tilespmem:s23+$0xA180]  }
0x403: {  	s13 =	sor.u32 $0x440, s18;
	[tilespmem:s15+$0x19180] =	vst.add.f32.msk $0xffff, v3  }
0x404: {  	v3 =	vld [tilespmem:s13+$0xA180]  }
0x405: {  	v8 =	vld [tilespmem:s24+$0xA180]  }
0x406: {  	[tilespmem:s29+$0x19180] =	vst.add.f32.msk $0xffff, v5  }
0x407: {  	[tilespmem:s28+$0x19180] =	vst.add.f32.msk $0xffff, v4  }
0x408: {  	s26 =	sadd.s32 $0x4, s26;
	[tilespmem:s23+$0x19180] =	vst.add.f32.msk $0xffff, v6  }
0x409: {  	s5 =	sadd.s32 $0x200, s5;
	s18 =	sor.u32 $0x470, s18;
	s31 =	rddreg [dreg:$0x7];
	[tilespmem:s13+$0x19180] =	vst.add.f32.msk $0xffff, v3  }
0x40a: {  	p1 =	slt.u32 s26, $0x4C;
	s7 =	sor.u32 $0x450, s9;
	[dreg:$0x13] =	wrdreg s18;
	v5 =	vld [tilespmem:s31+$0xA180]  }
.Ltmp2:
0x40b: {  	s6 =	sadd.s32 $0x400, s6;
	s20 =	rddreg [dreg:$0x17];
	v4 =	vld [tilespmem:s7+$0xA180];
	(pc) =	sbr.rel @p1 .LBB2_6-.Ltmp2, $4  }
0x40c: {  	s8 =	sor.u32 $0x450, s12;
	s12 =	sor.u32 $0x470, s12;
	[tilespmem:s24+$0x19180] =	vst.add.f32.msk $0xffff, v8;
	s30 =	rddreg [dreg:$0x13]  }
0x40d: {  	s18 =	sor.u32 $0x470, s9;
	s22 =	smov.u32 s20;
	s10 =	rddreg [dreg:$0x1f];
	v3 =	vld [tilespmem:s8+$0xA180]  }
0x40e: {  	s24 =	smov.u32 s18;
	s21 =	rddreg [dreg:$0x1b];
	s25 =	smov.u32 s10;
	[tilespmem:s11+$0x19180] =	vst.add.f32.msk $0xffff, v7  }
0x40f: {  	s4 =	smov.u32 s21;
	s23 =	smov.u32 s30;
	s11 =	smov.u32 s12;
	[tilespmem:s31+$0x19180] =	vst.add.f32.msk $0xffff, v5  }
0x410: {  	[tilespmem:s7+$0x19180] =	vst.add.f32.msk $0xffff, v4  }
0x411: {  	v5 =	vld [tilespmem:s4+$0xA180]  }
0x412: {  	[tilespmem:s8+$0x19180] =	vst.add.f32.msk $0xffff, v3  }
0x413: {  	v3 =	vld [tilespmem:s25+$0xA180];
	_ =	sdelay $0x1  }
0x414: {  	v4 =	vld [tilespmem:s22+$0xA180];
	_ =	sdelay $0x1  }
0x415: {  	[tilespmem:s4+$0x19180] =	vst.add.f32.msk $0xffff, v5  }
0x416: {  	[tilespmem:s25+$0x19180] =	vst.add.f32.msk $0xffff, v3  }
0x417: {  	v5 =	vld [tilespmem:s24+$0xA180]  }
0x418: {  	[tilespmem:s22+$0x19180] =	vst.add.f32.msk $0xffff, v4  }
0x419: {  	v3 =	vld [tilespmem:s23+$0xA180]  }
0x41a: {  	v4 =	vld [tilespmem:s11+$0xA180];
	_ =	sdelay $0x2  }
0x41b: {  	[tilespmem:s24+$0x19180] =	vst.add.f32.msk $0xffff, v5  }
0x41c: {  	[tilespmem:s23+$0x19180] =	vst.add.f32.msk $0xffff, v3  }
0x41d: {  	[tilespmem:s11+$0x19180] =	vst.add.f32.msk $0xffff, v4  }
0x41e: {  	s1 =	sld [smem:$0x7FB];
	_ =	sdelay $0x1  }
0x41f: {  	s0 =	simm.s32 $0x0;
	s2 =	simm.s32 $0x19180;
	s26 =	simm.s32 $0x1  }
0x420: {  	[hbm4b:s1+s0] =	stream.linear.scatter [tilespmem:s2], [sflag:$0x9], $0x5000, $0x38;
	[tilespmem:$0x1E180] =	vst v63  }
0x421: {  	_ =	swait.ge [sflag:s26], $0x5000  }
0x422: {  	[sflag:s26] =	ssyncset.done $0x0  }
0x423: {  	s28 =	simm.s32 $0x4;
	[sflag:s26] =	ssyncadd.s32 $0xFFFFB000  }
0x424: {  	_ =	swait.ge [sflag:s28], $0x5000  }
0x425: {  	s29 =	sand.u32 $0x7800, s0;
	s0 =	sand.u32 $0x200, s0;
	[sflag:s28] =	ssyncset.done $0x0  }
0x426: {  	s30 =	sor.u32 s0, s29;
	[sflag:s28] =	ssyncadd.s32 $0xFFFFB000  }
0x427: {  	v3 =	vld [tilespmem:s30+$0x300]  }
0x428: {  	v4 =	vld [tilespmem:s30+$0x310]  }
0x429: {  	v5 =	vld [tilespmem:s30+$0x320]  }
0x42a: {  	v6 =	vld [tilespmem:s30+$0x330]  }
0x42b: {  	v7 =	vld [tilespmem:s30+$0x340]  }
0x42c: {  	v8 =	vld [tilespmem:s30+$0x350]  }
0x42d: {  	v9 =	vld [tilespmem:s30+$0x360]  }
0x42e: {  	v10 =	vld [tilespmem:s30+$0x370]  }
0x42f: {  	v61 =	vld [tilespmem:s30+$0x1C0]  }
0x430: {  	v62 =	vld [tilespmem:s30+$0x1D0]  }
0x431: {  	v63 =	vld [tilespmem:s30+$0x1E0]  }
0x432: {  	v11 =	vld [tilespmem:s30+$0x1F0]  }
0x433: {  	v12 =	vld [tilespmem:s30+$0x200]  }
0x434: {  	v13 =	vld [tilespmem:s30+$0x210]  }
0x435: {  	v14 =	vld [tilespmem:s30+$0x220]  }
0x436: {  	v15 =	vld [tilespmem:s30+$0x230]  }
0x437: {  	v16 =	vld [tilespmem:s30+$0x240]  }
0x438: {  	v17 =	vld [tilespmem:s30+$0x250]  }
0x439: {  	v18 =	vld [tilespmem:s30+$0x260]  }
0x43a: {  	v19 =	vld [tilespmem:s30+$0x270]  }
0x43b: {  	v20 =	vld [tilespmem:s30+$0x280]  }
0x43c: {  	v21 =	vld [tilespmem:s30+$0x290]  }
0x43d: {  	v22 =	vld [tilespmem:s30+$0x2A0]  }
0x43e: {  	v23 =	vld [tilespmem:s30+$0x2B0]  }
0x43f: {  	v24 =	vld [tilespmem:s30+$0x2C0]  }
0x440: {  	v25 =	vld [tilespmem:s30+$0x2D0]  }
0x441: {  	v26 =	vld [tilespmem:s30+$0x2E0]  }
0x442: {  	v27 =	vld [tilespmem:s30+$0x2F0]  }
0x443: {  	[tilespmem:s30+$0xF300] =	vst.add.f32.msk $0xffff, v3  }
0x444: {  	[tilespmem:s30+$0xF310] =	vst.add.f32.msk $0xffff, v4  }
0x445: {  	[tilespmem:s30+$0xF320] =	vst.add.f32.msk $0xffff, v5  }
0x446: {  	[tilespmem:s30+$0xF330] =	vst.add.f32.msk $0xffff, v6  }
0x447: {  	[tilespmem:s30+$0xF340] =	vst.add.f32.msk $0xffff, v7  }
0x448: {  	[tilespmem:s30+$0xF350] =	vst.add.f32.msk $0xffff, v8  }
0x449: {  	[tilespmem:s30+$0xF360] =	vst.add.f32.msk $0xffff, v9  }
0x44a: {  	[tilespmem:s30+$0xF370] =	vst.add.f32.msk $0xffff, v10  }
0x44b: {  	v4 =	vld [tilespmem:s30+$0x180]  }
0x44c: {  	v5 =	vld [tilespmem:s30+$0x190]  }
0x44d: {  	p0 =	por $0x0, $0x0;
	s0 =	simm.s32 $0x1;
	v6 =	vld [tilespmem:s30+$0x1A0]  }
0x44e: {  	s0 =	simm.s32 @!p0 $0x0;
	v7 =	vld [tilespmem:s30+$0x1B0]  }
0x44f: {  	s0 =	sshll.u32 s0, $0x9;
	[tilespmem:s30+$0xF1C0] =	vst.add.f32.msk $0xffff, v61  }
0x450: {  	s0 =	sadd.s32 $0x0, s0;
	[tilespmem:s30+$0xF1D0] =	vst.add.f32.msk $0xffff, v62  }
0x451: {  	s31 =	sadd.s32 $0x180, s0;
	[tilespmem:s30+$0xF1E0] =	vst.add.f32.msk $0xffff, v63  }
0x452: {  	s3 =	sor.u32 $0x400, s31;
	[tilespmem:s30+$0xF1F0] =	vst.add.f32.msk $0xffff, v11  }
0x453: {  	v3 =	vld [tilespmem:s3+$0x180]  }
0x454: {  	[tilespmem:s30+$0xF200] =	vst.add.f32.msk $0xffff, v12  }
0x455: {  	[tilespmem:s30+$0xF210] =	vst.add.f32.msk $0xffff, v13  }
0x456: {  	[tilespmem:s30+$0xF220] =	vst.add.f32.msk $0xffff, v14  }
0x457: {  	[tilespmem:s30+$0xF230] =	vst.add.f32.msk $0xffff, v15  }
0x458: {  	s9 =	sor.u32 $0x410, s31;
	[tilespmem:s3+$0xF180] =	vst.add.f32.msk $0xffff, v3  }
0x459: {  	v3 =	vld [tilespmem:s9+$0x180]  }
0x45a: {  	[tilespmem:s30+$0xF240] =	vst.add.f32.msk $0xffff, v16  }
0x45b: {  	[tilespmem:s30+$0xF250] =	vst.add.f32.msk $0xffff, v17  }
0x45c: {  	[tilespmem:s30+$0xF260] =	vst.add.f32.msk $0xffff, v18  }
0x45d: {  	[tilespmem:s30+$0xF270] =	vst.add.f32.msk $0xffff, v19  }
0x45e: {  	s10 =	sor.u32 $0x420, s31;
	[tilespmem:s9+$0xF180] =	vst.add.f32.msk $0xffff, v3  }
0x45f: {  	v3 =	vld [tilespmem:s10+$0x180]  }
0x460: {  	[tilespmem:s30+$0xF280] =	vst.add.f32.msk $0xffff, v20  }
0x461: {  	[tilespmem:s30+$0xF290] =	vst.add.f32.msk $0xffff, v21  }
0x462: {  	[tilespmem:s30+$0xF2A0] =	vst.add.f32.msk $0xffff, v22  }
0x463: {  	[tilespmem:s30+$0xF2B0] =	vst.add.f32.msk $0xffff, v23  }
0x464: {  	s11 =	sor.u32 $0x430, s31;
	[tilespmem:s10+$0xF180] =	vst.add.f32.msk $0xffff, v3  }
0x465: {  	v3 =	vld [tilespmem:s11+$0x180]  }
0x466: {  	[tilespmem:s30+$0xF2C0] =	vst.add.f32.msk $0xffff, v24  }
0x467: {  	[tilespmem:s30+$0xF2D0] =	vst.add.f32.msk $0xffff, v25  }
0x468: {  	[tilespmem:s30+$0xF2E0] =	vst.add.f32.msk $0xffff, v26  }
0x469: {  	[tilespmem:s30+$0xF2F0] =	vst.add.f32.msk $0xffff, v27  }
0x46a: {  	s12 =	sor.u32 $0x440, s31;
	[tilespmem:s11+$0xF180] =	vst.add.f32.msk $0xffff, v3  }
0x46b: {  	v3 =	vld [tilespmem:s12+$0x180]  }
0x46c: {  	[tilespmem:s30+$0xF180] =	vst.add.f32.msk $0xffff, v4  }
0x46d: {  	s14 =	sadd.s32 $0x80, s0;
	[tilespmem:s30+$0xF190] =	vst.add.f32.msk $0xffff, v5  }
0x46e: {  	s5 =	sor.u32 $0x400, s14;
	[tilespmem:s30+$0xF1A0] =	vst.add.f32.msk $0xffff, v6  }
0x46f: {  	v4 =	vld [tilespmem:s5+$0x180]  }
0x470: {  	s13 =	sor.u32 $0x450, s31;
	[tilespmem:s12+$0xF180] =	vst.add.f32.msk $0xffff, v3  }
0x471: {  	s6 =	sadd.s32 $0x100, s0;
	v3 =	vld [tilespmem:s13+$0x180]  }
0x472: {  	s16 =	sor.u32 $0x400, s6;
	[tilespmem:s30+$0xF1B0] =	vst.add.f32.msk $0xffff, v7  }
0x473: {  	v5 =	vld [tilespmem:s16+$0x180]  }
0x474: {  	s18 =	sor.u32 $0x410, s14;
	[tilespmem:s5+$0xF180] =	vst.add.f32.msk $0xffff, v4  }
0x475: {  	v4 =	vld [tilespmem:s18+$0x180]  }
0x476: {  	s15 =	sor.u32 $0x400, s0;
	[tilespmem:s13+$0xF180] =	vst.add.f32.msk $0xffff, v3  }
0x477: {  	v3 =	vld [tilespmem:s15+$0x180]  }
0x478: {  	s20 =	sor.u32 $0x410, s6;
	[tilespmem:s16+$0xF180] =	vst.add.f32.msk $0xffff, v5  }
0x479: {  	v5 =	vld [tilespmem:s20+$0x180];
	_ =	sdelay $0x1  }
0x47a: {  	[tilespmem:s18+$0xF180] =	vst.add.f32.msk $0xffff, v4  }
0x47b: {  	s17 =	sor.u32 $0x410, s0;
	[tilespmem:s15+$0xF180] =	vst.add.f32.msk $0xffff, v3  }
0x47c: {  	v3 =	vld [tilespmem:s17+$0x180]  }
0x47d: {  	s22 =	sor.u32 $0x420, s14;
	[tilespmem:s20+$0xF180] =	vst.add.f32.msk $0xffff, v5  }
0x47e: {  	s23 =	sor.u32 $0x420, s6;
	v4 =	vld [tilespmem:s22+$0x180]  }
0x47f: {  	v5 =	vld [tilespmem:s23+$0x180];
	_ =	sdelay $0x1  }
0x480: {  	s21 =	sor.u32 $0x420, s0;
	[tilespmem:s17+$0xF180] =	vst.add.f32.msk $0xffff, v3  }
0x481: {  	v3 =	vld [tilespmem:s21+$0x180]  }
0x482: {  	[tilespmem:s22+$0xF180] =	vst.add.f32.msk $0xffff, v4  }
0x483: {  	s25 =	sor.u32 $0x430, s14;
	[tilespmem:s23+$0xF180] =	vst.add.f32.msk $0xffff, v5  }
0x484: {  	s19 =	sor.u32 $0x460, s31;
	v4 =	vld [tilespmem:s25+$0x180]  }
0x485: {  	v6 =	vld [tilespmem:s19+$0x180]  }
0x486: {  	s24 =	sor.u32 $0x430, s0;
	[tilespmem:s21+$0xF180] =	vst.add.f32.msk $0xffff, v3  }
0x487: {  	s26 =	sor.u32 $0x430, s6;
	v3 =	vld [tilespmem:s24+$0x180]  }
0x488: {  	v5 =	vld [tilespmem:s26+$0x180]  }
0x489: {  	[tilespmem:s25+$0xF180] =	vst.add.f32.msk $0xffff, v4  }
0x48a: {  	s1 =	sor.u32 $0x470, s31;
	[tilespmem:s19+$0xF180] =	vst.add.f32.msk $0xffff, v6  }
0x48b: {  	v6 =	vld [tilespmem:s1+$0x180]  }
0x48c: {  	s28 =	sor.u32 $0x440, s0;
	[tilespmem:s24+$0xF180] =	vst.add.f32.msk $0xffff, v3  }
0x48d: {  	v3 =	vld [tilespmem:s28+$0x180]  }
0x48e: {  	s29 =	sor.u32 $0x440, s14;
	[tilespmem:s26+$0xF180] =	vst.add.f32.msk $0xffff, v5  }
0x48f: {  	s30 =	sor.u32 $0x440, s6;
	v4 =	vld [tilespmem:s29+$0x180]  }
0x490: {  	v5 =	vld [tilespmem:s30+$0x180]  }
0x491: {  	[tilespmem:s1+$0xF180] =	vst.add.f32.msk $0xffff, v6  }
0x492: {  	s31 =	sor.u32 $0x450, s0;
	[tilespmem:s28+$0xF180] =	vst.add.f32.msk $0xffff, v3  }
0x493: {  	v6 =	vld [tilespmem:s31+$0x180]  }
0x494: {  	[tilespmem:s29+$0xF180] =	vst.add.f32.msk $0xffff, v4  }
0x495: {  	s8 =	sor.u32 $0x450, s14;
	s7 =	sor.u32 $0x450, s6;
	[tilespmem:s30+$0xF180] =	vst.add.f32.msk $0xffff, v5  }
0x496: {  	s4 =	sor.u32 $0x460, s6;
	s5 =	simm.s32 $0x200;
	s22 =	sor.u32 $0x460, s14;
	v4 =	vld [tilespmem:s7+$0x180]  }
0x497: {  	s23 =	sor.u32 $0x470, s0;
	s11 =	sor.u32 $0x470, s14;
	s26 =	simm.s32 $0x0;
	v3 =	vld [tilespmem:s8+$0x180]  }
0x498: {  	s25 =	sor.u32 $0x460, s0;
	s24 =	sor.u32 $0x470, s6;
	s6 =	simm.s32 $0x400;
	[tilespmem:s31+$0xF180] =	vst.add.f32.msk $0xffff, v6  }
.LBB2_8:
0x499: {  	s0 =	sand.u32 $0x7800, s6;
	s1 =	sand.u32 $0x200, s5  }
0x49a: {  	s29 =	sor.u32 s1, s0  }
0x49b: {  	v5 =	vld [tilespmem:s29+$0x320]  }
0x49c: {  	v6 =	vld [tilespmem:s29+$0x330]  }
0x49d: {  	v7 =	vld [tilespmem:s29+$0x340]  }
0x49e: {  	v8 =	vld [tilespmem:s29+$0x350]  }
0x49f: {  	v9 =	vld [tilespmem:s29+$0x360]  }
0x4a0: {  	v10 =	vld [tilespmem:s29+$0x370]  }
0x4a1: {  	v60 =	vld [tilespmem:s29+$0x1C0]  }
0x4a2: {  	v61 =	vld [tilespmem:s29+$0x1D0]  }
0x4a3: {  	v62 =	vld [tilespmem:s29+$0x1E0]  }
0x4a4: {  	v11 =	vld [tilespmem:s29+$0x1F0]  }
0x4a5: {  	[tilespmem:s8+$0xF180] =	vst.add.f32.msk $0xffff, v3  }
0x4a6: {  	[tilespmem:s7+$0xF180] =	vst.add.f32.msk $0xffff, v4  }
0x4a7: {  	v3 =	vld [tilespmem:s29+$0x300]  }
0x4a8: {  	v4 =	vld [tilespmem:s29+$0x310]  }
0x4a9: {  	v12 =	vld [tilespmem:s29+$0x200]  }
0x4aa: {  	v13 =	vld [tilespmem:s29+$0x210]  }
0x4ab: {  	v14 =	vld [tilespmem:s29+$0x220]  }
0x4ac: {  	v15 =	vld [tilespmem:s29+$0x230]  }
0x4ad: {  	v16 =	vld [tilespmem:s29+$0x240]  }
0x4ae: {  	v17 =	vld [tilespmem:s29+$0x250]  }
0x4af: {  	v18 =	vld [tilespmem:s29+$0x260]  }
0x4b0: {  	v19 =	vld [tilespmem:s29+$0x270]  }
0x4b1: {  	v20 =	vld [tilespmem:s29+$0x280]  }
0x4b2: {  	v21 =	vld [tilespmem:s29+$0x290]  }
0x4b3: {  	v22 =	vld [tilespmem:s29+$0x2A0]  }
0x4b4: {  	v23 =	vld [tilespmem:s29+$0x2B0]  }
0x4b5: {  	v24 =	vld [tilespmem:s29+$0x2C0]  }
0x4b6: {  	v25 =	vld [tilespmem:s29+$0x2D0]  }
0x4b7: {  	v26 =	vld [tilespmem:s29+$0x2E0]  }
0x4b8: {  	v27 =	vld [tilespmem:s29+$0x2F0]  }
0x4b9: {  	[tilespmem:s29+$0xF320] =	vst.add.f32.msk $0xffff, v5  }
0x4ba: {  	[tilespmem:s29+$0xF330] =	vst.add.f32.msk $0xffff, v6  }
0x4bb: {  	[tilespmem:s29+$0xF340] =	vst.add.f32.msk $0xffff, v7  }
0x4bc: {  	[tilespmem:s29+$0xF350] =	vst.add.f32.msk $0xffff, v8  }
0x4bd: {  	[tilespmem:s29+$0xF360] =	vst.add.f32.msk $0xffff, v9  }
0x4be: {  	[tilespmem:s29+$0xF370] =	vst.add.f32.msk $0xffff, v10  }
0x4bf: {  	v5 =	vld [tilespmem:s29+$0x190]  }
0x4c0: {  	v6 =	vld [tilespmem:s29+$0x1A0]  }
0x4c1: {  	p0 =	por !p0, !p0;
	s0 =	simm.s32 $0x1;
	v7 =	vld [tilespmem:s29+$0x1B0]  }
0x4c2: {  	s0 =	simm.s32 @!p0 $0x0;
	[tilespmem:s29+$0xF1C0] =	vst.add.f32.msk $0xffff, v60  }
0x4c3: {  	s0 =	sshll.u32 s0, $0x9;
	[tilespmem:s29+$0xF1D0] =	vst.add.f32.msk $0xffff, v61  }
0x4c4: {  	s18 =	sadd.s32 s0, s6;
	[tilespmem:s29+$0xF1E0] =	vst.add.f32.msk $0xffff, v62  }
0x4c5: {  	s30 =	sadd.s32 $0x180, s18;
	[tilespmem:s29+$0xF300] =	vst.add.f32.msk $0xffff, v3  }
0x4c6: {  	s10 =	sor.u32 $0x400, s30;
	[tilespmem:s29+$0xF310] =	vst.add.f32.msk $0xffff, v4  }
0x4c7: {  	v3 =	vld [tilespmem:s10+$0x180]  }
0x4c8: {  	[tilespmem:s29+$0xF1F0] =	vst.add.f32.msk $0xffff, v11  }
0x4c9: {  	v4 =	vld [tilespmem:s29+$0x180]  }
0x4ca: {  	[tilespmem:s29+$0xF200] =	vst.add.f32.msk $0xffff, v12  }
0x4cb: {  	[tilespmem:s29+$0xF210] =	vst.add.f32.msk $0xffff, v13  }
0x4cc: {  	[tilespmem:s10+$0xF180] =	vst.add.f32.msk $0xffff, v3;
	s10 =	sor.u32 $0x410, s30  }
0x4cd: {  	v3 =	vld [tilespmem:s10+$0x180]  }
0x4ce: {  	[tilespmem:s29+$0xF220] =	vst.add.f32.msk $0xffff, v14  }
0x4cf: {  	[tilespmem:s29+$0xF230] =	vst.add.f32.msk $0xffff, v15  }
0x4d0: {  	[tilespmem:s29+$0xF240] =	vst.add.f32.msk $0xffff, v16  }
0x4d1: {  	[tilespmem:s29+$0xF250] =	vst.add.f32.msk $0xffff, v17  }
0x4d2: {  	[tilespmem:s10+$0xF180] =	vst.add.f32.msk $0xffff, v3;
	s10 =	sor.u32 $0x420, s30  }
0x4d3: {  	v3 =	vld [tilespmem:s10+$0x180]  }
0x4d4: {  	s12 =	sadd.s32 $0x80, s18;
	s1 =	sor.u32 $0x450, s18;
	[tilespmem:s29+$0xF260] =	vst.add.f32.msk $0xffff, v18  }
0x4d5: {  	[dreg:$0x8] =	wrdreg s1;
	s1 =	sor.u32 $0x460, s12;
	[tilespmem:s29+$0xF270] =	vst.add.f32.msk $0xffff, v19  }
0x4d6: {  	s9 =	sadd.s32 $0x100, s18;
	[dreg:$0x18] =	wrdreg s1;
	s1 =	sor.u32 $0x460, s18;
	[tilespmem:s29+$0xF280] =	vst.add.f32.msk $0xffff, v20  }
0x4d7: {  	[smem:$0x7F2] =	sst s1;
	s1 =	sor.u32 $0x460, s9;
	[tilespmem:s29+$0xF290] =	vst.add.f32.msk $0xffff, v21  }
0x4d8: {  	[dreg:$0x1c] =	wrdreg s1;
	s1 =	sor.u32 $0x430, s30;
	[tilespmem:s10+$0xF180] =	vst.add.f32.msk $0xffff, v3  }
0x4d9: {  	v3 =	vld [tilespmem:s1+$0x180]  }
0x4da: {  	[tilespmem:s29+$0xF2A0] =	vst.add.f32.msk $0xffff, v22  }
0x4db: {  	[tilespmem:s29+$0xF2B0] =	vst.add.f32.msk $0xffff, v23  }
0x4dc: {  	[tilespmem:s29+$0xF2C0] =	vst.add.f32.msk $0xffff, v24  }
0x4dd: {  	[tilespmem:s29+$0xF2D0] =	vst.add.f32.msk $0xffff, v25  }
0x4de: {  	s10 =	sor.u32 $0x440, s30;
	[tilespmem:s1+$0xF180] =	vst.add.f32.msk $0xffff, v3  }
0x4df: {  	v3 =	vld [tilespmem:s10+$0x180]  }
0x4e0: {  	[tilespmem:s29+$0xF2E0] =	vst.add.f32.msk $0xffff, v26  }
0x4e1: {  	[tilespmem:s29+$0xF2F0] =	vst.add.f32.msk $0xffff, v27  }
0x4e2: {  	[tilespmem:s29+$0xF190] =	vst.add.f32.msk $0xffff, v5  }
0x4e3: {  	[tilespmem:s29+$0xF1A0] =	vst.add.f32.msk $0xffff, v6  }
0x4e4: {  	s1 =	sor.u32 $0x450, s30;
	[tilespmem:s10+$0xF180] =	vst.add.f32.msk $0xffff, v3  }
0x4e5: {  	v3 =	vld [tilespmem:s1+$0x180]  }
0x4e6: {  	s20 =	sor.u32 $0x400, s9;
	[tilespmem:s29+$0xF1B0] =	vst.add.f32.msk $0xffff, v7  }
0x4e7: {  	v5 =	vld [tilespmem:s20+$0x180]  }
0x4e8: {  	v7 =	vld [tilespmem:s22+$0x180]  }
0x4e9: {  	[tilespmem:s29+$0xF180] =	vst.add.f32.msk $0xffff, v4  }
0x4ea: {  	s10 =	sor.u32 $0x460, s30;
	[tilespmem:s1+$0xF180] =	vst.add.f32.msk $0xffff, v3  }
0x4eb: {  	s3 =	sor.u32 $0x400, s12;
	v3 =	vld [tilespmem:s10+$0x180]  }
0x4ec: {  	v4 =	vld [tilespmem:s3+$0x180]  }
0x4ed: {  	v6 =	vld [tilespmem:s25+$0x180]  }
0x4ee: {  	s31 =	sor.u32 $0x410, s9;
	[tilespmem:s20+$0xF180] =	vst.add.f32.msk $0xffff, v5  }
0x4ef: {  	v5 =	vld [tilespmem:s31+$0x180]  }
0x4f0: {  	s1 =	sor.u32 $0x470, s30;
	[tilespmem:s10+$0xF180] =	vst.add.f32.msk $0xffff, v3  }
0x4f1: {  	v3 =	vld [tilespmem:s1+$0x180]  }
0x4f2: {  	v63 =	vld [tilespmem:s4+$0x180]  }
0x4f3: {  	s2 =	sor.u32 $0x410, s12;
	[tilespmem:s3+$0xF180] =	vst.add.f32.msk $0xffff, v4  }
0x4f4: {  	v4 =	vld [tilespmem:s2+$0x180]  }
0x4f5: {  	[tilespmem:s31+$0xF180] =	vst.add.f32.msk $0xffff, v5  }
0x4f6: {  	s21 =	sor.u32 $0x400, s18;
	[tilespmem:s1+$0xF180] =	vst.add.f32.msk $0xffff, v3  }
0x4f7: {  	s17 =	sor.u32 $0x420, s9;
	v3 =	vld [tilespmem:s21+$0x180]  }
0x4f8: {  	v5 =	vld [tilespmem:s17+$0x180]  }
0x4f9: {  	[tilespmem:s4+$0xF180] =	vst.add.f32.msk $0xffff, v63  }
0x4fa: {  	s19 =	sor.u32 $0x420, s12;
	[tilespmem:s2+$0xF180] =	vst.add.f32.msk $0xffff, v4  }
0x4fb: {  	v4 =	vld [tilespmem:s19+$0x180]  }
0x4fc: {  	s0 =	sor.u32 $0x410, s18;
	[tilespmem:s21+$0xF180] =	vst.add.f32.msk $0xffff, v3  }
0x4fd: {  	v3 =	vld [tilespmem:s0+$0x180]  }
0x4fe: {  	[tilespmem:s22+$0xF180] =	vst.add.f32.msk $0xffff, v7  }
0x4ff: {  	s16 =	sor.u32 $0x430, s9;
	[tilespmem:s17+$0xF180] =	vst.add.f32.msk $0xffff, v5  }
0x500: {  	v5 =	vld [tilespmem:s16+$0x180]  }
0x501: {  	[tilespmem:s25+$0xF180] =	vst.add.f32.msk $0xffff, v6  }
0x502: {  	s14 =	sor.u32 $0x420, s18;
	[tilespmem:s0+$0xF180] =	vst.add.f32.msk $0xffff, v3  }
0x503: {  	v3 =	vld [tilespmem:s14+$0x180]  }
0x504: {  	s28 =	sor.u32 $0x430, s12;
	[tilespmem:s19+$0xF180] =	vst.add.f32.msk $0xffff, v4  }
0x505: {  	v4 =	vld [tilespmem:s28+$0x180]  }
0x506: {  	v7 =	vld [tilespmem:s11+$0x180]  }
0x507: {  	s13 =	sor.u32 $0x440, s9;
	[tilespmem:s16+$0xF180] =	vst.add.f32.msk $0xffff, v5  }
0x508: {  	s15 =	sor.u32 $0x430, s18;
	[dreg:$0xc] =	wrdreg s13;
	[tilespmem:s14+$0xF180] =	vst.add.f32.msk $0xffff, v3  }
0x509: {  	s8 =	sor.u32 $0x440, s12;
	s29 =	rddreg [dreg:$0xc];
	v3 =	vld [tilespmem:s15+$0x180]  }
0x50a: {  	[dreg:$0x10] =	wrdreg s8;
	v5 =	vld [tilespmem:s29+$0x180]  }
0x50b: {  	[tilespmem:s28+$0xF180] =	vst.add.f32.msk $0xffff, v4;
	s28 =	rddreg [dreg:$0x10]  }
0x50c: {  	v4 =	vld [tilespmem:s28+$0x180]  }
0x50d: {  	v6 =	vld [tilespmem:s23+$0x180]  }
0x50e: {  	s13 =	sor.u32 $0x440, s18;
	[tilespmem:s15+$0xF180] =	vst.add.f32.msk $0xffff, v3  }
0x50f: {  	v3 =	vld [tilespmem:s13+$0x180]  }
0x510: {  	v8 =	vld [tilespmem:s24+$0x180]  }
0x511: {  	[tilespmem:s29+$0xF180] =	vst.add.f32.msk $0xffff, v5  }
0x512: {  	[tilespmem:s28+$0xF180] =	vst.add.f32.msk $0xffff, v4  }
0x513: {  	s26 =	sadd.s32 $0x4, s26;
	[tilespmem:s23+$0xF180] =	vst.add.f32.msk $0xffff, v6  }
0x514: {  	s5 =	sadd.s32 $0x200, s5;
	s18 =	sor.u32 $0x470, s18;
	s31 =	rddreg [dreg:$0x8];
	[tilespmem:s13+$0xF180] =	vst.add.f32.msk $0xffff, v3  }
0x515: {  	p1 =	slt.u32 s26, $0x4C;
	s7 =	sor.u32 $0x450, s9;
	[dreg:$0x14] =	wrdreg s18;
	v5 =	vld [tilespmem:s31+$0x180]  }
.Ltmp3:
0x516: {  	s6 =	sadd.s32 $0x400, s6;
	v4 =	vld [tilespmem:s7+$0x180];
	s10 =	sld [smem:$0x7F2];
	(pc) =	sbr.rel @p1 .LBB2_8-.Ltmp3, $4  }
0x517: {  	s8 =	sor.u32 $0x450, s12;
	s12 =	sor.u32 $0x470, s12;
	s20 =	rddreg [dreg:$0x18];
	[tilespmem:s24+$0xF180] =	vst.add.f32.msk $0xffff, v8  }
0x518: {  	s18 =	sor.u32 $0x470, s9;
	s22 =	smov.u32 s20;
	s30 =	rddreg [dreg:$0x14];
	v3 =	vld [tilespmem:s8+$0x180]  }
0x519: {  	s24 =	smov.u32 s18;
	s21 =	rddreg [dreg:$0x1c];
	s25 =	smov.u32 s10;
	[tilespmem:s11+$0xF180] =	vst.add.f32.msk $0xffff, v7  }
0x51a: {  	s4 =	smov.u32 s21;
	s23 =	smov.u32 s30;
	s11 =	smov.u32 s12;
	[tilespmem:s31+$0xF180] =	vst.add.f32.msk $0xffff, v5  }
0x51b: {  	[tilespmem:s7+$0xF180] =	vst.add.f32.msk $0xffff, v4  }
0x51c: {  	v5 =	vld [tilespmem:s4+$0x180]  }
0x51d: {  	[tilespmem:s8+$0xF180] =	vst.add.f32.msk $0xffff, v3  }
0x51e: {  	v3 =	vld [tilespmem:s25+$0x180];
	_ =	sdelay $0x1  }
0x51f: {  	v63 =	vld [tilespmem:s22+$0x180];
	_ =	sdelay $0x1  }
0x520: {  	[tilespmem:s4+$0xF180] =	vst.add.f32.msk $0xffff, v5  }
0x521: {  	[tilespmem:s25+$0xF180] =	vst.add.f32.msk $0xffff, v3  }
0x522: {  	v5 =	vld [tilespmem:s24+$0x180]  }
0x523: {  	[tilespmem:s22+$0xF180] =	vst.add.f32.msk $0xffff, v63  }
0x524: {  	v3 =	vld [tilespmem:s23+$0x180]  }
0x525: {  	v4 =	vld [tilespmem:s11+$0x180];
	_ =	sdelay $0x2  }
0x526: {  	[tilespmem:s24+$0xF180] =	vst.add.f32.msk $0xffff, v5  }
0x527: {  	[tilespmem:s23+$0xF180] =	vst.add.f32.msk $0xffff, v3  }
0x528: {  	[tilespmem:s11+$0xF180] =	vst.add.f32.msk $0xffff, v4  }
0x529: {  	s0 =	sld [smem:$0x7FC];
	_ =	sdelay $0x1  }
0x52a: {  	s7 =	simm.s32 $0x0;
	s1 =	simm.s32 $0xF180;
	s29 =	simm.s32 $0x7  }
0x52b: {  	[hbm4b:s0+s7] =	stream.linear.scatter [tilespmem:s1], [sflag:$0x7], $0x5000, $0x38;
	[tilespmem:$0x1E180] =	vst v63  }
0x52c: {  	_ =	swait.ge [sflag:s29], $0x5000  }
0x52d: {  	[sflag:s29] =	ssyncset.done $0x0  }
0x52e: {  	s30 =	simm.s32 $0x8;
	[sflag:s29] =	ssyncadd.s32 $0xFFFFB000  }
0x52f: {  	_ =	swait.ge [sflag:s30], $0x5000  }
0x530: {  	[sflag:s30] =	ssyncset.done $0x0  }
0x531: {  	s2 =	simm.s32 $0x9;
	[sflag:s30] =	ssyncadd.s32 $0xFFFFB000  }
0x532: {  	_ =	swait.ge [sflag:s2], $0x5000  }
0x533: {  	s3 =	sld [smem:$0x7F3]  }
0x534: {  	s31 =	sld [smem:$0x7FD];
	_ =	sdelay $0x1  }
0x535: {  	s3 =	sadd.s32 $0x1, s3  }
0x536: {  	p0 =	sne.s32 s3, s31  }
.Ltmp4:
0x537: {  	_ = 	snop;
	(pc) =	sbr.rel @p0 .LBB2_1-.Ltmp4, $3  }
0x538: {  	_ =	sdelay $0x1  }
0x539: {  	[sflag:s2] =	ssyncset.done $0x0  }
0x53a: {  	[sflag:s2] =	ssyncadd.s32 $0xFFFFB000  }
0x53b: {  	_ =	sfence.sel $0x180000  }
0x53c: {  	[bflag:$0x0] =	sbarrier.arrive $0xFFFF  }
0x53d: {  	_ =	strace $0x90000047  }
0x53e: {  	s0 =	stileid.u32;
	[bflag:$0x2] =	sbarrier.arrive $0xFFFF  }
0x53f: {  	p0 =	sne.s32 s0, $0x0;
	s0 =	rddreg [dreg:$0x4]  }
0x540: {  	s0 =	sadd.s32 @!p0 $0x100000, s0  }
0x541: {  	[sflag:s0] =	ssyncadd.tile.s32 @!p0 $0x1;
	_ =	shalt  }
.Lfunc_end2:
_tile_overlayer_lowered:
.L_overlay_start_2:
0x542: {  	(tag) =	ssettag $0x2  }
0x543: {  	s0 =	rddreg [dreg:$0x0];
	s2 =	stileid.u32  }
0x544: {  	s1 =	rddreg [dreg:$0x1];
	p0 =	sne.s32 s2, $0x0  }
0x545: {  	s3 =	rddreg [dreg:$0x2];
	[bflag:$0x3] =	sbarrier.arrive $0xFFFF;
	s2 =	simm.s32 @!p0 $0x1C0A  }
0x546: {  	[timem:s3], [sflag:s2] =	dma.local @!p0 [hbm:s0], s1  }
0x547: {  	s0 =	simm.s32 @!p0 $0xA  }
0x548: {  	_ =	swait.ge @!p0 [sflag:s0], s1  }
0x549: {  	s1 =	ssub.s32 @!p0 $0x0, s1;
	[sflag:s0] =	ssyncset.done @!p0 $0x0  }
0x54a: {  	[sflag:s0] =	ssyncadd.s32 @!p0 s1  }
0x54b: {  	[bflag:$0x3] =	sbarrier.arrive $0xFFFF  }
0x54c: {  	_ =	shalt  }

</sc_bundles>
